<compile_context>
chip_gen: v7x
topology: tpu7x:2x2x1
jax: 0.10.2.dev20260603
libtpu: 0.0.44.dev20260713+nightly
codegen_flags: <defaults>
</compile_context>

<pallas_src>
import functools

import jax
import jax.numpy as jnp
from jax import lax
from jax.experimental import pallas as pl
from jax.experimental.pallas import tpu as pltpu
from jax.experimental.pallas import tpu_sc as plsc

_EPS = 1e-5
_K1 = 16
_K2 = 12
_BQ = 256
_BLK = 512


def _dgt(a, b):
    return lax.dot_general(a, b, (((1,), (1,)), ((), ())),
                           preferred_element_type=jnp.float32)


def _stage1_body(x_ref, w_ref, g_ref, b_ref,
                 w1_ref, g1b_ref, b1b_ref,
                 w3_ref, g3b_ref, b3b_ref,
                 y_ref, ytp_ref, sq_ref, ptab_ref, qtab_ref):
    x = x_ref[0]
    w = w_ref[...]
    y = lax.dot_general(w, x, (((1,), (0,)), ((), ())),
                        preferred_element_type=jnp.float32)
    scale = g_ref[...] / jnp.sqrt(1.0 + _EPS)
    y = y * scale + b_ref[...]
    y = jnp.maximum(y, 0.0)
    y_ref[0] = y
    sq_ref[0] = jnp.sum(y * y, axis=0, keepdims=True)
    yt = y.T
    ytp_ref[0] = jnp.concatenate([yt, jnp.zeros_like(yt)], axis=1)
    w1 = w1_ref[...]
    w3 = w3_ref[...]
    w1a, w1d = w1[:, :8], w1[:, 8:] - w1[:, :8]
    w3a, w3d = w3[:, :8], w3[:, 8:] - w3[:, :8]
    s1 = g1b_ref[...] / jnp.sqrt(1.0 + _EPS)
    s3 = g3b_ref[...] / jnp.sqrt(1.0 + _EPS)
    p1 = _dgt(yt, w1a) * s1
    p3 = _dgt(yt, w3a) * s3
    ptab_ref[0] = jnp.concatenate([p1, p3], axis=1)
    q1 = _dgt(yt, w1d) * s1 + b1b_ref[...]
    q3 = _dgt(yt, w3d) * s3 + b3b_ref[...]
    qtab_ref[0] = jnp.concatenate([q1, q3], axis=1)


def _knn_body(base, ytp_ref, y_ref, sq_ref, idx_ref):
    n = y_ref.shape[2]
    yq = ytp_ref[0][:, :8]
    yk = y_ref[0]
    sqk = sq_ref[0]
    d = 2.0 * lax.dot_general(yq, yk, (((1,), (0,)), ((), ())),
                              preferred_element_type=jnp.float32)
    d = d - sqk
    niota = (float(n)
             - lax.broadcasted_iota(jnp.int32, d.shape, 1).astype(jnp.float32))
    cols = []
    for _ in range(_K1):
        m = jnp.max(d, axis=1, keepdims=True)
        c = jnp.where(d == m, niota, 0.0)
        mx = jnp.max(c, axis=1, keepdims=True)
        cols.append(mx)
        d = jnp.where(niota == mx, -jnp.inf, d)
    idxf = float(n) - jnp.concatenate(cols, axis=1)
    idx_ref[...] = idxf.astype(jnp.int32) + base


def _branch(n1, q1, blk, w2, g2, b2, wc, wp, gp, bp, kmax):
    s2 = g2 / jnp.sqrt(1.0 + _EPS)
    sp = gp / jnp.sqrt(1.0 + _EPS)
    h1 = jnp.maximum(n1.reshape(blk, _K1, 64) + q1[:, None, :], 0.0)
    h1 = h1.reshape(blk * _K1, 64)
    h2 = jnp.maximum(_dgt(h1, w2) * s2 + b2, 0.0)
    s = jax.nn.sigmoid(_dgt(h2, wc))
    ps = (h2 * s).reshape(blk, _K1, 128)
    if kmax < _K1:
        slot = lax.broadcasted_iota(jnp.int32, ps.shape, 1)
        ps = jnp.where(slot < kmax, ps, 0.0)
    pooled = jnp.sum(ps, axis=1)
    return jnp.maximum(_dgt(pooled, wp) * sp + bp, 0.0)


def _fuse_body(g_ref, qtab_ref,
               w2_ref, s2_ref, b2_ref, wc1_ref, wp1_ref, sp1_ref, bp1_ref,
               w4_ref, s4_ref, b4_ref, wc2_ref, wp2_ref, sp2_ref, bp2_ref,
               wf_ref, sf_ref, bf_ref, *rest):
    out_ref = rest[-1]
    g = g_ref[...]
    q = qtab_ref[0]
    x1 = _branch(g[:, :64], q[:, :64], _BLK, w2_ref[...], s2_ref[...],
                 b2_ref[...], wc1_ref[...], wp1_ref[...], sp1_ref[...],
                 bp1_ref[...], _K1)
    x2 = _branch(g[:, 64:], q[:, 64:], _BLK, w4_ref[...], s4_ref[...],
                 b4_ref[...], wc2_ref[...], wp2_ref[...], sp2_ref[...],
                 bp2_ref[...], _K2)
    xcat = jnp.concatenate([x1, x2], axis=1)
    sf = sf_ref[...] / jnp.sqrt(1.0 + _EPS)
    out = jnp.maximum(_dgt(xcat, wf_ref[...]) * sf + bf_ref[...], 0.0)
    out_ref[0] = out.T


def _sc_gather(table, idx):
    m = idx.shape[0]
    nw = 32
    bpw = m // nw
    ch = 256
    nch = bpw // ch
    mesh = plsc.VectorSubcoreMesh(core_axis_name="c", subcore_axis_name="s")

    @functools.partial(
        pl.kernel, mesh=mesh,
        out_type=jax.ShapeDtypeStruct((m, 128), jnp.float32),
        scratch_types=[
            pltpu.VMEM((bpw,), jnp.int32),
            pltpu.VMEM((ch, 128), jnp.float32),
            pltpu.VMEM((ch, 128), jnp.float32),
            pltpu.SemaphoreType.DMA,
            pltpu.SemaphoreType.DMA,
        ],
    )
    def gather_k(table_hbm, idx_hbm, out_hbm, idx_v, rows_a, rows_b, sem_a,
                 sem_b):
        wid = lax.axis_index("s") * 2 + lax.axis_index("c")
        base = wid * bpw
        pltpu.sync_copy(idx_hbm.at[pl.ds(base, bpw)], idx_v)
        bufs = (rows_a, rows_b)
        sems = (sem_a, sem_b)
        cps = [None, None]
        for c in range(nch):
            p = c % 2
            cps[p] = pltpu.async_copy(
                table_hbm.at[idx_v.at[pl.ds(c * ch, ch)]], bufs[p], sems[p])
            if c > 0:
                q = 1 - p
                cps[q].wait()
                pltpu.sync_copy(bufs[q],
                                out_hbm.at[pl.ds(base + (c - 1) * ch, ch)])
        p = (nch - 1) % 2
        cps[p].wait()
        pltpu.sync_copy(bufs[p], out_hbm.at[pl.ds(base + (nch - 1) * ch, ch)])

    return gather_k(table, idx)


def kernel(x, params):
    p = params
    bsz, _, n = x.shape

    def rs(v):
        return v.reshape(1, -1)

    g1 = p['liner_g'].reshape(8, 1)
    b1 = p['liner_b'].reshape(8, 1)
    y, ytp, sq, ptab, qtab = pl.pallas_call(
        _stage1_body,
        grid=(bsz,),
        in_specs=[
            pl.BlockSpec((1, 3, n), lambda b: (b, 0, 0)),
            pl.BlockSpec((8, 3), lambda b: (0, 0)),
            pl.BlockSpec((8, 1), lambda b: (0, 0)),
            pl.BlockSpec((8, 1), lambda b: (0, 0)),
            pl.BlockSpec((64, 16), lambda b: (0, 0)),
            pl.BlockSpec((1, 64), lambda b: (0, 0)),
            pl.BlockSpec((1, 64), lambda b: (0, 0)),
            pl.BlockSpec((64, 16), lambda b: (0, 0)),
            pl.BlockSpec((1, 64), lambda b: (0, 0)),
            pl.BlockSpec((1, 64), lambda b: (0, 0)),
        ],
        out_specs=[
            pl.BlockSpec((1, 8, n), lambda b: (b, 0, 0)),
            pl.BlockSpec((1, n, 16), lambda b: (b, 0, 0)),
            pl.BlockSpec((1, 1, n), lambda b: (b, 0, 0)),
            pl.BlockSpec((1, n, 128), lambda b: (b, 0, 0)),
            pl.BlockSpec((1, n, 128), lambda b: (b, 0, 0)),
        ],
        out_shape=[
            jax.ShapeDtypeStruct((bsz, 8, n), jnp.float32),
            jax.ShapeDtypeStruct((bsz, n, 16), jnp.float32),
            jax.ShapeDtypeStruct((bsz, 1, n), jnp.float32),
            jax.ShapeDtypeStruct((bsz, n, 128), jnp.float32),
            jax.ShapeDtypeStruct((bsz, n, 128), jnp.float32),
        ],
    )(x, p['liner_W'], g1, b1,
      p['conv1_W'], rs(p['bn1_g']), rs(p['bn1_b']),
      p['conv3_W'], rs(p['bn3_g']), rs(p['bn3_b']))

    def wspec(shape):
        return pl.BlockSpec(shape, lambda q: tuple(0 for _ in shape))

    table = ptab.reshape(bsz * n, 128)
    acc = None
    for b in range(bsz):
        idx_b = pl.pallas_call(
            functools.partial(_knn_body, b * n),
            grid=(n // _BQ,),
            in_specs=[
                pl.BlockSpec((1, _BQ, 16), lambda q, b=b: (b, q, 0)),
                pl.BlockSpec((1, 8, n), lambda q, b=b: (b, 0, 0)),
                pl.BlockSpec((1, 1, n), lambda q, b=b: (b, 0, 0)),
            ],
            out_specs=pl.BlockSpec((_BQ, _K1), lambda q: (q, 0)),
            out_shape=jax.ShapeDtypeStruct((n, _K1), jnp.int32),
        )(ytp, y, sq)

        gathered = _sc_gather(table, idx_b.reshape(n * _K1))

        in_specs = [
            pl.BlockSpec((_BLK * _K1, 128), lambda q: (q, 0)),
            pl.BlockSpec((1, _BLK, 128), lambda q, b=b: (b, q, 0)),
            wspec((128, 64)), wspec((1, 128)), wspec((1, 128)),
            wspec((128, 128)), wspec((256, 128)), wspec((1, 256)),
            wspec((1, 256)),
            wspec((128, 64)), wspec((1, 128)), wspec((1, 128)),
            wspec((128, 128)), wspec((256, 128)), wspec((1, 256)),
            wspec((1, 256)),
            wspec((512, 512)), wspec((1, 512)), wspec((1, 512)),
        ]
        args = [gathered, qtab,
                p['conv2_W'], rs(p['bn2_g']), rs(p['bn2_b']),
                p['att1_Wc'], p['att1_W2'], rs(p['att1_g']), rs(p['att1_b']),
                p['conv4_W'], rs(p['bn4_g']), rs(p['bn4_b']),
                p['att2_Wc'], p['att2_W2'], rs(p['att2_g']), rs(p['att2_b']),
                p['conv_W'], rs(p['bn_g']), rs(p['bn_b'])]
        aliases = {}
        if b > 0:
            in_specs.append(pl.BlockSpec((1, 8, _BLK), lambda q: (0, 0, q)))
            args.append(acc)
            aliases = {len(in_specs) - 1: 0}
        acc = pl.pallas_call(
            _fuse_body,
            grid=(n // _BLK,),
            in_specs=in_specs,
            out_specs=pl.BlockSpec((1, 512, _BLK), lambda q, b=b: (b, 0, q)),
            out_shape=jax.ShapeDtypeStruct((bsz, 512, n), jnp.float32),
            input_output_aliases=aliases,
        )(*args)
    return acc

# --- scband reference (transcript-rebuilt; emitter-appended) ---
"""Pipeline reference for scband-multi-con-47931835023372 (READ-ONLY COPY).

The authoritative reference and input builder live on the scoring server;
editing this copy changes nothing except your own understanding.
"""

import jax, jax.numpy as jnp
import numpy as np

_EPS = 1e-5

def _bn(x, gamma, beta, axis):
    # inference-mode BatchNorm with running_mean=0, running_var=1
    shape = [1] * x.ndim
    shape[axis] = -1
    scale = (gamma / jnp.sqrt(1.0 + _EPS)).reshape(shape)
    bias = beta.reshape(shape)
    return x * scale + bias

def _knn(x, k):
    # x: [B, C, N]
    inner = -2.0 * jnp.einsum('bcn,bcm->bnm', x, x)
    xx = jnp.sum(x * x, axis=1)  # [B, N]
    pairwise = -xx[:, :, None] - inner - xx[:, None, :]
    idx = jax.lax.top_k(pairwise, k)[1]  # [B, N, k]
    return idx

def _graph_feature(x, k):
    # x: [B, C, N] -> [B, 2C, N, k]
    idx = _knn(x, k)
    xt = jnp.transpose(x, (0, 2, 1))  # [B, N, C]
    feat = jax.vmap(lambda xb, ib: xb[ib])(xt, idx)  # [B, N, k, C]
    xe = jnp.broadcast_to(xt[:, :, None, :], feat.shape)
    out = jnp.concatenate([feat - xe, xe], axis=3)  # [B, N, k, 2C]
    return jnp.transpose(out, (0, 3, 1, 2))

def _conv1d(x, W):
    # x: [B, C, N], W: [O, C] (kernel_size=1, bias=False)
    return jnp.einsum('oc,bcn->bon', W, x)

def _conv2d(x, W):
    # x: [B, C, N, K], W: [O, C] (1x1, bias=False)
    return jnp.einsum('oc,bcnk->bonk', W, x)

def _att_pool(x, Wc, W2, g, b):
    s = jax.nn.sigmoid(_conv2d(x, Wc))
    x = jnp.sum(x * s, axis=-1)  # [B, C, N]
    x = _conv1d(x, W2)
    return jax.nn.relu(_bn(x, g, b, 1))

def _forward(x, p):
    x = jax.nn.relu(_bn(_conv1d(x, p['liner_W']), p['liner_g'], p['liner_b'], 1))  # [B,8,N]
    x1 = _graph_feature(x, 16)  # [B,16,N,16]
    x1 = jax.nn.relu(_bn(_conv2d(x1, p['conv1_W']), p['bn1_g'], p['bn1_b'], 1))
    x1 = jax.nn.relu(_bn(_conv2d(x1, p['conv2_W']), p['bn2_g'], p['bn2_b'], 1))
    x1 = _att_pool(x1, p['att1_Wc'], p['att1_W2'], p['att1_g'], p['att1_b'])  # [B,256,N]
    x2 = _graph_feature(x, 12)
    x2 = jax.nn.relu(_bn(_conv2d(x2, p['conv3_W']), p['bn3_g'], p['bn3_b'], 1))
    x2 = jax.nn.relu(_bn(_conv2d(x2, p['conv4_W']), p['bn4_g'], p['bn4_b'], 1))
    x2 = _att_pool(x2, p['att2_Wc'], p['att2_W2'], p['att2_g'], p['att2_b'])  # [B,256,N]
    x = jax.nn.relu(jnp.concatenate([x1, x2], axis=1))  # [B,512,N]
    x = jax.nn.relu(_bn(_conv1d(x, p['conv_W']), p['bn_g'], p['bn_b'], 1))  # [B,512,N]
    return x

def setup_inputs(seed: int = 0) -> dict:
    key = jax.random.key(seed)
    ks = jax.random.split(key, 16)
    B, N = 2, 4096
    emb_dims = 512
    x = jax.random.normal(ks[0], (B, 3, N), dtype=jnp.float32)
    def w(k, o, i):
        return jax.random.normal(k, (o, i), dtype=jnp.float32) * (1.0 / np.sqrt(i))
    params = {
        'liner_W': w(ks[1], 8, 3), 'liner_g': jnp.ones((8,), jnp.float32), 'liner_b': jnp.zeros((8,), jnp.float32),
        'conv1_W': w(ks[2], 64, 16), 'bn1_g': jnp.ones((64,), jnp.float32), 'bn1_b': jnp.zeros((64,), jnp.float32),
        'conv2_W': w(ks[3], 128, 64), 'bn2_g': jnp.ones((128,), jnp.float32), 'bn2_b': jnp.zeros((128,), jnp.float32),
        'conv3_W': w(ks[4], 64, 16), 'bn3_g': jnp.ones((64,), jnp.float32), 'bn3_b': jnp.zeros((64,), jnp.float32),
        'conv4_W': w(ks[5], 128, 64), 'bn4_g': jnp.ones((128,), jnp.float32), 'bn4_b': jnp.zeros((128,), jnp.float32),
        'att1_Wc': w(ks[6], 128, 128), 'att1_W2': w(ks[7], 256, 128),
        'att1_g': jnp.ones((256,), jnp.float32), 'att1_b': jnp.zeros((256,), jnp.float32),
        'att2_Wc': w(ks[8], 128, 128), 'att2_W2': w(ks[9], 256, 128),
        'att2_g': jnp.ones((256,), jnp.float32), 'att2_b': jnp.zeros((256,), jnp.float32),
        'conv_W': w(ks[10], emb_dims, 512), 'bn_g': jnp.ones((emb_dims,), jnp.float32), 'bn_b': jnp.zeros((emb_dims,), jnp.float32),
    }
    return {'x': x, 'params': params}

def reference(x, params):
    return _forward(x, params)

if __name__ == "__main__":
    import jax
    _d = setup_inputs()
    print(jax.jit(kernel)(*tuple(_d.values())))

</pallas_src>

<mosaic_0001>
#map = affine_map<(d0, d1) -> (0, 0)>
#map1 = affine_map<(d0, d1) -> (0)>
module attributes {stable_mosaic.version = 14 : i64} {
  func.func @gather_k(%arg0: i32, %arg1: i32, %arg2: memref<8192x128xf32, #tpu.memory_space<hbm>>, %arg3: memref<65536xi32, #tpu.memory_space<hbm>>, %arg4: memref<65536x128xf32, #tpu.memory_space<hbm>>, %arg5: memref<2048xi32, #tpu.memory_space<vmem>>, %arg6: memref<256x128xf32, #tpu.memory_space<vmem>>, %arg7: memref<256x128xf32, #tpu.memory_space<vmem>>, %arg8: memref<!tpu.dma_semaphore, #tpu.memory_space<semaphore_mem>>, %arg9: memref<!tpu.dma_semaphore, #tpu.memory_space<semaphore_mem>>) attributes {dimension_semantics = [#tpu.dimension_semantics<core_parallel>, #tpu.dimension_semantics<subcore_parallel>], iteration_bounds = array<i64: 2, 16>, scalar_prefetch = 0 : i64, scratch_operands = 5 : i64, tpu.core_type = #tpu.core_type<sc_vector_subcore>, window_params = [{transform_indices = #map}, {transform_indices = #map1}, {transform_indices = #map}]} {
    %mul3A = arith.constant 2 : i32
    %mul3A_0 = arith.muli %arg1, %mul3A : i32
    %add3A = arith.addi %mul3A_0, %arg0 : i32
    %mul3A_1 = arith.constant 2048 : i32
    %mul3A_2 = arith.muli %add3A, %mul3A_1 : i32
    "tpu.region"() ({
      %run_scoped3A = tpu.sem_alloc : memref<!tpu.dma_semaphore, #tpu.memory_space<semaphore_mem>>
      %dma_start3A_97 = tpu.memref_slice %arg3[%mul3A_2] : memref<65536xi32, #tpu.memory_space<hbm>> -> memref<2048xi32, #tpu.memory_space<hbm>>
      %dma_start3A_98 = tpu.memref_slice %arg3[%mul3A_2] : memref<65536xi32, #tpu.memory_space<hbm>> -> memref<2048xi32, #tpu.memory_space<hbm>>
      tpu.enqueue_dma source(%dma_start3A_98 : memref<2048xi32, #tpu.memory_space<hbm>>) target(%arg5 : memref<2048xi32, #tpu.memory_space<vmem>>) target_semaphore(%run_scoped3A : memref<!tpu.dma_semaphore, #tpu.memory_space<semaphore_mem>>)
      %dma_wait3A_99 = tpu.memref_slice %arg3[%mul3A_2] : memref<65536xi32, #tpu.memory_space<hbm>> -> memref<2048xi32, #tpu.memory_space<hbm>>
      %dma_wait3A_100 = tpu.memref_slice %arg3[%mul3A_2] : memref<65536xi32, #tpu.memory_space<hbm>> -> memref<2048xi32, #tpu.memory_space<hbm>>
      tpu.wait_dma2 semaphore(%run_scoped3A : memref<!tpu.dma_semaphore, #tpu.memory_space<semaphore_mem>>) src(%dma_wait3A_100 : memref<2048xi32, #tpu.memory_space<hbm>>) dst(%arg5 : memref<2048xi32, #tpu.memory_space<vmem>>)
      tpu.yield
    }) : () -> ()
    %dma_start3A = arith.constant 0 : i32
    %dma_start3A_3 = tpu.memref_slice %arg5[%dma_start3A] : memref<2048xi32, #tpu.memory_space<vmem>> -> memref<256xi32, #tpu.memory_space<vmem>>
    %dma_start3A_4 = arith.constant 0 : i32
    %dma_start3A_5 = arith.constant 0 : i32
    %dma_start3A_6 = tpu.memref_slice %arg2[%dma_start3A_4, %dma_start3A_5] : memref<8192x128xf32, #tpu.memory_space<hbm>> -> memref<8192x128xf32, #tpu.memory_space<hbm>>
    tpu.enqueue_indirect_dma source(%dma_start3A_6 : memref<8192x128xf32, #tpu.memory_space<hbm>>) target(%arg6 : memref<256x128xf32, #tpu.memory_space<vmem>>) offsets(%dma_start3A_3 : memref<256xi32, #tpu.memory_space<vmem>>) semaphore(%arg8 : memref<!tpu.dma_semaphore, #tpu.memory_space<semaphore_mem>>)
    %dma_start3A_7 = arith.constant 256 : i32
    %dma_start3A_8 = tpu.memref_slice %arg5[%dma_start3A_7] : memref<2048xi32, #tpu.memory_space<vmem>> -> memref<256xi32, #tpu.memory_space<vmem>>
    %dma_start3A_9 = arith.constant 0 : i32
    %dma_start3A_10 = arith.constant 0 : i32
    %dma_start3A_11 = tpu.memref_slice %arg2[%dma_start3A_9, %dma_start3A_10] : memref<8192x128xf32, #tpu.memory_space<hbm>> -> memref<8192x128xf32, #tpu.memory_space<hbm>>
    tpu.enqueue_indirect_dma source(%dma_start3A_11 : memref<8192x128xf32, #tpu.memory_space<hbm>>) target(%arg7 : memref<256x128xf32, #tpu.memory_space<vmem>>) offsets(%dma_start3A_8 : memref<256xi32, #tpu.memory_space<vmem>>) semaphore(%arg9 : memref<!tpu.dma_semaphore, #tpu.memory_space<semaphore_mem>>)
    %dma_wait3A = arith.constant 0 : i32
    %dma_wait3A_12 = tpu.memref_slice %arg5[%dma_wait3A] : memref<2048xi32, #tpu.memory_space<vmem>> -> memref<256xi32, #tpu.memory_space<vmem>>
    %dma_wait3A_13 = arith.constant 0 : i32
    %dma_wait3A_14 = arith.constant 0 : i32
    %dma_wait3A_15 = tpu.memref_slice %arg2[%dma_wait3A_13, %dma_wait3A_14] : memref<8192x128xf32, #tpu.memory_space<hbm>> -> memref<8192x128xf32, #tpu.memory_space<hbm>>
    tpu.wait_indirect_dma semaphore(%arg8 : memref<!tpu.dma_semaphore, #tpu.memory_space<semaphore_mem>>) src(%dma_wait3A_15 : memref<8192x128xf32, #tpu.memory_space<hbm>>) dst(%arg6 : memref<256x128xf32, #tpu.memory_space<vmem>>)
    %add3A_16 = arith.constant 0 : i32
    %add3A_17 = arith.addi %mul3A_2, %add3A_16 : i32
    "tpu.region"() ({
      %run_scoped3A = tpu.sem_alloc : memref<!tpu.dma_semaphore, #tpu.memory_space<semaphore_mem>>
      %dma_start3A_97 = arith.constant 0 : i32
      %dma_start3A_98 = tpu.memref_slice %arg4[%add3A_17, %dma_start3A_97] : memref<65536x128xf32, #tpu.memory_space<hbm>> -> memref<256x128xf32, #tpu.memory_space<hbm>>
      %dma_start3A_99 = arith.constant 0 : i32
      %dma_start3A_100 = tpu.memref_slice %arg4[%add3A_17, %dma_start3A_99] : memref<65536x128xf32, #tpu.memory_space<hbm>> -> memref<256x128xf32, #tpu.memory_space<hbm>>
      tpu.enqueue_dma source(%arg6 : memref<256x128xf32, #tpu.memory_space<vmem>>) target(%dma_start3A_100 : memref<256x128xf32, #tpu.memory_space<hbm>>) target_semaphore(%run_scoped3A : memref<!tpu.dma_semaphore, #tpu.memory_space<semaphore_mem>>)
      %dma_wait3A_101 = arith.constant 0 : i32
      %dma_wait3A_102 = tpu.memref_slice %arg4[%add3A_17, %dma_wait3A_101] : memref<65536x128xf32, #tpu.memory_space<hbm>> -> memref<256x128xf32, #tpu.memory_space<hbm>>
      %dma_wait3A_103 = arith.constant 0 : i32
      %dma_wait3A_104 = tpu.memref_slice %arg4[%add3A_17, %dma_wait3A_103] : memref<65536x128xf32, #tpu.memory_space<hbm>> -> memref<256x128xf32, #tpu.memory_space<hbm>>
      tpu.wait_dma2 semaphore(%run_scoped3A : memref<!tpu.dma_semaphore, #tpu.memory_space<semaphore_mem>>) src(%arg6 : memref<256x128xf32, #tpu.memory_space<vmem>>) dst(%dma_wait3A_104 : memref<256x128xf32, #tpu.memory_space<hbm>>)
      tpu.yield
    }) : () -> ()
    %dma_start3A_18 = arith.constant 512 : i32
    %dma_start3A_19 = tpu.memref_slice %arg5[%dma_start3A_18] : memref<2048xi32, #tpu.memory_space<vmem>> -> memref<256xi32, #tpu.memory_space<vmem>>
    %dma_start3A_20 = arith.constant 0 : i32
    %dma_start3A_21 = arith.constant 0 : i32
    %dma_start3A_22 = tpu.memref_slice %arg2[%dma_start3A_20, %dma_start3A_21] : memref<8192x128xf32, #tpu.memory_space<hbm>> -> memref<8192x128xf32, #tpu.memory_space<hbm>>
    tpu.enqueue_indirect_dma source(%dma_start3A_22 : memref<8192x128xf32, #tpu.memory_space<hbm>>) target(%arg6 : memref<256x128xf32, #tpu.memory_space<vmem>>) offsets(%dma_start3A_19 : memref<256xi32, #tpu.memory_space<vmem>>) semaphore(%arg8 : memref<!tpu.dma_semaphore, #tpu.memory_space<semaphore_mem>>)
    %dma_wait3A_23 = arith.constant 256 : i32
    %dma_wait3A_24 = tpu.memref_slice %arg5[%dma_wait3A_23] : memref<2048xi32, #tpu.memory_space<vmem>> -> memref<256xi32, #tpu.memory_space<vmem>>
    %dma_wait3A_25 = arith.constant 0 : i32
    %dma_wait3A_26 = arith.constant 0 : i32
    %dma_wait3A_27 = tpu.memref_slice %arg2[%dma_wait3A_25, %dma_wait3A_26] : memref<8192x128xf32, #tpu.memory_space<hbm>> -> memref<8192x128xf32, #tpu.memory_space<hbm>>
    tpu.wait_indirect_dma semaphore(%arg9 : memref<!tpu.dma_semaphore, #tpu.memory_space<semaphore_mem>>) src(%dma_wait3A_27 : memref<8192x128xf32, #tpu.memory_space<hbm>>) dst(%arg7 : memref<256x128xf32, #tpu.memory_space<vmem>>)
    %add3A_28 = arith.constant 256 : i32
    %add3A_29 = arith.addi %mul3A_2, %add3A_28 : i32
    "tpu.region"() ({
      %run_scoped3A = tpu.sem_alloc : memref<!tpu.dma_semaphore, #tpu.memory_space<semaphore_mem>>
      %dma_start3A_97 = arith.constant 0 : i32
      %dma_start3A_98 = tpu.memref_slice %arg4[%add3A_29, %dma_start3A_97] : memref<65536x128xf32, #tpu.memory_space<hbm>> -> memref<256x128xf32, #tpu.memory_space<hbm>>
      %dma_start3A_99 = arith.constant 0 : i32
      %dma_start3A_100 = tpu.memref_slice %arg4[%add3A_29, %dma_start3A_99] : memref<65536x128xf32, #tpu.memory_space<hbm>> -> memref<256x128xf32, #tpu.memory_space<hbm>>
      tpu.enqueue_dma source(%arg7 : memref<256x128xf32, #tpu.memory_space<vmem>>) target(%dma_start3A_100 : memref<256x128xf32, #tpu.memory_space<hbm>>) target_semaphore(%run_scoped3A : memref<!tpu.dma_semaphore, #tpu.memory_space<semaphore_mem>>)
      %dma_wait3A_101 = arith.constant 0 : i32
      %dma_wait3A_102 = tpu.memref_slice %arg4[%add3A_29, %dma_wait3A_101] : memref<65536x128xf32, #tpu.memory_space<hbm>> -> memref<256x128xf32, #tpu.memory_space<hbm>>
      %dma_wait3A_103 = arith.constant 0 : i32
      %dma_wait3A_104 = tpu.memref_slice %arg4[%add3A_29, %dma_wait3A_103] : memref<65536x128xf32, #tpu.memory_space<hbm>> -> memref<256x128xf32, #tpu.memory_space<hbm>>
      tpu.wait_dma2 semaphore(%run_scoped3A : memref<!tpu.dma_semaphore, #tpu.memory_space<semaphore_mem>>) src(%arg7 : memref<256x128xf32, #tpu.memory_space<vmem>>) dst(%dma_wait3A_104 : memref<256x128xf32, #tpu.memory_space<hbm>>)
      tpu.yield
    }) : () -> ()
    %dma_start3A_30 = arith.constant 768 : i32
    %dma_start3A_31 = tpu.memref_slice %arg5[%dma_start3A_30] : memref<2048xi32, #tpu.memory_space<vmem>> -> memref<256xi32, #tpu.memory_space<vmem>>
    %dma_start3A_32 = arith.constant 0 : i32
    %dma_start3A_33 = arith.constant 0 : i32
    %dma_start3A_34 = tpu.memref_slice %arg2[%dma_start3A_32, %dma_start3A_33] : memref<8192x128xf32, #tpu.memory_space<hbm>> -> memref<8192x128xf32, #tpu.memory_space<hbm>>
    tpu.enqueue_indirect_dma source(%dma_start3A_34 : memref<8192x128xf32, #tpu.memory_space<hbm>>) target(%arg7 : memref<256x128xf32, #tpu.memory_space<vmem>>) offsets(%dma_start3A_31 : memref<256xi32, #tpu.memory_space<vmem>>) semaphore(%arg9 : memref<!tpu.dma_semaphore, #tpu.memory_space<semaphore_mem>>)
    %dma_wait3A_35 = arith.constant 512 : i32
    %dma_wait3A_36 = tpu.memref_slice %arg5[%dma_wait3A_35] : memref<2048xi32, #tpu.memory_space<vmem>> -> memref<256xi32, #tpu.memory_space<vmem>>
    %dma_wait3A_37 = arith.constant 0 : i32
    %dma_wait3A_38 = arith.constant 0 : i32
    %dma_wait3A_39 = tpu.memref_slice %arg2[%dma_wait3A_37, %dma_wait3A_38] : memref<8192x128xf32, #tpu.memory_space<hbm>> -> memref<8192x128xf32, #tpu.memory_space<hbm>>
    tpu.wait_indirect_dma semaphore(%arg8 : memref<!tpu.dma_semaphore, #tpu.memory_space<semaphore_mem>>) src(%dma_wait3A_39 : memref<8192x128xf32, #tpu.memory_space<hbm>>) dst(%arg6 : memref<256x128xf32, #tpu.memory_space<vmem>>)
    %add3A_40 = arith.constant 512 : i32
    %add3A_41 = arith.addi %mul3A_2, %add3A_40 : i32
    "tpu.region"() ({
      %run_scoped3A = tpu.sem_alloc : memref<!tpu.dma_semaphore, #tpu.memory_space<semaphore_mem>>
      %dma_start3A_97 = arith.constant 0 : i32
      %dma_start3A_98 = tpu.memref_slice %arg4[%add3A_41, %dma_start3A_97] : memref<65536x128xf32, #tpu.memory_space<hbm>> -> memref<256x128xf32, #tpu.memory_space<hbm>>
      %dma_start3A_99 = arith.constant 0 : i32
      %dma_start3A_100 = tpu.memref_slice %arg4[%add3A_41, %dma_start3A_99] : memref<65536x128xf32, #tpu.memory_space<hbm>> -> memref<256x128xf32, #tpu.memory_space<hbm>>
      tpu.enqueue_dma source(%arg6 : memref<256x128xf32, #tpu.memory_space<vmem>>) target(%dma_start3A_100 : memref<256x128xf32, #tpu.memory_space<hbm>>) target_semaphore(%run_scoped3A : memref<!tpu.dma_semaphore, #tpu.memory_space<semaphore_mem>>)
      %dma_wait3A_101 = arith.constant 0 : i32
      %dma_wait3A_102 = tpu.memref_slice %arg4[%add3A_41, %dma_wait3A_101] : memref<65536x128xf32, #tpu.memory_space<hbm>> -> memref<256x128xf32, #tpu.memory_space<hbm>>
      %dma_wait3A_103 = arith.constant 0 : i32
      %dma_wait3A_104 = tpu.memref_slice %arg4[%add3A_41, %dma_wait3A_103] : memref<65536x128xf32, #tpu.memory_space<hbm>> -> memref<256x128xf32, #tpu.memory_space<hbm>>
      tpu.wait_dma2 semaphore(%run_scoped3A : memref<!tpu.dma_semaphore, #tpu.memory_space<semaphore_mem>>) src(%arg6 : memref<256x128xf32, #tpu.memory_space<vmem>>) dst(%dma_wait3A_104 : memref<256x128xf32, #tpu.memory_space<hbm>>)
      tpu.yield
    }) : () -> ()
    %dma_start3A_42 = arith.constant 1024 : i32
    %dma_start3A_43 = tpu.memref_slice %arg5[%dma_start3A_42] : memref<2048xi32, #tpu.memory_space<vmem>> -> memref<256xi32, #tpu.memory_space<vmem>>
    %dma_start3A_44 = arith.constant 0 : i32
    %dma_start3A_45 = arith.constant 0 : i32
    %dma_start3A_46 = tpu.memref_slice %arg2[%dma_start3A_44, %dma_start3A_45] : memref<8192x128xf32, #tpu.memory_space<hbm>> -> memref<8192x128xf32, #tpu.memory_space<hbm>>
    tpu.enqueue_indirect_dma source(%dma_start3A_46 : memref<8192x128xf32, #tpu.memory_space<hbm>>) target(%arg6 : memref<256x128xf32, #tpu.memory_space<vmem>>) offsets(%dma_start3A_43 : memref<256xi32, #tpu.memory_space<vmem>>) semaphore(%arg8 : memref<!tpu.dma_semaphore, #tpu.memory_space<semaphore_mem>>)
    %dma_wait3A_47 = arith.constant 768 : i32
    %dma_wait3A_48 = tpu.memref_slice %arg5[%dma_wait3A_47] : memref<2048xi32, #tpu.memory_space<vmem>> -> memref<256xi32, #tpu.memory_space<vmem>>
    %dma_wait3A_49 = arith.constant 0 : i32
    %dma_wait3A_50 = arith.constant 0 : i32
    %dma_wait3A_51 = tpu.memref_slice %arg2[%dma_wait3A_49, %dma_wait3A_50] : memref<8192x128xf32, #tpu.memory_space<hbm>> -> memref<8192x128xf32, #tpu.memory_space<hbm>>
    tpu.wait_indirect_dma semaphore(%arg9 : memref<!tpu.dma_semaphore, #tpu.memory_space<semaphore_mem>>) src(%dma_wait3A_51 : memref<8192x128xf32, #tpu.memory_space<hbm>>) dst(%arg7 : memref<256x128xf32, #tpu.memory_space<vmem>>)
    %add3A_52 = arith.constant 768 : i32
    %add3A_53 = arith.addi %mul3A_2, %add3A_52 : i32
    "tpu.region"() ({
      %run_scoped3A = tpu.sem_alloc : memref<!tpu.dma_semaphore, #tpu.memory_space<semaphore_mem>>
      %dma_start3A_97 = arith.constant 0 : i32
      %dma_start3A_98 = tpu.memref_slice %arg4[%add3A_53, %dma_start3A_97] : memref<65536x128xf32, #tpu.memory_space<hbm>> -> memref<256x128xf32, #tpu.memory_space<hbm>>
      %dma_start3A_99 = arith.constant 0 : i32
      %dma_start3A_100 = tpu.memref_slice %arg4[%add3A_53, %dma_start3A_99] : memref<65536x128xf32, #tpu.memory_space<hbm>> -> memref<256x128xf32, #tpu.memory_space<hbm>>
      tpu.enqueue_dma source(%arg7 : memref<256x128xf32, #tpu.memory_space<vmem>>) target(%dma_start3A_100 : memref<256x128xf32, #tpu.memory_space<hbm>>) target_semaphore(%run_scoped3A : memref<!tpu.dma_semaphore, #tpu.memory_space<semaphore_mem>>)
      %dma_wait3A_101 = arith.constant 0 : i32
      %dma_wait3A_102 = tpu.memref_slice %arg4[%add3A_53, %dma_wait3A_101] : memref<65536x128xf32, #tpu.memory_space<hbm>> -> memref<256x128xf32, #tpu.memory_space<hbm>>
      %dma_wait3A_103 = arith.constant 0 : i32
      %dma_wait3A_104 = tpu.memref_slice %arg4[%add3A_53, %dma_wait3A_103] : memref<65536x128xf32, #tpu.memory_space<hbm>> -> memref<256x128xf32, #tpu.memory_space<hbm>>
      tpu.wait_dma2 semaphore(%run_scoped3A : memref<!tpu.dma_semaphore, #tpu.memory_space<semaphore_mem>>) src(%arg7 : memref<256x128xf32, #tpu.memory_space<vmem>>) dst(%dma_wait3A_104 : memref<256x128xf32, #tpu.memory_space<hbm>>)
      tpu.yield
    }) : () -> ()
    %dma_start3A_54 = arith.constant 1280 : i32
    %dma_start3A_55 = tpu.memref_slice %arg5[%dma_start3A_54] : memref<2048xi32, #tpu.memory_space<vmem>> -> memref<256xi32, #tpu.memory_space<vmem>>
    %dma_start3A_56 = arith.constant 0 : i32
    %dma_start3A_57 = arith.constant 0 : i32
    %dma_start3A_58 = tpu.memref_slice %arg2[%dma_start3A_56, %dma_start3A_57] : memref<8192x128xf32, #tpu.memory_space<hbm>> -> memref<8192x128xf32, #tpu.memory_space<hbm>>
    tpu.enqueue_indirect_dma source(%dma_start3A_58 : memref<8192x128xf32, #tpu.memory_space<hbm>>) target(%arg7 : memref<256x128xf32, #tpu.memory_space<vmem>>) offsets(%dma_start3A_55 : memref<256xi32, #tpu.memory_space<vmem>>) semaphore(%arg9 : memref<!tpu.dma_semaphore, #tpu.memory_space<semaphore_mem>>)
    %dma_wait3A_59 = arith.constant 1024 : i32
    %dma_wait3A_60 = tpu.memref_slice %arg5[%dma_wait3A_59] : memref<2048xi32, #tpu.memory_space<vmem>> -> memref<256xi32, #tpu.memory_space<vmem>>
    %dma_wait3A_61 = arith.constant 0 : i32
    %dma_wait3A_62 = arith.constant 0 : i32
    %dma_wait3A_63 = tpu.memref_slice %arg2[%dma_wait3A_61, %dma_wait3A_62] : memref<8192x128xf32, #tpu.memory_space<hbm>> -> memref<8192x128xf32, #tpu.memory_space<hbm>>
    tpu.wait_indirect_dma semaphore(%arg8 : memref<!tpu.dma_semaphore, #tpu.memory_space<semaphore_mem>>) src(%dma_wait3A_63 : memref<8192x128xf32, #tpu.memory_space<hbm>>) dst(%arg6 : memref<256x128xf32, #tpu.memory_space<vmem>>)
    %add3A_64 = arith.constant 1024 : i32
    %add3A_65 = arith.addi %mul3A_2, %add3A_64 : i32
    "tpu.region"() ({
      %run_scoped3A = tpu.sem_alloc : memref<!tpu.dma_semaphore, #tpu.memory_space<semaphore_mem>>
      %dma_start3A_97 = arith.constant 0 : i32
      %dma_start3A_98 = tpu.memref_slice %arg4[%add3A_65, %dma_start3A_97] : memref<65536x128xf32, #tpu.memory_space<hbm>> -> memref<256x128xf32, #tpu.memory_space<hbm>>
      %dma_start3A_99 = arith.constant 0 : i32
      %dma_start3A_100 = tpu.memref_slice %arg4[%add3A_65, %dma_start3A_99] : memref<65536x128xf32, #tpu.memory_space<hbm>> -> memref<256x128xf32, #tpu.memory_space<hbm>>
      tpu.enqueue_dma source(%arg6 : memref<256x128xf32, #tpu.memory_space<vmem>>) target(%dma_start3A_100 : memref<256x128xf32, #tpu.memory_space<hbm>>) target_semaphore(%run_scoped3A : memref<!tpu.dma_semaphore, #tpu.memory_space<semaphore_mem>>)
      %dma_wait3A_101 = arith.constant 0 : i32
      %dma_wait3A_102 = tpu.memref_slice %arg4[%add3A_65, %dma_wait3A_101] : memref<65536x128xf32, #tpu.memory_space<hbm>> -> memref<256x128xf32, #tpu.memory_space<hbm>>
      %dma_wait3A_103 = arith.constant 0 : i32
      %dma_wait3A_104 = tpu.memref_slice %arg4[%add3A_65, %dma_wait3A_103] : memref<65536x128xf32, #tpu.memory_space<hbm>> -> memref<256x128xf32, #tpu.memory_space<hbm>>
      tpu.wait_dma2 semaphore(%run_scoped3A : memref<!tpu.dma_semaphore, #tpu.memory_space<semaphore_mem>>) src(%arg6 : memref<256x128xf32, #tpu.memory_space<vmem>>) dst(%dma_wait3A_104 : memref<256x128xf32, #tpu.memory_space<hbm>>)
      tpu.yield
    }) : () -> ()
    %dma_start3A_66 = arith.constant 1536 : i32
    %dma_start3A_67 = tpu.memref_slice %arg5[%dma_start3A_66] : memref<2048xi32, #tpu.memory_space<vmem>> -> memref<256xi32, #tpu.memory_space<vmem>>
    %dma_start3A_68 = arith.constant 0 : i32
    %dma_start3A_69 = arith.constant 0 : i32
    %dma_start3A_70 = tpu.memref_slice %arg2[%dma_start3A_68, %dma_start3A_69] : memref<8192x128xf32, #tpu.memory_space<hbm>> -> memref<8192x128xf32, #tpu.memory_space<hbm>>
    tpu.enqueue_indirect_dma source(%dma_start3A_70 : memref<8192x128xf32, #tpu.memory_space<hbm>>) target(%arg6 : memref<256x128xf32, #tpu.memory_space<vmem>>) offsets(%dma_start3A_67 : memref<256xi32, #tpu.memory_space<vmem>>) semaphore(%arg8 : memref<!tpu.dma_semaphore, #tpu.memory_space<semaphore_mem>>)
    %dma_wait3A_71 = arith.constant 1280 : i32
    %dma_wait3A_72 = tpu.memref_slice %arg5[%dma_wait3A_71] : memref<2048xi32, #tpu.memory_space<vmem>> -> memref<256xi32, #tpu.memory_space<vmem>>
    %dma_wait3A_73 = arith.constant 0 : i32
    %dma_wait3A_74 = arith.constant 0 : i32
    %dma_wait3A_75 = tpu.memref_slice %arg2[%dma_wait3A_73, %dma_wait3A_74] : memref<8192x128xf32, #tpu.memory_space<hbm>> -> memref<8192x128xf32, #tpu.memory_space<hbm>>
    tpu.wait_indirect_dma semaphore(%arg9 : memref<!tpu.dma_semaphore, #tpu.memory_space<semaphore_mem>>) src(%dma_wait3A_75 : memref<8192x128xf32, #tpu.memory_space<hbm>>) dst(%arg7 : memref<256x128xf32, #tpu.memory_space<vmem>>)
    %add3A_76 = arith.constant 1280 : i32
    %add3A_77 = arith.addi %mul3A_2, %add3A_76 : i32
    "tpu.region"() ({
      %run_scoped3A = tpu.sem_alloc : memref<!tpu.dma_semaphore, #tpu.memory_space<semaphore_mem>>
      %dma_start3A_97 = arith.constant 0 : i32
      %dma_start3A_98 = tpu.memref_slice %arg4[%add3A_77, %dma_start3A_97] : memref<65536x128xf32, #tpu.memory_space<hbm>> -> memref<256x128xf32, #tpu.memory_space<hbm>>
      %dma_start3A_99 = arith.constant 0 : i32
      %dma_start3A_100 = tpu.memref_slice %arg4[%add3A_77, %dma_start3A_99] : memref<65536x128xf32, #tpu.memory_space<hbm>> -> memref<256x128xf32, #tpu.memory_space<hbm>>
      tpu.enqueue_dma source(%arg7 : memref<256x128xf32, #tpu.memory_space<vmem>>) target(%dma_start3A_100 : memref<256x128xf32, #tpu.memory_space<hbm>>) target_semaphore(%run_scoped3A : memref<!tpu.dma_semaphore, #tpu.memory_space<semaphore_mem>>)
      %dma_wait3A_101 = arith.constant 0 : i32
      %dma_wait3A_102 = tpu.memref_slice %arg4[%add3A_77, %dma_wait3A_101] : memref<65536x128xf32, #tpu.memory_space<hbm>> -> memref<256x128xf32, #tpu.memory_space<hbm>>
      %dma_wait3A_103 = arith.constant 0 : i32
      %dma_wait3A_104 = tpu.memref_slice %arg4[%add3A_77, %dma_wait3A_103] : memref<65536x128xf32, #tpu.memory_space<hbm>> -> memref<256x128xf32, #tpu.memory_space<hbm>>
      tpu.wait_dma2 semaphore(%run_scoped3A : memref<!tpu.dma_semaphore, #tpu.memory_space<semaphore_mem>>) src(%arg7 : memref<256x128xf32, #tpu.memory_space<vmem>>) dst(%dma_wait3A_104 : memref<256x128xf32, #tpu.memory_space<hbm>>)
      tpu.yield
    }) : () -> ()
    %dma_start3A_78 = arith.constant 1792 : i32
    %dma_start3A_79 = tpu.memref_slice %arg5[%dma_start3A_78] : memref<2048xi32, #tpu.memory_space<vmem>> -> memref<256xi32, #tpu.memory_space<vmem>>
    %dma_start3A_80 = arith.constant 0 : i32
    %dma_start3A_81 = arith.constant 0 : i32
    %dma_start3A_82 = tpu.memref_slice %arg2[%dma_start3A_80, %dma_start3A_81] : memref<8192x128xf32, #tpu.memory_space<hbm>> -> memref<8192x128xf32, #tpu.memory_space<hbm>>
    tpu.enqueue_indirect_dma source(%dma_start3A_82 : memref<8192x128xf32, #tpu.memory_space<hbm>>) target(%arg7 : memref<256x128xf32, #tpu.memory_space<vmem>>) offsets(%dma_start3A_79 : memref<256xi32, #tpu.memory_space<vmem>>) semaphore(%arg9 : memref<!tpu.dma_semaphore, #tpu.memory_space<semaphore_mem>>)
    %dma_wait3A_83 = arith.constant 1536 : i32
    %dma_wait3A_84 = tpu.memref_slice %arg5[%dma_wait3A_83] : memref<2048xi32, #tpu.memory_space<vmem>> -> memref<256xi32, #tpu.memory_space<vmem>>
    %dma_wait3A_85 = arith.constant 0 : i32
    %dma_wait3A_86 = arith.constant 0 : i32
    %dma_wait3A_87 = tpu.memref_slice %arg2[%dma_wait3A_85, %dma_wait3A_86] : memref<8192x128xf32, #tpu.memory_space<hbm>> -> memref<8192x128xf32, #tpu.memory_space<hbm>>
    tpu.wait_indirect_dma semaphore(%arg8 : memref<!tpu.dma_semaphore, #tpu.memory_space<semaphore_mem>>) src(%dma_wait3A_87 : memref<8192x128xf32, #tpu.memory_space<hbm>>) dst(%arg6 : memref<256x128xf32, #tpu.memory_space<vmem>>)
    %add3A_88 = arith.constant 1536 : i32
    %add3A_89 = arith.addi %mul3A_2, %add3A_88 : i32
    "tpu.region"() ({
      %run_scoped3A = tpu.sem_alloc : memref<!tpu.dma_semaphore, #tpu.memory_space<semaphore_mem>>
      %dma_start3A_97 = arith.constant 0 : i32
      %dma_start3A_98 = tpu.memref_slice %arg4[%add3A_89, %dma_start3A_97] : memref<65536x128xf32, #tpu.memory_space<hbm>> -> memref<256x128xf32, #tpu.memory_space<hbm>>
      %dma_start3A_99 = arith.constant 0 : i32
      %dma_start3A_100 = tpu.memref_slice %arg4[%add3A_89, %dma_start3A_99] : memref<65536x128xf32, #tpu.memory_space<hbm>> -> memref<256x128xf32, #tpu.memory_space<hbm>>
      tpu.enqueue_dma source(%arg6 : memref<256x128xf32, #tpu.memory_space<vmem>>) target(%dma_start3A_100 : memref<256x128xf32, #tpu.memory_space<hbm>>) target_semaphore(%run_scoped3A : memref<!tpu.dma_semaphore, #tpu.memory_space<semaphore_mem>>)
      %dma_wait3A_101 = arith.constant 0 : i32
      %dma_wait3A_102 = tpu.memref_slice %arg4[%add3A_89, %dma_wait3A_101] : memref<65536x128xf32, #tpu.memory_space<hbm>> -> memref<256x128xf32, #tpu.memory_space<hbm>>
      %dma_wait3A_103 = arith.constant 0 : i32
      %dma_wait3A_104 = tpu.memref_slice %arg4[%add3A_89, %dma_wait3A_103] : memref<65536x128xf32, #tpu.memory_space<hbm>> -> memref<256x128xf32, #tpu.memory_space<hbm>>
      tpu.wait_dma2 semaphore(%run_scoped3A : memref<!tpu.dma_semaphore, #tpu.memory_space<semaphore_mem>>) src(%arg6 : memref<256x128xf32, #tpu.memory_space<vmem>>) dst(%dma_wait3A_104 : memref<256x128xf32, #tpu.memory_space<hbm>>)
      tpu.yield
    }) : () -> ()
    %dma_wait3A_90 = arith.constant 1792 : i32
    %dma_wait3A_91 = tpu.memref_slice %arg5[%dma_wait3A_90] : memref<2048xi32, #tpu.memory_space<vmem>> -> memref<256xi32, #tpu.memory_space<vmem>>
    %dma_wait3A_92 = arith.constant 0 : i32
    %dma_wait3A_93 = arith.constant 0 : i32
    %dma_wait3A_94 = tpu.memref_slice %arg2[%dma_wait3A_92, %dma_wait3A_93] : memref<8192x128xf32, #tpu.memory_space<hbm>> -> memref<8192x128xf32, #tpu.memory_space<hbm>>
    tpu.wait_indirect_dma semaphore(%arg9 : memref<!tpu.dma_semaphore, #tpu.memory_space<semaphore_mem>>) src(%dma_wait3A_94 : memref<8192x128xf32, #tpu.memory_space<hbm>>) dst(%arg7 : memref<256x128xf32, #tpu.memory_space<vmem>>)
    %add3A_95 = arith.constant 1792 : i32
    %add3A_96 = arith.addi %mul3A_2, %add3A_95 : i32
    "tpu.region"() ({
      %run_scoped3A = tpu.sem_alloc : memref<!tpu.dma_semaphore, #tpu.memory_space<semaphore_mem>>
      %dma_start3A_97 = arith.constant 0 : i32
      %dma_start3A_98 = tpu.memref_slice %arg4[%add3A_96, %dma_start3A_97] : memref<65536x128xf32, #tpu.memory_space<hbm>> -> memref<256x128xf32, #tpu.memory_space<hbm>>
      %dma_start3A_99 = arith.constant 0 : i32
      %dma_start3A_100 = tpu.memref_slice %arg4[%add3A_96, %dma_start3A_99] : memref<65536x128xf32, #tpu.memory_space<hbm>> -> memref<256x128xf32, #tpu.memory_space<hbm>>
      tpu.enqueue_dma source(%arg7 : memref<256x128xf32, #tpu.memory_space<vmem>>) target(%dma_start3A_100 : memref<256x128xf32, #tpu.memory_space<hbm>>) target_semaphore(%run_scoped3A : memref<!tpu.dma_semaphore, #tpu.memory_space<semaphore_mem>>)
      %dma_wait3A_101 = arith.constant 0 : i32
      %dma_wait3A_102 = tpu.memref_slice %arg4[%add3A_96, %dma_wait3A_101] : memref<65536x128xf32, #tpu.memory_space<hbm>> -> memref<256x128xf32, #tpu.memory_space<hbm>>
      %dma_wait3A_103 = arith.constant 0 : i32
      %dma_wait3A_104 = tpu.memref_slice %arg4[%add3A_96, %dma_wait3A_103] : memref<65536x128xf32, #tpu.memory_space<hbm>> -> memref<256x128xf32, #tpu.memory_space<hbm>>
      tpu.wait_dma2 semaphore(%run_scoped3A : memref<!tpu.dma_semaphore, #tpu.memory_space<semaphore_mem>>) src(%arg7 : memref<256x128xf32, #tpu.memory_space<vmem>>) dst(%dma_wait3A_104 : memref<256x128xf32, #tpu.memory_space<hbm>>)
      tpu.yield
    }) : () -> ()
    return
  }
}

#map = affine_map<(d0, d1) -> (0, 0)>
#map1 = affine_map<(d0, d1) -> (0)>
module attributes {stable_mosaic.version = 14 : i64} {
  func.func @gather_k(%arg0: i32, %arg1: i32, %arg2: memref<8192x128xf32, #tpu.memory_space<hbm>>, %arg3: memref<65536xi32, #tpu.memory_space<hbm>>, %arg4: memref<65536x128xf32, #tpu.memory_space<hbm>>, %arg5: memref<2048xi32, #tpu.memory_space<vmem>>, %arg6: memref<256x128xf32, #tpu.memory_space<vmem>>, %arg7: memref<256x128xf32, #tpu.memory_space<vmem>>, %arg8: memref<!tpu.dma_semaphore, #tpu.memory_space<semaphore_mem>>, %arg9: memref<!tpu.dma_semaphore, #tpu.memory_space<semaphore_mem>>) attributes {dimension_semantics = [#tpu.dimension_semantics<core_parallel>, #tpu.dimension_semantics<subcore_parallel>], iteration_bounds = array<i64: 2, 16>, scalar_prefetch = 0 : i64, scratch_operands = 5 : i64, tpu.core_type = #tpu.core_type<sc_vector_subcore>, window_params = [{transform_indices = #map}, {transform_indices = #map1}, {transform_indices = #map}]} {
    %mul3A = arith.constant 2 : i32
    %mul3A_0 = arith.muli %arg1, %mul3A : i32
    %add3A = arith.addi %mul3A_0, %arg0 : i32
    %mul3A_1 = arith.constant 2048 : i32
    %mul3A_2 = arith.muli %add3A, %mul3A_1 : i32
    "tpu.region"() ({
      %run_scoped3A = tpu.sem_alloc : memref<!tpu.dma_semaphore, #tpu.memory_space<semaphore_mem>>
      %dma_start3A_97 = tpu.memref_slice %arg3[%mul3A_2] : memref<65536xi32, #tpu.memory_space<hbm>> -> memref<2048xi32, #tpu.memory_space<hbm>>
      %dma_start3A_98 = tpu.memref_slice %arg3[%mul3A_2] : memref<65536xi32, #tpu.memory_space<hbm>> -> memref<2048xi32, #tpu.memory_space<hbm>>
      tpu.enqueue_dma source(%dma_start3A_98 : memref<2048xi32, #tpu.memory_space<hbm>>) target(%arg5 : memref<2048xi32, #tpu.memory_space<vmem>>) target_semaphore(%run_scoped3A : memref<!tpu.dma_semaphore, #tpu.memory_space<semaphore_mem>>)
      %dma_wait3A_99 = tpu.memref_slice %arg3[%mul3A_2] : memref<65536xi32, #tpu.memory_space<hbm>> -> memref<2048xi32, #tpu.memory_space<hbm>>
      %dma_wait3A_100 = tpu.memref_slice %arg3[%mul3A_2] : memref<65536xi32, #tpu.memory_space<hbm>> -> memref<2048xi32, #tpu.memory_space<hbm>>
      tpu.wait_dma2 semaphore(%run_scoped3A : memref<!tpu.dma_semaphore, #tpu.memory_space<semaphore_mem>>) src(%dma_wait3A_100 : memref<2048xi32, #tpu.memory_space<hbm>>) dst(%arg5 : memref<2048xi32, #tpu.memory_space<vmem>>)
      tpu.yield
    }) : () -> ()
    %dma_start3A = arith.constant 0 : i32
    %dma_start3A_3 = tpu.memref_slice %arg5[%dma_start3A] : memref<2048xi32, #tpu.memory_space<vmem>> -> memref<256xi32, #tpu.memory_space<vmem>>
    %dma_start3A_4 = arith.constant 0 : i32
    %dma_start3A_5 = arith.constant 0 : i32
    %dma_start3A_6 = tpu.memref_slice %arg2[%dma_start3A_4, %dma_start3A_5] : memref<8192x128xf32, #tpu.memory_space<hbm>> -> memref<8192x128xf32, #tpu.memory_space<hbm>>
    tpu.enqueue_indirect_dma source(%dma_start3A_6 : memref<8192x128xf32, #tpu.memory_space<hbm>>) target(%arg6 : memref<256x128xf32, #tpu.memory_space<vmem>>) offsets(%dma_start3A_3 : memref<256xi32, #tpu.memory_space<vmem>>) semaphore(%arg8 : memref<!tpu.dma_semaphore, #tpu.memory_space<semaphore_mem>>)
    %dma_start3A_7 = arith.constant 256 : i32
    %dma_start3A_8 = tpu.memref_slice %arg5[%dma_start3A_7] : memref<2048xi32, #tpu.memory_space<vmem>> -> memref<256xi32, #tpu.memory_space<vmem>>
    %dma_start3A_9 = arith.constant 0 : i32
    %dma_start3A_10 = arith.constant 0 : i32
    %dma_start3A_11 = tpu.memref_slice %arg2[%dma_start3A_9, %dma_start3A_10] : memref<8192x128xf32, #tpu.memory_space<hbm>> -> memref<8192x128xf32, #tpu.memory_space<hbm>>
    tpu.enqueue_indirect_dma source(%dma_start3A_11 : memref<8192x128xf32, #tpu.memory_space<hbm>>) target(%arg7 : memref<256x128xf32, #tpu.memory_space<vmem>>) offsets(%dma_start3A_8 : memref<256xi32, #tpu.memory_space<vmem>>) semaphore(%arg9 : memref<!tpu.dma_semaphore, #tpu.memory_space<semaphore_mem>>)
    %dma_wait3A = arith.constant 0 : i32
    %dma_wait3A_12 = tpu.memref_slice %arg5[%dma_wait3A] : memref<2048xi32, #tpu.memory_space<vmem>> -> memref<256xi32, #tpu.memory_space<vmem>>
    %dma_wait3A_13 = arith.constant 0 : i32
    %dma_wait3A_14 = arith.constant 0 : i32
    %dma_wait3A_15 = tpu.memref_slice %arg2[%dma_wait3A_13, %dma_wait3A_14] : memref<8192x128xf32, #tpu.memory_space<hbm>> -> memref<8192x128xf32, #tpu.memory_space<hbm>>
    tpu.wait_indirect_dma semaphore(%arg8 : memref<!tpu.dma_semaphore, #tpu.memory_space<semaphore_mem>>) src(%dma_wait3A_15 : memref<8192x128xf32, #tpu.memory_space<hbm>>) dst(%arg6 : memref<256x128xf32, #tpu.memory_space<vmem>>)
    %add3A_16 = arith.constant 0 : i32
    %add3A_17 = arith.addi %mul3A_2, %add3A_16 : i32
    "tpu.region"() ({
      %run_scoped3A = tpu.sem_alloc : memref<!tpu.dma_semaphore, #tpu.memory_space<semaphore_mem>>
      %dma_start3A_97 = arith.constant 0 : i32
      %dma_start3A_98 = tpu.memref_slice %arg4[%add3A_17, %dma_start3A_97] : memref<65536x128xf32, #tpu.memory_space<hbm>> -> memref<256x128xf32, #tpu.memory_space<hbm>>
      %dma_start3A_99 = arith.constant 0 : i32
      %dma_start3A_100 = tpu.memref_slice %arg4[%add3A_17, %dma_start3A_99] : memref<65536x128xf32, #tpu.memory_space<hbm>> -> memref<256x128xf32, #tpu.memory_space<hbm>>
      tpu.enqueue_dma source(%arg6 : memref<256x128xf32, #tpu.memory_space<vmem>>) target(%dma_start3A_100 : memref<256x128xf32, #tpu.memory_space<hbm>>) target_semaphore(%run_scoped3A : memref<!tpu.dma_semaphore, #tpu.memory_space<semaphore_mem>>)
      %dma_wait3A_101 = arith.constant 0 : i32
      %dma_wait3A_102 = tpu.memref_slice %arg4[%add3A_17, %dma_wait3A_101] : memref<65536x128xf32, #tpu.memory_space<hbm>> -> memref<256x128xf32, #tpu.memory_space<hbm>>
      %dma_wait3A_103 = arith.constant 0 : i32
      %dma_wait3A_104 = tpu.memref_slice %arg4[%add3A_17, %dma_wait3A_103] : memref<65536x128xf32, #tpu.memory_space<hbm>> -> memref<256x128xf32, #tpu.memory_space<hbm>>
      tpu.wait_dma2 semaphore(%run_scoped3A : memref<!tpu.dma_semaphore, #tpu.memory_space<semaphore_mem>>) src(%arg6 : memref<256x128xf32, #tpu.memory_space<vmem>>) dst(%dma_wait3A_104 : memref<256x128xf32, #tpu.memory_space<hbm>>)
      tpu.yield
    }) : () -> ()
    %dma_start3A_18 = arith.constant 512 : i32
    %dma_start3A_19 = tpu.memref_slice %arg5[%dma_start3A_18] : memref<2048xi32, #tpu.memory_space<vmem>> -> memref<256xi32, #tpu.memory_space<vmem>>
    %dma_start3A_20 = arith.constant 0 : i32
    %dma_start3A_21 = arith.constant 0 : i32
    %dma_start3A_22 = tpu.memref_slice %arg2[%dma_start3A_20, %dma_start3A_21] : memref<8192x128xf32, #tpu.memory_space<hbm>> -> memref<8192x128xf32, #tpu.memory_space<hbm>>
    tpu.enqueue_indirect_dma source(%dma_start3A_22 : memref<8192x128xf32, #tpu.memory_space<hbm>>) target(%arg6 : memref<256x128xf32, #tpu.memory_space<vmem>>) offsets(%dma_start3A_19 : memref<256xi32, #tpu.memory_space<vmem>>) semaphore(%arg8 : memref<!tpu.dma_semaphore, #tpu.memory_space<semaphore_mem>>)
    %dma_wait3A_23 = arith.constant 256 : i32
    %dma_wait3A_24 = tpu.memref_slice %arg5[%dma_wait3A_23] : memref<2048xi32, #tpu.memory_space<vmem>> -> memref<256xi32, #tpu.memory_space<vmem>>
    %dma_wait3A_25 = arith.constant 0 : i32
    %dma_wait3A_26 = arith.constant 0 : i32
    %dma_wait3A_27 = tpu.memref_slice %arg2[%dma_wait3A_25, %dma_wait3A_26] : memref<8192x128xf32, #tpu.memory_space<hbm>> -> memref<8192x128xf32, #tpu.memory_space<hbm>>
    tpu.wait_indirect_dma semaphore(%arg9 : memref<!tpu.dma_semaphore, #tpu.memory_space<semaphore_mem>>) src(%dma_wait3A_27 : memref<8192x128xf32, #tpu.memory_space<hbm>>) dst(%arg7 : memref<256x128xf32, #tpu.memory_space<vmem>>)
    %add3A_28 = arith.constant 256 : i32
    %add3A_29 = arith.addi %mul3A_2, %add3A_28 : i32
    "tpu.region"() ({
      %run_scoped3A = tpu.sem_alloc : memref<!tpu.dma_semaphore, #tpu.memory_space<semaphore_mem>>
      %dma_start3A_97 = arith.constant 0 : i32
      %dma_start3A_98 = tpu.memref_slice %arg4[%add3A_29, %dma_start3A_97] : memref<65536x128xf32, #tpu.memory_space<hbm>> -> memref<256x128xf32, #tpu.memory_space<hbm>>
      %dma_start3A_99 = arith.constant 0 : i32
      %dma_start3A_100 = tpu.memref_slice %arg4[%add3A_29, %dma_start3A_99] : memref<65536x128xf32, #tpu.memory_space<hbm>> -> memref<256x128xf32, #tpu.memory_space<hbm>>
      tpu.enqueue_dma source(%arg7 : memref<256x128xf32, #tpu.memory_space<vmem>>) target(%dma_start3A_100 : memref<256x128xf32, #tpu.memory_space<hbm>>) target_semaphore(%run_scoped3A : memref<!tpu.dma_semaphore, #tpu.memory_space<semaphore_mem>>)
      %dma_wait3A_101 = arith.constant 0 : i32
      %dma_wait3A_102 = tpu.memref_slice %arg4[%add3A_29, %dma_wait3A_101] : memref<65536x128xf32, #tpu.memory_space<hbm>> -> memref<256x128xf32, #tpu.memory_space<hbm>>
      %dma_wait3A_103 = arith.constant 0 : i32
      %dma_wait3A_104 = tpu.memref_slice %arg4[%add3A_29, %dma_wait3A_103] : memref<65536x128xf32, #tpu.memory_space<hbm>> -> memref<256x128xf32, #tpu.memory_space<hbm>>
      tpu.wait_dma2 semaphore(%run_scoped3A : memref<!tpu.dma_semaphore, #tpu.memory_space<semaphore_mem>>) src(%arg7 : memref<256x128xf32, #tpu.memory_space<vmem>>) dst(%dma_wait3A_104 : memref<256x128xf32, #tpu.memory_space<hbm>>)
      tpu.yield
    }) : () -> ()
    %dma_start3A_30 = arith.constant 768 : i32
    %dma_start3A_31 = tpu.memref_slice %arg5[%dma_start3A_30] : memref<2048xi32, #tpu.memory_space<vmem>> -> memref<256xi32, #tpu.memory_space<vmem>>
    %dma_start3A_32 = arith.constant 0 : i32
    %dma_start3A_33 = arith.constant 0 : i32
    %dma_start3A_34 = tpu.memref_slice %arg2[%dma_start3A_32, %dma_start3A_33] : memref<8192x128xf32, #tpu.memory_space<hbm>> -> memref<8192x128xf32, #tpu.memory_space<hbm>>
    tpu.enqueue_indirect_dma source(%dma_start3A_34 : memref<8192x128xf32, #tpu.memory_space<hbm>>) target(%arg7 : memref<256x128xf32, #tpu.memory_space<vmem>>) offsets(%dma_start3A_31 : memref<256xi32, #tpu.memory_space<vmem>>) semaphore(%arg9 : memref<!tpu.dma_semaphore, #tpu.memory_space<semaphore_mem>>)
    %dma_wait3A_35 = arith.constant 512 : i32
    %dma_wait3A_36 = tpu.memref_slice %arg5[%dma_wait3A_35] : memref<2048xi32, #tpu.memory_space<vmem>> -> memref<256xi32, #tpu.memory_space<vmem>>
    %dma_wait3A_37 = arith.constant 0 : i32
    %dma_wait3A_38 = arith.constant 0 : i32
    %dma_wait3A_39 = tpu.memref_slice %arg2[%dma_wait3A_37, %dma_wait3A_38] : memref<8192x128xf32, #tpu.memory_space<hbm>> -> memref<8192x128xf32, #tpu.memory_space<hbm>>
    tpu.wait_indirect_dma semaphore(%arg8 : memref<!tpu.dma_semaphore, #tpu.memory_space<semaphore_mem>>) src(%dma_wait3A_39 : memref<8192x128xf32, #tpu.memory_space<hbm>>) dst(%arg6 : memref<256x128xf32, #tpu.memory_space<vmem>>)
    %add3A_40 = arith.constant 512 : i32
    %add3A_41 = arith.addi %mul3A_2, %add3A_40 : i32
    "tpu.region"() ({
      %run_scoped3A = tpu.sem_alloc : memref<!tpu.dma_semaphore, #tpu.memory_space<semaphore_mem>>
      %dma_start3A_97 = arith.constant 0 : i32
      %dma_start3A_98 = tpu.memref_slice %arg4[%add3A_41, %dma_start3A_97] : memref<65536x128xf32, #tpu.memory_space<hbm>> -> memref<256x128xf32, #tpu.memory_space<hbm>>
      %dma_start3A_99 = arith.constant 0 : i32
      %dma_start3A_100 = tpu.memref_slice %arg4[%add3A_41, %dma_start3A_99] : memref<65536x128xf32, #tpu.memory_space<hbm>> -> memref<256x128xf32, #tpu.memory_space<hbm>>
      tpu.enqueue_dma source(%arg6 : memref<256x128xf32, #tpu.memory_space<vmem>>) target(%dma_start3A_100 : memref<256x128xf32, #tpu.memory_space<hbm>>) target_semaphore(%run_scoped3A : memref<!tpu.dma_semaphore, #tpu.memory_space<semaphore_mem>>)
      %dma_wait3A_101 = arith.constant 0 : i32
      %dma_wait3A_102 = tpu.memref_slice %arg4[%add3A_41, %dma_wait3A_101] : memref<65536x128xf32, #tpu.memory_space<hbm>> -> memref<256x128xf32, #tpu.memory_space<hbm>>
      %dma_wait3A_103 = arith.constant 0 : i32
      %dma_wait3A_104 = tpu.memref_slice %arg4[%add3A_41, %dma_wait3A_103] : memref<65536x128xf32, #tpu.memory_space<hbm>> -> memref<256x128xf32, #tpu.memory_space<hbm>>
      tpu.wait_dma2 semaphore(%run_scoped3A : memref<!tpu.dma_semaphore, #tpu.memory_space<semaphore_mem>>) src(%arg6 : memref<256x128xf32, #tpu.memory_space<vmem>>) dst(%dma_wait3A_104 : memref<256x128xf32, #tpu.memory_space<hbm>>)
      tpu.yield
    }) : () -> ()
    %dma_start3A_42 = arith.constant 1024 : i32
    %dma_start3A_43 = tpu.memref_slice %arg5[%dma_start3A_42] : memref<2048xi32, #tpu.memory_space<vmem>> -> memref<256xi32, #tpu.memory_space<vmem>>
    %dma_start3A_44 = arith.constant 0 : i32
    %dma_start3A_45 = arith.constant 0 : i32
    %dma_start3A_46 = tpu.memref_slice %arg2[%dma_start3A_44, %dma_start3A_45] : memref<8192x128xf32, #tpu.memory_space<hbm>> -> memref<8192x128xf32, #tpu.memory_space<hbm>>
    tpu.enqueue_indirect_dma source(%dma_start3A_46 : memref<8192x128xf32, #tpu.memory_space<hbm>>) target(%arg6 : memref<256x128xf32, #tpu.memory_space<vmem>>) offsets(%dma_start3A_43 : memref<256xi32, #tpu.memory_space<vmem>>) semaphore(%arg8 : memref<!tpu.dma_semaphore, #tpu.memory_space<semaphore_mem>>)
    %dma_wait3A_47 = arith.constant 768 : i32
    %dma_wait3A_48 = tpu.memref_slice %arg5[%dma_wait3A_47] : memref<2048xi32, #tpu.memory_space<vmem>> -> memref<256xi32, #tpu.memory_space<vmem>>
    %dma_wait3A_49 = arith.constant 0 : i32
    %dma_wait3A_50 = arith.constant 0 : i32
    %dma_wait3A_51 = tpu.memref_slice %arg2[%dma_wait3A_49, %dma_wait3A_50] : memref<8192x128xf32, #tpu.memory_space<hbm>> -> memref<8192x128xf32, #tpu.memory_space<hbm>>
    tpu.wait_indirect_dma semaphore(%arg9 : memref<!tpu.dma_semaphore, #tpu.memory_space<semaphore_mem>>) src(%dma_wait3A_51 : memref<8192x128xf32, #tpu.memory_space<hbm>>) dst(%arg7 : memref<256x128xf32, #tpu.memory_space<vmem>>)
    %add3A_52 = arith.constant 768 : i32
    %add3A_53 = arith.addi %mul3A_2, %add3A_52 : i32
    "tpu.region"() ({
      %run_scoped3A = tpu.sem_alloc : memref<!tpu.dma_semaphore, #tpu.memory_space<semaphore_mem>>
      %dma_start3A_97 = arith.constant 0 : i32
      %dma_start3A_98 = tpu.memref_slice %arg4[%add3A_53, %dma_start3A_97] : memref<65536x128xf32, #tpu.memory_space<hbm>> -> memref<256x128xf32, #tpu.memory_space<hbm>>
      %dma_start3A_99 = arith.constant 0 : i32
      %dma_start3A_100 = tpu.memref_slice %arg4[%add3A_53, %dma_start3A_99] : memref<65536x128xf32, #tpu.memory_space<hbm>> -> memref<256x128xf32, #tpu.memory_space<hbm>>
      tpu.enqueue_dma source(%arg7 : memref<256x128xf32, #tpu.memory_space<vmem>>) target(%dma_start3A_100 : memref<256x128xf32, #tpu.memory_space<hbm>>) target_semaphore(%run_scoped3A : memref<!tpu.dma_semaphore, #tpu.memory_space<semaphore_mem>>)
      %dma_wait3A_101 = arith.constant 0 : i32
      %dma_wait3A_102 = tpu.memref_slice %arg4[%add3A_53, %dma_wait3A_101] : memref<65536x128xf32, #tpu.memory_space<hbm>> -> memref<256x128xf32, #tpu.memory_space<hbm>>
      %dma_wait3A_103 = arith.constant 0 : i32
      %dma_wait3A_104 = tpu.memref_slice %arg4[%add3A_53, %dma_wait3A_103] : memref<65536x128xf32, #tpu.memory_space<hbm>> -> memref<256x128xf32, #tpu.memory_space<hbm>>
      tpu.wait_dma2 semaphore(%run_scoped3A : memref<!tpu.dma_semaphore, #tpu.memory_space<semaphore_mem>>) src(%arg7 : memref<256x128xf32, #tpu.memory_space<vmem>>) dst(%dma_wait3A_104 : memref<256x128xf32, #tpu.memory_space<hbm>>)
      tpu.yield
    }) : () -> ()
    %dma_start3A_54 = arith.constant 1280 : i32
    %dma_start3A_55 = tpu.memref_slice %arg5[%dma_start3A_54] : memref<2048xi32, #tpu.memory_space<vmem>> -> memref<256xi32, #tpu.memory_space<vmem>>
    %dma_start3A_56 = arith.constant 0 : i32
    %dma_start3A_57 = arith.constant 0 : i32
    %dma_start3A_58 = tpu.memref_slice %arg2[%dma_start3A_56, %dma_start3A_57] : memref<8192x128xf32, #tpu.memory_space<hbm>> -> memref<8192x128xf32, #tpu.memory_space<hbm>>
    tpu.enqueue_indirect_dma source(%dma_start3A_58 : memref<8192x128xf32, #tpu.memory_space<hbm>>) target(%arg7 : memref<256x128xf32, #tpu.memory_space<vmem>>) offsets(%dma_start3A_55 : memref<256xi32, #tpu.memory_space<vmem>>) semaphore(%arg9 : memref<!tpu.dma_semaphore, #tpu.memory_space<semaphore_mem>>)
    %dma_wait3A_59 = arith.constant 1024 : i32
    %dma_wait3A_60 = tpu.memref_slice %arg5[%dma_wait3A_59] : memref<2048xi32, #tpu.memory_space<vmem>> -> memref<256xi32, #tpu.memory_space<vmem>>
    %dma_wait3A_61 = arith.constant 0 : i32
    %dma_wait3A_62 = arith.constant 0 : i32
    %dma_wait3A_63 = tpu.memref_slice %arg2[%dma_wait3A_61, %dma_wait3A_62] : memref<8192x128xf32, #tpu.memory_space<hbm>> -> memref<8192x128xf32, #tpu.memory_space<hbm>>
    tpu.wait_indirect_dma semaphore(%arg8 : memref<!tpu.dma_semaphore, #tpu.memory_space<semaphore_mem>>) src(%dma_wait3A_63 : memref<8192x128xf32, #tpu.memory_space<hbm>>) dst(%arg6 : memref<256x128xf32, #tpu.memory_space<vmem>>)
    %add3A_64 = arith.constant 1024 : i32
    %add3A_65 = arith.addi %mul3A_2, %add3A_64 : i32
    "tpu.region"() ({
      %run_scoped3A = tpu.sem_alloc : memref<!tpu.dma_semaphore, #tpu.memory_space<semaphore_mem>>
      %dma_start3A_97 = arith.constant 0 : i32
      %dma_start3A_98 = tpu.memref_slice %arg4[%add3A_65, %dma_start3A_97] : memref<65536x128xf32, #tpu.memory_space<hbm>> -> memref<256x128xf32, #tpu.memory_space<hbm>>
      %dma_start3A_99 = arith.constant 0 : i32
      %dma_start3A_100 = tpu.memref_slice %arg4[%add3A_65, %dma_start3A_99] : memref<65536x128xf32, #tpu.memory_space<hbm>> -> memref<256x128xf32, #tpu.memory_space<hbm>>
      tpu.enqueue_dma source(%arg6 : memref<256x128xf32, #tpu.memory_space<vmem>>) target(%dma_start3A_100 : memref<256x128xf32, #tpu.memory_space<hbm>>) target_semaphore(%run_scoped3A : memref<!tpu.dma_semaphore, #tpu.memory_space<semaphore_mem>>)
      %dma_wait3A_101 = arith.constant 0 : i32
      %dma_wait3A_102 = tpu.memref_slice %arg4[%add3A_65, %dma_wait3A_101] : memref<65536x128xf32, #tpu.memory_space<hbm>> -> memref<256x128xf32, #tpu.memory_space<hbm>>
      %dma_wait3A_103 = arith.constant 0 : i32
      %dma_wait3A_104 = tpu.memref_slice %arg4[%add3A_65, %dma_wait3A_103] : memref<65536x128xf32, #tpu.memory_space<hbm>> -> memref<256x128xf32, #tpu.memory_space<hbm>>
      tpu.wait_dma2 semaphore(%run_scoped3A : memref<!tpu.dma_semaphore, #tpu.memory_space<semaphore_mem>>) src(%arg6 : memref<256x128xf32, #tpu.memory_space<vmem>>) dst(%dma_wait3A_104 : memref<256x128xf32, #tpu.memory_space<hbm>>)
      tpu.yield
    }) : () -> ()
    %dma_start3A_66 = arith.constant 1536 : i32
    %dma_start3A_67 = tpu.memref_slice %arg5[%dma_start3A_66] : memref<2048xi32, #tpu.memory_space<vmem>> -> memref<256xi32, #tpu.memory_space<vmem>>
    %dma_start3A_68 = arith.constant 0 : i32
    %dma_start3A_69 = arith.constant 0 : i32
    %dma_start3A_70 = tpu.memref_slice %arg2[%dma_start3A_68, %dma_start3A_69] : memref<8192x128xf32, #tpu.memory_space<hbm>> -> memref<8192x128xf32, #tpu.memory_space<hbm>>
    tpu.enqueue_indirect_dma source(%dma_start3A_70 : memref<8192x128xf32, #tpu.memory_space<hbm>>) target(%arg6 : memref<256x128xf32, #tpu.memory_space<vmem>>) offsets(%dma_start3A_67 : memref<256xi32, #tpu.memory_space<vmem>>) semaphore(%arg8 : memref<!tpu.dma_semaphore, #tpu.memory_space<semaphore_mem>>)
    %dma_wait3A_71 = arith.constant 1280 : i32
    %dma_wait3A_72 = tpu.memref_slice %arg5[%dma_wait3A_71] : memref<2048xi32, #tpu.memory_space<vmem>> -> memref<256xi32, #tpu.memory_space<vmem>>
    %dma_wait3A_73 = arith.constant 0 : i32
    %dma_wait3A_74 = arith.constant 0 : i32
    %dma_wait3A_75 = tpu.memref_slice %arg2[%dma_wait3A_73, %dma_wait3A_74] : memref<8192x128xf32, #tpu.memory_space<hbm>> -> memref<8192x128xf32, #tpu.memory_space<hbm>>
    tpu.wait_indirect_dma semaphore(%arg9 : memref<!tpu.dma_semaphore, #tpu.memory_space<semaphore_mem>>) src(%dma_wait3A_75 : memref<8192x128xf32, #tpu.memory_space<hbm>>) dst(%arg7 : memref<256x128xf32, #tpu.memory_space<vmem>>)
    %add3A_76 = arith.constant 1280 : i32
    %add3A_77 = arith.addi %mul3A_2, %add3A_76 : i32
    "tpu.region"() ({
      %run_scoped3A = tpu.sem_alloc : memref<!tpu.dma_semaphore, #tpu.memory_space<semaphore_mem>>
      %dma_start3A_97 = arith.constant 0 : i32
      %dma_start3A_98 = tpu.memref_slice %arg4[%add3A_77, %dma_start3A_97] : memref<65536x128xf32, #tpu.memory_space<hbm>> -> memref<256x128xf32, #tpu.memory_space<hbm>>
      %dma_start3A_99 = arith.constant 0 : i32
      %dma_start3A_100 = tpu.memref_slice %arg4[%add3A_77, %dma_start3A_99] : memref<65536x128xf32, #tpu.memory_space<hbm>> -> memref<256x128xf32, #tpu.memory_space<hbm>>
      tpu.enqueue_dma source(%arg7 : memref<256x128xf32, #tpu.memory_space<vmem>>) target(%dma_start3A_100 : memref<256x128xf32, #tpu.memory_space<hbm>>) target_semaphore(%run_scoped3A : memref<!tpu.dma_semaphore, #tpu.memory_space<semaphore_mem>>)
      %dma_wait3A_101 = arith.constant 0 : i32
      %dma_wait3A_102 = tpu.memref_slice %arg4[%add3A_77, %dma_wait3A_101] : memref<65536x128xf32, #tpu.memory_space<hbm>> -> memref<256x128xf32, #tpu.memory_space<hbm>>
      %dma_wait3A_103 = arith.constant 0 : i32
      %dma_wait3A_104 = tpu.memref_slice %arg4[%add3A_77, %dma_wait3A_103] : memref<65536x128xf32, #tpu.memory_space<hbm>> -> memref<256x128xf32, #tpu.memory_space<hbm>>
      tpu.wait_dma2 semaphore(%run_scoped3A : memref<!tpu.dma_semaphore, #tpu.memory_space<semaphore_mem>>) src(%arg7 : memref<256x128xf32, #tpu.memory_space<vmem>>) dst(%dma_wait3A_104 : memref<256x128xf32, #tpu.memory_space<hbm>>)
      tpu.yield
    }) : () -> ()
    %dma_start3A_78 = arith.constant 1792 : i32
    %dma_start3A_79 = tpu.memref_slice %arg5[%dma_start3A_78] : memref<2048xi32, #tpu.memory_space<vmem>> -> memref<256xi32, #tpu.memory_space<vmem>>
    %dma_start3A_80 = arith.constant 0 : i32
    %dma_start3A_81 = arith.constant 0 : i32
    %dma_start3A_82 = tpu.memref_slice %arg2[%dma_start3A_80, %dma_start3A_81] : memref<8192x128xf32, #tpu.memory_space<hbm>> -> memref<8192x128xf32, #tpu.memory_space<hbm>>
    tpu.enqueue_indirect_dma source(%dma_start3A_82 : memref<8192x128xf32, #tpu.memory_space<hbm>>) target(%arg7 : memref<256x128xf32, #tpu.memory_space<vmem>>) offsets(%dma_start3A_79 : memref<256xi32, #tpu.memory_space<vmem>>) semaphore(%arg9 : memref<!tpu.dma_semaphore, #tpu.memory_space<semaphore_mem>>)
    %dma_wait3A_83 = arith.constant 1536 : i32
    %dma_wait3A_84 = tpu.memref_slice %arg5[%dma_wait3A_83] : memref<2048xi32, #tpu.memory_space<vmem>> -> memref<256xi32, #tpu.memory_space<vmem>>
    %dma_wait3A_85 = arith.constant 0 : i32
    %dma_wait3A_86 = arith.constant 0 : i32
    %dma_wait3A_87 = tpu.memref_slice %arg2[%dma_wait3A_85, %dma_wait3A_86] : memref<8192x128xf32, #tpu.memory_space<hbm>> -> memref<8192x128xf32, #tpu.memory_space<hbm>>
    tpu.wait_indirect_dma semaphore(%arg8 : memref<!tpu.dma_semaphore, #tpu.memory_space<semaphore_mem>>) src(%dma_wait3A_87 : memref<8192x128xf32, #tpu.memory_space<hbm>>) dst(%arg6 : memref<256x128xf32, #tpu.memory_space<vmem>>)
    %add3A_88 = arith.constant 1536 : i32
    %add3A_89 = arith.addi %mul3A_2, %add3A_88 : i32
    "tpu.region"() ({
      %run_scoped3A = tpu.sem_alloc : memref<!tpu.dma_semaphore, #tpu.memory_space<semaphore_mem>>
      %dma_start3A_97 = arith.constant 0 : i32
      %dma_start3A_98 = tpu.memref_slice %arg4[%add3A_89, %dma_start3A_97] : memref<65536x128xf32, #tpu.memory_space<hbm>> -> memref<256x128xf32, #tpu.memory_space<hbm>>
      %dma_start3A_99 = arith.constant 0 : i32
      %dma_start3A_100 = tpu.memref_slice %arg4[%add3A_89, %dma_start3A_99] : memref<65536x128xf32, #tpu.memory_space<hbm>> -> memref<256x128xf32, #tpu.memory_space<hbm>>
      tpu.enqueue_dma source(%arg6 : memref<256x128xf32, #tpu.memory_space<vmem>>) target(%dma_start3A_100 : memref<256x128xf32, #tpu.memory_space<hbm>>) target_semaphore(%run_scoped3A : memref<!tpu.dma_semaphore, #tpu.memory_space<semaphore_mem>>)
      %dma_wait3A_101 = arith.constant 0 : i32
      %dma_wait3A_102 = tpu.memref_slice %arg4[%add3A_89, %dma_wait3A_101] : memref<65536x128xf32, #tpu.memory_space<hbm>> -> memref<256x128xf32, #tpu.memory_space<hbm>>
      %dma_wait3A_103 = arith.constant 0 : i32
      %dma_wait3A_104 = tpu.memref_slice %arg4[%add3A_89, %dma_wait3A_103] : memref<65536x128xf32, #tpu.memory_space<hbm>> -> memref<256x128xf32, #tpu.memory_space<hbm>>
      tpu.wait_dma2 semaphore(%run_scoped3A : memref<!tpu.dma_semaphore, #tpu.memory_space<semaphore_mem>>) src(%arg6 : memref<256x128xf32, #tpu.memory_space<vmem>>) dst(%dma_wait3A_104 : memref<256x128xf32, #tpu.memory_space<hbm>>)
      tpu.yield
    }) : () -> ()
    %dma_wait3A_90 = arith.constant 1792 : i32
    %dma_wait3A_91 = tpu.memref_slice %arg5[%dma_wait3A_90] : memref<2048xi32, #tpu.memory_space<vmem>> -> memref<256xi32, #tpu.memory_space<vmem>>
    %dma_wait3A_92 = arith.constant 0 : i32
    %dma_wait3A_93 = arith.constant 0 : i32
    %dma_wait3A_94 = tpu.memref_slice %arg2[%dma_wait3A_92, %dma_wait3A_93] : memref<8192x128xf32, #tpu.memory_space<hbm>> -> memref<8192x128xf32, #tpu.memory_space<hbm>>
    tpu.wait_indirect_dma semaphore(%arg9 : memref<!tpu.dma_semaphore, #tpu.memory_space<semaphore_mem>>) src(%dma_wait3A_94 : memref<8192x128xf32, #tpu.memory_space<hbm>>) dst(%arg7 : memref<256x128xf32, #tpu.memory_space<vmem>>)
    %add3A_95 = arith.constant 1792 : i32
    %add3A_96 = arith.addi %mul3A_2, %add3A_95 : i32
    "tpu.region"() ({
      %run_scoped3A = tpu.sem_alloc : memref<!tpu.dma_semaphore, #tpu.memory_space<semaphore_mem>>
      %dma_start3A_97 = arith.constant 0 : i32
      %dma_start3A_98 = tpu.memref_slice %arg4[%add3A_96, %dma_start3A_97] : memref<65536x128xf32, #tpu.memory_space<hbm>> -> memref<256x128xf32, #tpu.memory_space<hbm>>
      %dma_start3A_99 = arith.constant 0 : i32
      %dma_start3A_100 = tpu.memref_slice %arg4[%add3A_96, %dma_start3A_99] : memref<65536x128xf32, #tpu.memory_space<hbm>> -> memref<256x128xf32, #tpu.memory_space<hbm>>
      tpu.enqueue_dma source(%arg7 : memref<256x128xf32, #tpu.memory_space<vmem>>) target(%dma_start3A_100 : memref<256x128xf32, #tpu.memory_space<hbm>>) target_semaphore(%run_scoped3A : memref<!tpu.dma_semaphore, #tpu.memory_space<semaphore_mem>>)
      %dma_wait3A_101 = arith.constant 0 : i32
      %dma_wait3A_102 = tpu.memref_slice %arg4[%add3A_96, %dma_wait3A_101] : memref<65536x128xf32, #tpu.memory_space<hbm>> -> memref<256x128xf32, #tpu.memory_space<hbm>>
      %dma_wait3A_103 = arith.constant 0 : i32
      %dma_wait3A_104 = tpu.memref_slice %arg4[%add3A_96, %dma_wait3A_103] : memref<65536x128xf32, #tpu.memory_space<hbm>> -> memref<256x128xf32, #tpu.memory_space<hbm>>
      tpu.wait_dma2 semaphore(%run_scoped3A : memref<!tpu.dma_semaphore, #tpu.memory_space<semaphore_mem>>) src(%arg7 : memref<256x128xf32, #tpu.memory_space<vmem>>) dst(%dma_wait3A_104 : memref<256x128xf32, #tpu.memory_space<hbm>>)
      tpu.yield
    }) : () -> ()
    return
  }
}

module attributes {stable_mosaic.version = 14 : i64} {
  func.func @_stage1_body(%arg0: i32, %arg1: memref<1x3x4096xf32, #tpu.memory_space<vmem>>, %arg2: memref<8x3xf32, #tpu.memory_space<vmem>>, %arg3: memref<8x1xf32, #tpu.memory_space<vmem>>, %arg4: memref<8x1xf32, #tpu.memory_space<vmem>>, %arg5: memref<64x16xf32, #tpu.memory_space<vmem>>, %arg6: memref<1x64xf32, #tpu.memory_space<vmem>>, %arg7: memref<1x64xf32, #tpu.memory_space<vmem>>, %arg8: memref<64x16xf32, #tpu.memory_space<vmem>>, %arg9: memref<1x64xf32, #tpu.memory_space<vmem>>, %arg10: memref<1x64xf32, #tpu.memory_space<vmem>>, %arg11: memref<1x8x4096xf32, #tpu.memory_space<vmem>>, %arg12: memref<1x4096x16xf32, #tpu.memory_space<vmem>>, %arg13: memref<1x1x4096xf32, #tpu.memory_space<vmem>>, %arg14: memref<1x4096x128xf32, #tpu.memory_space<vmem>>, %arg15: memref<1x4096x128xf32, #tpu.memory_space<vmem>>) attributes {dimension_semantics = [#tpu.dimension_semantics<arbitrary>], iteration_bounds = array<i64: 2>, scalar_prefetch = 0 : i64, scratch_operands = 0 : i64, tpu.core_type = #tpu.core_type<tc>, window_params = [{transform_indices = @transform_0, window_bounds = array<i64: 1, 3, 4096>}, {pipeline_mode = #tpu.pipeline_mode<synchronous>, transform_indices = @transform_1, window_bounds = array<i64: 8, 3>}, {pipeline_mode = #tpu.pipeline_mode<synchronous>, transform_indices = @transform_2, window_bounds = array<i64: 8, 1>}, {pipeline_mode = #tpu.pipeline_mode<synchronous>, transform_indices = @transform_3, window_bounds = array<i64: 8, 1>}, {pipeline_mode = #tpu.pipeline_mode<synchronous>, transform_indices = @transform_4, window_bounds = array<i64: 64, 16>}, {pipeline_mode = #tpu.pipeline_mode<synchronous>, transform_indices = @transform_5, window_bounds = array<i64: 1, 64>}, {pipeline_mode = #tpu.pipeline_mode<synchronous>, transform_indices = @transform_6, window_bounds = array<i64: 1, 64>}, {pipeline_mode = #tpu.pipeline_mode<synchronous>, transform_indices = @transform_7, window_bounds = array<i64: 64, 16>}, {pipeline_mode = #tpu.pipeline_mode<synchronous>, transform_indices = @transform_8, window_bounds = array<i64: 1, 64>}, {pipeline_mode = #tpu.pipeline_mode<synchronous>, transform_indices = @transform_9, window_bounds = array<i64: 1, 64>}, {transform_indices = @transform_10, window_bounds = array<i64: 1, 8, 4096>}, {transform_indices = @transform_11, window_bounds = array<i64: 1, 4096, 16>}, {transform_indices = @transform_12, window_bounds = array<i64: 1, 1, 4096>}, {transform_indices = @transform_13, window_bounds = array<i64: 1, 4096, 128>}, {transform_indices = @transform_14, window_bounds = array<i64: 1, 4096, 128>}]} {
    %get3A = arith.constant 0 : index
    %get3A_0 = arith.constant 0 : index
    %get3A_1 = arith.constant 0 : index
    %get3A_2 = vector.load %arg1[%get3A, %get3A_0, %get3A_1] : memref<1x3x4096xf32, #tpu.memory_space<vmem>>, vector<1x3x4096xf32>
    %get3A_3 = vector.shape_cast %get3A_2 : vector<1x3x4096xf32> to vector<3x4096xf32>
    %get3A_4 = arith.constant 0 : index
    %get3A_5 = arith.constant 0 : index
    %get3A_6 = vector.load %arg2[%get3A_4, %get3A_5] : memref<8x3xf32, #tpu.memory_space<vmem>>, vector<8x3xf32>
    %dot_general3A = arith.constant dense<0.000000e+00> : vector<8x4096xf32>
    %dot_general3A_7 = tpu.matmul %get3A_6, %get3A_3, %dot_general3A {dimension_numbers = #tpu.dot_dimension_numbers<[1], [0], [0], [1], [0, 0, 1, 1], [], []>, transpose_lhs_hint = false} : vector<8x3xf32>, vector<3x4096xf32>, vector<8x4096xf32> -> vector<8x4096xf32>
    %get3A_8 = arith.constant 0 : index
    %get3A_9 = arith.constant 0 : index
    %get3A_10 = vector.load %arg3[%get3A_8, %get3A_9] : memref<8x1xf32, #tpu.memory_space<vmem>>, vector<8x1xf32>
    %sqrt3A = arith.constant 1.000010e+00 : f32
    %sqrt3A_11 = math.sqrt %sqrt3A : f32
    %div3A = vector.broadcast %sqrt3A_11 : f32 to vector<8x1xf32>
    %div3A_12 = arith.divf %get3A_10, %div3A : vector<8x1xf32>
    %mul3A = vector.broadcast %div3A_12 : vector<8x1xf32> to vector<8x4096xf32>
    %mul3A_13 = arith.mulf %dot_general3A_7, %mul3A : vector<8x4096xf32>
    %get3A_14 = arith.constant 0 : index
    %get3A_15 = arith.constant 0 : index
    %get3A_16 = vector.load %arg4[%get3A_14, %get3A_15] : memref<8x1xf32, #tpu.memory_space<vmem>>, vector<8x1xf32>
    %add3A = vector.broadcast %get3A_16 : vector<8x1xf32> to vector<8x4096xf32>
    %add3A_17 = arith.addf %mul3A_13, %add3A : vector<8x4096xf32>
    %max3A = arith.constant 0.000000e+00 : f32
    %max3A_18 = vector.broadcast %max3A : f32 to vector<8x4096xf32>
    %max3A_19 = arith.maximumf %add3A_17, %max3A_18 : vector<8x4096xf32>
    %swap3A = arith.constant 0 : index
    %swap3A_20 = arith.constant 0 : index
    %swap3A_21 = arith.constant 0 : index
    %swap3A_22 = vector.load %arg11[%swap3A, %swap3A_20, %swap3A_21] : memref<1x8x4096xf32, #tpu.memory_space<vmem>>, vector<1x8x4096xf32>
    %swap3A_23 = vector.shape_cast %swap3A_22 : vector<1x8x4096xf32> to vector<8x4096xf32>
    %swap3A_24 = vector.shape_cast %max3A_19 : vector<8x4096xf32> to vector<1x8x4096xf32>
    tpu.vector_store %arg11[%swap3A, %swap3A_20, %swap3A_21], %swap3A_24 {strides = array<i32>} : memref<1x8x4096xf32, #tpu.memory_space<vmem>>, vector<1x8x4096xf32>,
    %mul3A_25 = arith.mulf %max3A_19, %max3A_19 : vector<8x4096xf32>
    %reduce_sum3A = arith.constant dense<0.000000e+00> : vector<4096xf32>
    %reduce_sum3A_26 = vector.multi_reduction <add>, %mul3A_25, %reduce_sum3A [0] : vector<8x4096xf32> to vector<4096xf32>
    %broadcast_in_dim3A = vector.shape_cast %reduce_sum3A_26 : vector<4096xf32> to vector<1x4096xf32>
    %swap3A_27 = arith.constant 0 : index
    %swap3A_28 = arith.constant 0 : index
    %swap3A_29 = arith.constant 0 : index
    %swap3A_30 = vector.load %arg13[%swap3A_27, %swap3A_28, %swap3A_29] : memref<1x1x4096xf32, #tpu.memory_space<vmem>>, vector<1x1x4096xf32>
    %swap3A_31 = vector.shape_cast %swap3A_30 : vector<1x1x4096xf32> to vector<1x4096xf32>
    %swap3A_32 = vector.shape_cast %broadcast_in_dim3A : vector<1x4096xf32> to vector<1x1x4096xf32>
    tpu.vector_store %arg13[%swap3A_27, %swap3A_28, %swap3A_29], %swap3A_32 {strides = array<i32>} : memref<1x1x4096xf32, #tpu.memory_space<vmem>>, vector<1x1x4096xf32>,
    %transpose3A = tpu.transpose %max3A_19, [1, 0] : vector<8x4096xf32> -> vector<4096x8xf32>
    %broadcast_in_dim3A_33 = arith.constant 0.000000e+00 : f32
    %broadcast_in_dim3A_34 = vector.broadcast %broadcast_in_dim3A_33 : f32 to vector<4096x8xf32>
    %concatenate3A = tpu.concatenate %transpose3A, %broadcast_in_dim3A_34 in 1 : vector<4096x8xf32>, vector<4096x8xf32> -> vector<4096x16xf32>
    %swap3A_35 = arith.constant 0 : index
    %swap3A_36 = arith.constant 0 : index
    %swap3A_37 = arith.constant 0 : index
    %swap3A_38 = vector.load %arg12[%swap3A_35, %swap3A_36, %swap3A_37] : memref<1x4096x16xf32, #tpu.memory_space<vmem>>, vector<1x4096x16xf32>
    %swap3A_39 = vector.shape_cast %swap3A_38 : vector<1x4096x16xf32> to vector<4096x16xf32>
    %swap3A_40 = vector.shape_cast %concatenate3A : vector<4096x16xf32> to vector<1x4096x16xf32>
    tpu.vector_store %arg12[%swap3A_35, %swap3A_36, %swap3A_37], %swap3A_40 {strides = array<i32>} : memref<1x4096x16xf32, #tpu.memory_space<vmem>>, vector<1x4096x16xf32>,
    %get3A_41 = arith.constant 0 : index
    %get3A_42 = arith.constant 0 : index
    %get3A_43 = vector.load %arg5[%get3A_41, %get3A_42] : memref<64x16xf32, #tpu.memory_space<vmem>>, vector<64x16xf32>
    %get3A_44 = arith.constant 0 : index
    %get3A_45 = arith.constant 0 : index
    %get3A_46 = vector.load %arg8[%get3A_44, %get3A_45] : memref<64x16xf32, #tpu.memory_space<vmem>>, vector<64x16xf32>
    %slice3A = vector.extract_strided_slice %get3A_43 {offsets = [0, 0], sizes = [64, 8], strides = [1, 1]} : vector<64x16xf32> to vector<64x8xf32>
    %slice3A_47 = vector.extract_strided_slice %get3A_43 {offsets = [0, 8], sizes = [64, 8], strides = [1, 1]} : vector<64x16xf32> to vector<64x8xf32>
    %slice3A_48 = vector.extract_strided_slice %get3A_43 {offsets = [0, 0], sizes = [64, 8], strides = [1, 1]} : vector<64x16xf32> to vector<64x8xf32>
    %sub3A = arith.subf %slice3A_47, %slice3A_48 : vector<64x8xf32>
    %slice3A_49 = vector.extract_strided_slice %get3A_46 {offsets = [0, 0], sizes = [64, 8], strides = [1, 1]} : vector<64x16xf32> to vector<64x8xf32>
    %slice3A_50 = vector.extract_strided_slice %get3A_46 {offsets = [0, 8], sizes = [64, 8], strides = [1, 1]} : vector<64x16xf32> to vector<64x8xf32>
    %slice3A_51 = vector.extract_strided_slice %get3A_46 {offsets = [0, 0], sizes = [64, 8], strides = [1, 1]} : vector<64x16xf32> to vector<64x8xf32>
    %sub3A_52 = arith.subf %slice3A_50, %slice3A_51 : vector<64x8xf32>
    %get3A_53 = arith.constant 0 : index
    %get3A_54 = arith.constant 0 : index
    %get3A_55 = vector.load %arg6[%get3A_53, %get3A_54] : memref<1x64xf32, #tpu.memory_space<vmem>>, vector<1x64xf32>
    %sqrt3A_56 = arith.constant 1.000010e+00 : f32
    %sqrt3A_57 = math.sqrt %sqrt3A_56 : f32
    %div3A_58 = vector.broadcast %sqrt3A_57 : f32 to vector<1x64xf32>
    %div3A_59 = arith.divf %get3A_55, %div3A_58 : vector<1x64xf32>
    %get3A_60 = arith.constant 0 : index
    %get3A_61 = arith.constant 0 : index
    %get3A_62 = vector.load %arg9[%get3A_60, %get3A_61] : memref<1x64xf32, #tpu.memory_space<vmem>>, vector<1x64xf32>
    %sqrt3A_63 = arith.constant 1.000010e+00 : f32
    %sqrt3A_64 = math.sqrt %sqrt3A_63 : f32
    %div3A_65 = vector.broadcast %sqrt3A_64 : f32 to vector<1x64xf32>
    %div3A_66 = arith.divf %get3A_62, %div3A_65 : vector<1x64xf32>
    %dot_general3A_67 = arith.constant dense<0.000000e+00> : vector<4096x64xf32>
    %dot_general3A_68 = tpu.matmul %transpose3A, %slice3A, %dot_general3A_67 {dimension_numbers = #tpu.dot_dimension_numbers<[1], [1], [0], [0], [0, 0, 1, 0], [], []>, transpose_lhs_hint = false} : vector<4096x8xf32>, vector<64x8xf32>, vector<4096x64xf32> -> vector<4096x64xf32>
    %mul3A_69 = vector.broadcast %div3A_59 : vector<1x64xf32> to vector<4096x64xf32>
    %mul3A_70 = arith.mulf %dot_general3A_68, %mul3A_69 : vector<4096x64xf32>
    %dot_general3A_71 = arith.constant dense<0.000000e+00> : vector<4096x64xf32>
    %dot_general3A_72 = tpu.matmul %transpose3A, %slice3A_49, %dot_general3A_71 {dimension_numbers = #tpu.dot_dimension_numbers<[1], [1], [0], [0], [0, 0, 1, 0], [], []>, transpose_lhs_hint = false} : vector<4096x8xf32>, vector<64x8xf32>, vector<4096x64xf32> -> vector<4096x64xf32>
    %mul3A_73 = vector.broadcast %div3A_66 : vector<1x64xf32> to vector<4096x64xf32>
    %mul3A_74 = arith.mulf %dot_general3A_72, %mul3A_73 : vector<4096x64xf32>
    %concatenate3A_75 = tpu.concatenate %mul3A_70, %mul3A_74 in 1 : vector<4096x64xf32>, vector<4096x64xf32> -> vector<4096x128xf32>
    %swap3A_76 = arith.constant 0 : index
    %swap3A_77 = arith.constant 0 : index
    %swap3A_78 = arith.constant 0 : index
    %swap3A_79 = vector.load %arg14[%swap3A_76, %swap3A_77, %swap3A_78] : memref<1x4096x128xf32, #tpu.memory_space<vmem>>, vector<1x4096x128xf32>
    %swap3A_80 = vector.shape_cast %swap3A_79 : vector<1x4096x128xf32> to vector<4096x128xf32>
    %swap3A_81 = vector.shape_cast %concatenate3A_75 : vector<4096x128xf32> to vector<1x4096x128xf32>
    tpu.vector_store %arg14[%swap3A_76, %swap3A_77, %swap3A_78], %swap3A_81 {strides = array<i32>} : memref<1x4096x128xf32, #tpu.memory_space<vmem>>, vector<1x4096x128xf32>,
    %dot_general3A_82 = arith.constant dense<0.000000e+00> : vector<4096x64xf32>
    %dot_general3A_83 = tpu.matmul %transpose3A, %sub3A, %dot_general3A_82 {dimension_numbers = #tpu.dot_dimension_numbers<[1], [1], [0], [0], [0, 0, 1, 0], [], []>, transpose_lhs_hint = false} : vector<4096x8xf32>, vector<64x8xf32>, vector<4096x64xf32> -> vector<4096x64xf32>
    %mul3A_84 = vector.broadcast %div3A_59 : vector<1x64xf32> to vector<4096x64xf32>
    %mul3A_85 = arith.mulf %dot_general3A_83, %mul3A_84 : vector<4096x64xf32>
    %get3A_86 = arith.constant 0 : index
    %get3A_87 = arith.constant 0 : index
    %get3A_88 = vector.load %arg7[%get3A_86, %get3A_87] : memref<1x64xf32, #tpu.memory_space<vmem>>, vector<1x64xf32>
    %add3A_89 = vector.broadcast %get3A_88 : vector<1x64xf32> to vector<4096x64xf32>
    %add3A_90 = arith.addf %mul3A_85, %add3A_89 : vector<4096x64xf32>
    %dot_general3A_91 = arith.constant dense<0.000000e+00> : vector<4096x64xf32>
    %dot_general3A_92 = tpu.matmul %transpose3A, %sub3A_52, %dot_general3A_91 {dimension_numbers = #tpu.dot_dimension_numbers<[1], [1], [0], [0], [0, 0, 1, 0], [], []>, transpose_lhs_hint = false} : vector<4096x8xf32>, vector<64x8xf32>, vector<4096x64xf32> -> vector<4096x64xf32>
    %mul3A_93 = vector.broadcast %div3A_66 : vector<1x64xf32> to vector<4096x64xf32>
    %mul3A_94 = arith.mulf %dot_general3A_92, %mul3A_93 : vector<4096x64xf32>
    %get3A_95 = arith.constant 0 : index
    %get3A_96 = arith.constant 0 : index
    %get3A_97 = vector.load %arg10[%get3A_95, %get3A_96] : memref<1x64xf32, #tpu.memory_space<vmem>>, vector<1x64xf32>
    %add3A_98 = vector.broadcast %get3A_97 : vector<1x64xf32> to vector<4096x64xf32>
    %add3A_99 = arith.addf %mul3A_94, %add3A_98 : vector<4096x64xf32>
    %concatenate3A_100 = tpu.concatenate %add3A_90, %add3A_99 in 1 : vector<4096x64xf32>, vector<4096x64xf32> -> vector<4096x128xf32>
    %swap3A_101 = arith.constant 0 : index
    %swap3A_102 = arith.constant 0 : index
    %swap3A_103 = arith.constant 0 : index
    %swap3A_104 = vector.load %arg15[%swap3A_101, %swap3A_102, %swap3A_103] : memref<1x4096x128xf32, #tpu.memory_space<vmem>>, vector<1x4096x128xf32>
    %swap3A_105 = vector.shape_cast %swap3A_104 : vector<1x4096x128xf32> to vector<4096x128xf32>
    %swap3A_106 = vector.shape_cast %concatenate3A_100 : vector<4096x128xf32> to vector<1x4096x128xf32>
    tpu.vector_store %arg15[%swap3A_101, %swap3A_102, %swap3A_103], %swap3A_106 {strides = array<i32>} : memref<1x4096x128xf32, #tpu.memory_space<vmem>>, vector<1x4096x128xf32>,
    return
  }
  func.func @transform_0(%arg0: i32) -> (i32, i32, i32) {
    %c0_i32 = arith.constant 0 : i32
    %c0_i32_0 = arith.constant 0 : i32
    %c0_i32_1 = arith.constant 0 : i32
    return %arg0, %c0_i32, %c0_i32_0 : i32, i32, i32
  }
  func.func @transform_1(%arg0: i32) -> (i32, i32) {
    %c0_i32 = arith.constant 0 : i32
    %c0_i32_0 = arith.constant 0 : i32
    %c0_i32_1 = arith.constant 0 : i32
    return %c0_i32, %c0_i32_0 : i32, i32
  }
  func.func @transform_2(%arg0: i32) -> (i32, i32) {
    %c0_i32 = arith.constant 0 : i32
    %c0_i32_0 = arith.constant 0 : i32
    %c0_i32_1 = arith.constant 0 : i32
    return %c0_i32, %c0_i32_0 : i32, i32
  }
  func.func @transform_3(%arg0: i32) -> (i32, i32) {
    %c0_i32 = arith.constant 0 : i32
    %c0_i32_0 = arith.constant 0 : i32
    %c0_i32_1 = arith.constant 0 : i32
    return %c0_i32, %c0_i32_0 : i32, i32
  }
  func.func @transform_4(%arg0: i32) -> (i32, i32) {
    %c0_i32 = arith.constant 0 : i32
    %c0_i32_0 = arith.constant 0 : i32
    %c0_i32_1 = arith.constant 0 : i32
    return %c0_i32, %c0_i32_0 : i32, i32
  }
  func.func @transform_5(%arg0: i32) -> (i32, i32) {
    %c0_i32 = arith.constant 0 : i32
    %c0_i32_0 = arith.constant 0 : i32
    %c0_i32_1 = arith.constant 0 : i32
    return %c0_i32, %c0_i32_0 : i32, i32
  }
  func.func @transform_6(%arg0: i32) -> (i32, i32) {
    %c0_i32 = arith.constant 0 : i32
    %c0_i32_0 = arith.constant 0 : i32
    %c0_i32_1 = arith.constant 0 : i32
    return %c0_i32, %c0_i32_0 : i32, i32
  }
  func.func @transform_7(%arg0: i32) -> (i32, i32) {
    %c0_i32 = arith.constant 0 : i32
    %c0_i32_0 = arith.constant 0 : i32
    %c0_i32_1 = arith.constant 0 : i32
    return %c0_i32, %c0_i32_0 : i32, i32
  }
  func.func @transform_8(%arg0: i32) -> (i32, i32) {
    %c0_i32 = arith.constant 0 : i32
    %c0_i32_0 = arith.constant 0 : i32
    %c0_i32_1 = arith.constant 0 : i32
    return %c0_i32, %c0_i32_0 : i32, i32
  }
  func.func @transform_9(%arg0: i32) -> (i32, i32) {
    %c0_i32 = arith.constant 0 : i32
    %c0_i32_0 = arith.constant 0 : i32
    %c0_i32_1 = arith.constant 0 : i32
    return %c0_i32, %c0_i32_0 : i32, i32
  }
  func.func @transform_10(%arg0: i32) -> (i32, i32, i32) {
    %c0_i32 = arith.constant 0 : i32
    %c0_i32_0 = arith.constant 0 : i32
    %c0_i32_1 = arith.constant 0 : i32
    return %arg0, %c0_i32, %c0_i32_0 : i32, i32, i32
  }
  func.func @transform_11(%arg0: i32) -> (i32, i32, i32) {
    %c0_i32 = arith.constant 0 : i32
    %c0_i32_0 = arith.constant 0 : i32
    %c0_i32_1 = arith.constant 0 : i32
    return %arg0, %c0_i32, %c0_i32_0 : i32, i32, i32
  }
  func.func @transform_12(%arg0: i32) -> (i32, i32, i32) {
    %c0_i32 = arith.constant 0 : i32
    %c0_i32_0 = arith.constant 0 : i32
    %c0_i32_1 = arith.constant 0 : i32
    return %arg0, %c0_i32, %c0_i32_0 : i32, i32, i32
  }
  func.func @transform_13(%arg0: i32) -> (i32, i32, i32) {
    %c0_i32 = arith.constant 0 : i32
    %c0_i32_0 = arith.constant 0 : i32
    %c0_i32_1 = arith.constant 0 : i32
    return %arg0, %c0_i32, %c0_i32_0 : i32, i32, i32
  }
  func.func @transform_14(%arg0: i32) -> (i32, i32, i32) {
    %c0_i32 = arith.constant 0 : i32
    %c0_i32_0 = arith.constant 0 : i32
    %c0_i32_1 = arith.constant 0 : i32
    return %arg0, %c0_i32, %c0_i32_0 : i32, i32, i32
  }
}

module attributes {stable_mosaic.version = 14 : i64} {
  func.func @_knn_body(%arg0: i32, %arg1: memref<1x256x16xf32, #tpu.memory_space<vmem>>, %arg2: memref<1x8x4096xf32, #tpu.memory_space<vmem>>, %arg3: memref<1x1x4096xf32, #tpu.memory_space<vmem>>, %arg4: memref<256x16xi32, #tpu.memory_space<vmem>>) attributes {dimension_semantics = [#tpu.dimension_semantics<arbitrary>], iteration_bounds = array<i64: 16>, scalar_prefetch = 0 : i64, scratch_operands = 0 : i64, tpu.core_type = #tpu.core_type<tc>, window_params = [{transform_indices = @transform_0, window_bounds = array<i64: 1, 256, 16>}, {transform_indices = @transform_1, window_bounds = array<i64: 1, 8, 4096>}, {transform_indices = @transform_2, window_bounds = array<i64: 1, 1, 4096>}, {transform_indices = @transform_3, window_bounds = array<i64: 256, 16>}]} {
    %get3A = arith.constant 0 : index
    %get3A_0 = arith.constant 0 : index
    %get3A_1 = arith.constant 0 : index
    %get3A_2 = vector.load %arg1[%get3A, %get3A_0, %get3A_1] : memref<1x256x16xf32, #tpu.memory_space<vmem>>, vector<1x256x16xf32>
    %get3A_3 = vector.shape_cast %get3A_2 : vector<1x256x16xf32> to vector<256x16xf32>
    %slice3A = vector.extract_strided_slice %get3A_3 {offsets = [0, 0], sizes = [256, 8], strides = [1, 1]} : vector<256x16xf32> to vector<256x8xf32>
    %get3A_4 = arith.constant 0 : index
    %get3A_5 = arith.constant 0 : index
    %get3A_6 = arith.constant 0 : index
    %get3A_7 = vector.load %arg2[%get3A_4, %get3A_5, %get3A_6] : memref<1x8x4096xf32, #tpu.memory_space<vmem>>, vector<1x8x4096xf32>
    %get3A_8 = vector.shape_cast %get3A_7 : vector<1x8x4096xf32> to vector<8x4096xf32>
    %get3A_9 = arith.constant 0 : index
    %get3A_10 = arith.constant 0 : index
    %get3A_11 = arith.constant 0 : index
    %get3A_12 = vector.load %arg3[%get3A_9, %get3A_10, %get3A_11] : memref<1x1x4096xf32, #tpu.memory_space<vmem>>, vector<1x1x4096xf32>
    %get3A_13 = vector.shape_cast %get3A_12 : vector<1x1x4096xf32> to vector<1x4096xf32>
    %dot_general3A = arith.constant dense<0.000000e+00> : vector<256x4096xf32>
    %dot_general3A_14 = tpu.matmul %slice3A, %get3A_8, %dot_general3A {dimension_numbers = #tpu.dot_dimension_numbers<[1], [0], [0], [1], [0, 0, 1, 1], [], []>, transpose_lhs_hint = false} : vector<256x8xf32>, vector<8x4096xf32>, vector<256x4096xf32> -> vector<256x4096xf32>
    %mul3A = arith.constant 2.000000e+00 : f32
    %mul3A_15 = vector.broadcast %mul3A : f32 to vector<256x4096xf32>
    %mul3A_16 = arith.mulf %mul3A_15, %dot_general3A_14 : vector<256x4096xf32>
    %sub3A = vector.broadcast %get3A_13 : vector<1x4096xf32> to vector<256x4096xf32>
    %sub3A_17 = arith.subf %mul3A_16, %sub3A : vector<256x4096xf32>
    %iota3A = tpu.iota {dimensions = array<i32: 1>} : vector<256x4096xi32>
    %convert_element_type3A = arith.sitofp %iota3A : vector<256x4096xi32> to vector<256x4096xf32>
    %sub3A_18 = arith.constant 4.096000e+03 : f32
    %sub3A_19 = vector.broadcast %sub3A_18 : f32 to vector<256x4096xf32>
    %sub3A_20 = arith.subf %sub3A_19, %convert_element_type3A : vector<256x4096xf32>
    %reduce_max3A = arith.constant dense<0xFF800000> : vector<256xf32>
    %reduce_max3A_21 = vector.multi_reduction <maximumf>, %sub3A_17, %reduce_max3A [1] : vector<256x4096xf32> to vector<256xf32>
    %broadcast_in_dim3A = vector.shape_cast %reduce_max3A_21 : vector<256xf32> to vector<256x1xf32>
    %eq3A = vector.broadcast %broadcast_in_dim3A : vector<256x1xf32> to vector<256x4096xf32>
    %eq3A_22 = arith.cmpf oeq, %sub3A_17, %eq3A : vector<256x4096xf32>
    %jit3A = arith.constant 0.000000e+00 : f32
    %broadcast_in_dim3A_23 = vector.broadcast %jit3A : f32 to vector<256x4096xf32>
    %select_n3A = arith.select %eq3A_22, %sub3A_20, %broadcast_in_dim3A_23 : vector<256x4096xi1>, vector<256x4096xf32>
    %reduce_max3A_24 = arith.constant dense<0xFF800000> : vector<256xf32>
    %reduce_max3A_25 = vector.multi_reduction <maximumf>, %select_n3A, %reduce_max3A_24 [1] : vector<256x4096xf32> to vector<256xf32>
    %broadcast_in_dim3A_26 = vector.shape_cast %reduce_max3A_25 : vector<256xf32> to vector<256x1xf32>
    %eq3A_27 = vector.broadcast %broadcast_in_dim3A_26 : vector<256x1xf32> to vector<256x4096xf32>
    %eq3A_28 = arith.cmpf oeq, %sub3A_20, %eq3A_27 : vector<256x4096xf32>
    %jit3A_29 = arith.constant 0xFF800000 : f32
    %broadcast_in_dim3A_30 = vector.broadcast %jit3A_29 : f32 to vector<256x4096xf32>
    %select_n3A_31 = arith.select %eq3A_28, %broadcast_in_dim3A_30, %sub3A_17 : vector<256x4096xi1>, vector<256x4096xf32>
    %reduce_max3A_32 = arith.constant dense<0xFF800000> : vector<256xf32>
    %reduce_max3A_33 = vector.multi_reduction <maximumf>, %select_n3A_31, %reduce_max3A_32 [1] : vector<256x4096xf32> to vector<256xf32>
    %broadcast_in_dim3A_34 = vector.shape_cast %reduce_max3A_33 : vector<256xf32> to vector<256x1xf32>
    %eq3A_35 = vector.broadcast %broadcast_in_dim3A_34 : vector<256x1xf32> to vector<256x4096xf32>
    %eq3A_36 = arith.cmpf oeq, %select_n3A_31, %eq3A_35 : vector<256x4096xf32>
    %jit3A_37 = arith.constant 0.000000e+00 : f32
    %broadcast_in_dim3A_38 = vector.broadcast %jit3A_37 : f32 to vector<256x4096xf32>
    %select_n3A_39 = arith.select %eq3A_36, %sub3A_20, %broadcast_in_dim3A_38 : vector<256x4096xi1>, vector<256x4096xf32>
    %reduce_max3A_40 = arith.constant dense<0xFF800000> : vector<256xf32>
    %reduce_max3A_41 = vector.multi_reduction <maximumf>, %select_n3A_39, %reduce_max3A_40 [1] : vector<256x4096xf32> to vector<256xf32>
    %broadcast_in_dim3A_42 = vector.shape_cast %reduce_max3A_41 : vector<256xf32> to vector<256x1xf32>
    %eq3A_43 = vector.broadcast %broadcast_in_dim3A_42 : vector<256x1xf32> to vector<256x4096xf32>
    %eq3A_44 = arith.cmpf oeq, %sub3A_20, %eq3A_43 : vector<256x4096xf32>
    %jit3A_45 = arith.constant 0xFF800000 : f32
    %broadcast_in_dim3A_46 = vector.broadcast %jit3A_45 : f32 to vector<256x4096xf32>
    %select_n3A_47 = arith.select %eq3A_44, %broadcast_in_dim3A_46, %select_n3A_31 : vector<256x4096xi1>, vector<256x4096xf32>
    %reduce_max3A_48 = arith.constant dense<0xFF800000> : vector<256xf32>
    %reduce_max3A_49 = vector.multi_reduction <maximumf>, %select_n3A_47, %reduce_max3A_48 [1] : vector<256x4096xf32> to vector<256xf32>
    %broadcast_in_dim3A_50 = vector.shape_cast %reduce_max3A_49 : vector<256xf32> to vector<256x1xf32>
    %eq3A_51 = vector.broadcast %broadcast_in_dim3A_50 : vector<256x1xf32> to vector<256x4096xf32>
    %eq3A_52 = arith.cmpf oeq, %select_n3A_47, %eq3A_51 : vector<256x4096xf32>
    %jit3A_53 = arith.constant 0.000000e+00 : f32
    %broadcast_in_dim3A_54 = vector.broadcast %jit3A_53 : f32 to vector<256x4096xf32>
    %select_n3A_55 = arith.select %eq3A_52, %sub3A_20, %broadcast_in_dim3A_54 : vector<256x4096xi1>, vector<256x4096xf32>
    %reduce_max3A_56 = arith.constant dense<0xFF800000> : vector<256xf32>
    %reduce_max3A_57 = vector.multi_reduction <maximumf>, %select_n3A_55, %reduce_max3A_56 [1] : vector<256x4096xf32> to vector<256xf32>
    %broadcast_in_dim3A_58 = vector.shape_cast %reduce_max3A_57 : vector<256xf32> to vector<256x1xf32>
    %eq3A_59 = vector.broadcast %broadcast_in_dim3A_58 : vector<256x1xf32> to vector<256x4096xf32>
    %eq3A_60 = arith.cmpf oeq, %sub3A_20, %eq3A_59 : vector<256x4096xf32>
    %jit3A_61 = arith.constant 0xFF800000 : f32
    %broadcast_in_dim3A_62 = vector.broadcast %jit3A_61 : f32 to vector<256x4096xf32>
    %select_n3A_63 = arith.select %eq3A_60, %broadcast_in_dim3A_62, %select_n3A_47 : vector<256x4096xi1>, vector<256x4096xf32>
    %reduce_max3A_64 = arith.constant dense<0xFF800000> : vector<256xf32>
    %reduce_max3A_65 = vector.multi_reduction <maximumf>, %select_n3A_63, %reduce_max3A_64 [1] : vector<256x4096xf32> to vector<256xf32>
    %broadcast_in_dim3A_66 = vector.shape_cast %reduce_max3A_65 : vector<256xf32> to vector<256x1xf32>
    %eq3A_67 = vector.broadcast %broadcast_in_dim3A_66 : vector<256x1xf32> to vector<256x4096xf32>
    %eq3A_68 = arith.cmpf oeq, %select_n3A_63, %eq3A_67 : vector<256x4096xf32>
    %jit3A_69 = arith.constant 0.000000e+00 : f32
    %broadcast_in_dim3A_70 = vector.broadcast %jit3A_69 : f32 to vector<256x4096xf32>
    %select_n3A_71 = arith.select %eq3A_68, %sub3A_20, %broadcast_in_dim3A_70 : vector<256x4096xi1>, vector<256x4096xf32>
    %reduce_max3A_72 = arith.constant dense<0xFF800000> : vector<256xf32>
    %reduce_max3A_73 = vector.multi_reduction <maximumf>, %select_n3A_71, %reduce_max3A_72 [1] : vector<256x4096xf32> to vector<256xf32>
    %broadcast_in_dim3A_74 = vector.shape_cast %reduce_max3A_73 : vector<256xf32> to vector<256x1xf32>
    %eq3A_75 = vector.broadcast %broadcast_in_dim3A_74 : vector<256x1xf32> to vector<256x4096xf32>
    %eq3A_76 = arith.cmpf oeq, %sub3A_20, %eq3A_75 : vector<256x4096xf32>
    %jit3A_77 = arith.constant 0xFF800000 : f32
    %broadcast_in_dim3A_78 = vector.broadcast %jit3A_77 : f32 to vector<256x4096xf32>
    %select_n3A_79 = arith.select %eq3A_76, %broadcast_in_dim3A_78, %select_n3A_63 : vector<256x4096xi1>, vector<256x4096xf32>
    %reduce_max3A_80 = arith.constant dense<0xFF800000> : vector<256xf32>
    %reduce_max3A_81 = vector.multi_reduction <maximumf>, %select_n3A_79, %reduce_max3A_80 [1] : vector<256x4096xf32> to vector<256xf32>
    %broadcast_in_dim3A_82 = vector.shape_cast %reduce_max3A_81 : vector<256xf32> to vector<256x1xf32>
    %eq3A_83 = vector.broadcast %broadcast_in_dim3A_82 : vector<256x1xf32> to vector<256x4096xf32>
    %eq3A_84 = arith.cmpf oeq, %select_n3A_79, %eq3A_83 : vector<256x4096xf32>
    %jit3A_85 = arith.constant 0.000000e+00 : f32
    %broadcast_in_dim3A_86 = vector.broadcast %jit3A_85 : f32 to vector<256x4096xf32>
    %select_n3A_87 = arith.select %eq3A_84, %sub3A_20, %broadcast_in_dim3A_86 : vector<256x4096xi1>, vector<256x4096xf32>
    %reduce_max3A_88 = arith.constant dense<0xFF800000> : vector<256xf32>
    %reduce_max3A_89 = vector.multi_reduction <maximumf>, %select_n3A_87, %reduce_max3A_88 [1] : vector<256x4096xf32> to vector<256xf32>
    %broadcast_in_dim3A_90 = vector.shape_cast %reduce_max3A_89 : vector<256xf32> to vector<256x1xf32>
    %eq3A_91 = vector.broadcast %broadcast_in_dim3A_90 : vector<256x1xf32> to vector<256x4096xf32>
    %eq3A_92 = arith.cmpf oeq, %sub3A_20, %eq3A_91 : vector<256x4096xf32>
    %jit3A_93 = arith.constant 0xFF800000 : f32
    %broadcast_in_dim3A_94 = vector.broadcast %jit3A_93 : f32 to vector<256x4096xf32>
    %select_n3A_95 = arith.select %eq3A_92, %broadcast_in_dim3A_94, %select_n3A_79 : vector<256x4096xi1>, vector<256x4096xf32>
    %reduce_max3A_96 = arith.constant dense<0xFF800000> : vector<256xf32>
    %reduce_max3A_97 = vector.multi_reduction <maximumf>, %select_n3A_95, %reduce_max3A_96 [1] : vector<256x4096xf32> to vector<256xf32>
    %broadcast_in_dim3A_98 = vector.shape_cast %reduce_max3A_97 : vector<256xf32> to vector<256x1xf32>
    %eq3A_99 = vector.broadcast %broadcast_in_dim3A_98 : vector<256x1xf32> to vector<256x4096xf32>
    %eq3A_100 = arith.cmpf oeq, %select_n3A_95, %eq3A_99 : vector<256x4096xf32>
    %jit3A_101 = arith.constant 0.000000e+00 : f32
    %broadcast_in_dim3A_102 = vector.broadcast %jit3A_101 : f32 to vector<256x4096xf32>
    %select_n3A_103 = arith.select %eq3A_100, %sub3A_20, %broadcast_in_dim3A_102 : vector<256x4096xi1>, vector<256x4096xf32>
    %reduce_max3A_104 = arith.constant dense<0xFF800000> : vector<256xf32>
    %reduce_max3A_105 = vector.multi_reduction <maximumf>, %select_n3A_103, %reduce_max3A_104 [1] : vector<256x4096xf32> to vector<256xf32>
    %broadcast_in_dim3A_106 = vector.shape_cast %reduce_max3A_105 : vector<256xf32> to vector<256x1xf32>
    %eq3A_107 = vector.broadcast %broadcast_in_dim3A_106 : vector<256x1xf32> to vector<256x4096xf32>
    %eq3A_108 = arith.cmpf oeq, %sub3A_20, %eq3A_107 : vector<256x4096xf32>
    %jit3A_109 = arith.constant 0xFF800000 : f32
    %broadcast_in_dim3A_110 = vector.broadcast %jit3A_109 : f32 to vector<256x4096xf32>
    %select_n3A_111 = arith.select %eq3A_108, %broadcast_in_dim3A_110, %select_n3A_95 : vector<256x4096xi1>, vector<256x4096xf32>
    %reduce_max3A_112 = arith.constant dense<0xFF800000> : vector<256xf32>
    %reduce_max3A_113 = vector.multi_reduction <maximumf>, %select_n3A_111, %reduce_max3A_112 [1] : vector<256x4096xf32> to vector<256xf32>
    %broadcast_in_dim3A_114 = vector.shape_cast %reduce_max3A_113 : vector<256xf32> to vector<256x1xf32>
    %eq3A_115 = vector.broadcast %broadcast_in_dim3A_114 : vector<256x1xf32> to vector<256x4096xf32>
    %eq3A_116 = arith.cmpf oeq, %select_n3A_111, %eq3A_115 : vector<256x4096xf32>
    %jit3A_117 = arith.constant 0.000000e+00 : f32
    %broadcast_in_dim3A_118 = vector.broadcast %jit3A_117 : f32 to vector<256x4096xf32>
    %select_n3A_119 = arith.select %eq3A_116, %sub3A_20, %broadcast_in_dim3A_118 : vector<256x4096xi1>, vector<256x4096xf32>
    %reduce_max3A_120 = arith.constant dense<0xFF800000> : vector<256xf32>
    %reduce_max3A_121 = vector.multi_reduction <maximumf>, %select_n3A_119, %reduce_max3A_120 [1] : vector<256x4096xf32> to vector<256xf32>
    %broadcast_in_dim3A_122 = vector.shape_cast %reduce_max3A_121 : vector<256xf32> to vector<256x1xf32>
    %eq3A_123 = vector.broadcast %broadcast_in_dim3A_122 : vector<256x1xf32> to vector<256x4096xf32>
    %eq3A_124 = arith.cmpf oeq, %sub3A_20, %eq3A_123 : vector<256x4096xf32>
    %jit3A_125 = arith.constant 0xFF800000 : f32
    %broadcast_in_dim3A_126 = vector.broadcast %jit3A_125 : f32 to vector<256x4096xf32>
    %select_n3A_127 = arith.select %eq3A_124, %broadcast_in_dim3A_126, %select_n3A_111 : vector<256x4096xi1>, vector<256x4096xf32>
    %reduce_max3A_128 = arith.constant dense<0xFF800000> : vector<256xf32>
    %reduce_max3A_129 = vector.multi_reduction <maximumf>, %select_n3A_127, %reduce_max3A_128 [1] : vector<256x4096xf32> to vector<256xf32>
    %broadcast_in_dim3A_130 = vector.shape_cast %reduce_max3A_129 : vector<256xf32> to vector<256x1xf32>
    %eq3A_131 = vector.broadcast %broadcast_in_dim3A_130 : vector<256x1xf32> to vector<256x4096xf32>
    %eq3A_132 = arith.cmpf oeq, %select_n3A_127, %eq3A_131 : vector<256x4096xf32>
    %jit3A_133 = arith.constant 0.000000e+00 : f32
    %broadcast_in_dim3A_134 = vector.broadcast %jit3A_133 : f32 to vector<256x4096xf32>
    %select_n3A_135 = arith.select %eq3A_132, %sub3A_20, %broadcast_in_dim3A_134 : vector<256x4096xi1>, vector<256x4096xf32>
    %reduce_max3A_136 = arith.constant dense<0xFF800000> : vector<256xf32>
    %reduce_max3A_137 = vector.multi_reduction <maximumf>, %select_n3A_135, %reduce_max3A_136 [1] : vector<256x4096xf32> to vector<256xf32>
    %broadcast_in_dim3A_138 = vector.shape_cast %reduce_max3A_137 : vector<256xf32> to vector<256x1xf32>
    %eq3A_139 = vector.broadcast %broadcast_in_dim3A_138 : vector<256x1xf32> to vector<256x4096xf32>
    %eq3A_140 = arith.cmpf oeq, %sub3A_20, %eq3A_139 : vector<256x4096xf32>
    %jit3A_141 = arith.constant 0xFF800000 : f32
    %broadcast_in_dim3A_142 = vector.broadcast %jit3A_141 : f32 to vector<256x4096xf32>
    %select_n3A_143 = arith.select %eq3A_140, %broadcast_in_dim3A_142, %select_n3A_127 : vector<256x4096xi1>, vector<256x4096xf32>
    %reduce_max3A_144 = arith.constant dense<0xFF800000> : vector<256xf32>
    %reduce_max3A_145 = vector.multi_reduction <maximumf>, %select_n3A_143, %reduce_max3A_144 [1] : vector<256x4096xf32> to vector<256xf32>
    %broadcast_in_dim3A_146 = vector.shape_cast %reduce_max3A_145 : vector<256xf32> to vector<256x1xf32>
    %eq3A_147 = vector.broadcast %broadcast_in_dim3A_146 : vector<256x1xf32> to vector<256x4096xf32>
    %eq3A_148 = arith.cmpf oeq, %select_n3A_143, %eq3A_147 : vector<256x4096xf32>
    %jit3A_149 = arith.constant 0.000000e+00 : f32
    %broadcast_in_dim3A_150 = vector.broadcast %jit3A_149 : f32 to vector<256x4096xf32>
    %select_n3A_151 = arith.select %eq3A_148, %sub3A_20, %broadcast_in_dim3A_150 : vector<256x4096xi1>, vector<256x4096xf32>
    %reduce_max3A_152 = arith.constant dense<0xFF800000> : vector<256xf32>
    %reduce_max3A_153 = vector.multi_reduction <maximumf>, %select_n3A_151, %reduce_max3A_152 [1] : vector<256x4096xf32> to vector<256xf32>
    %broadcast_in_dim3A_154 = vector.shape_cast %reduce_max3A_153 : vector<256xf32> to vector<256x1xf32>
    %eq3A_155 = vector.broadcast %broadcast_in_dim3A_154 : vector<256x1xf32> to vector<256x4096xf32>
    %eq3A_156 = arith.cmpf oeq, %sub3A_20, %eq3A_155 : vector<256x4096xf32>
    %jit3A_157 = arith.constant 0xFF800000 : f32
    %broadcast_in_dim3A_158 = vector.broadcast %jit3A_157 : f32 to vector<256x4096xf32>
    %select_n3A_159 = arith.select %eq3A_156, %broadcast_in_dim3A_158, %select_n3A_143 : vector<256x4096xi1>, vector<256x4096xf32>
    %reduce_max3A_160 = arith.constant dense<0xFF800000> : vector<256xf32>
    %reduce_max3A_161 = vector.multi_reduction <maximumf>, %select_n3A_159, %reduce_max3A_160 [1] : vector<256x4096xf32> to vector<256xf32>
    %broadcast_in_dim3A_162 = vector.shape_cast %reduce_max3A_161 : vector<256xf32> to vector<256x1xf32>
    %eq3A_163 = vector.broadcast %broadcast_in_dim3A_162 : vector<256x1xf32> to vector<256x4096xf32>
    %eq3A_164 = arith.cmpf oeq, %select_n3A_159, %eq3A_163 : vector<256x4096xf32>
    %jit3A_165 = arith.constant 0.000000e+00 : f32
    %broadcast_in_dim3A_166 = vector.broadcast %jit3A_165 : f32 to vector<256x4096xf32>
    %select_n3A_167 = arith.select %eq3A_164, %sub3A_20, %broadcast_in_dim3A_166 : vector<256x4096xi1>, vector<256x4096xf32>
    %reduce_max3A_168 = arith.constant dense<0xFF800000> : vector<256xf32>
    %reduce_max3A_169 = vector.multi_reduction <maximumf>, %select_n3A_167, %reduce_max3A_168 [1] : vector<256x4096xf32> to vector<256xf32>
    %broadcast_in_dim3A_170 = vector.shape_cast %reduce_max3A_169 : vector<256xf32> to vector<256x1xf32>
    %eq3A_171 = vector.broadcast %broadcast_in_dim3A_170 : vector<256x1xf32> to vector<256x4096xf32>
    %eq3A_172 = arith.cmpf oeq, %sub3A_20, %eq3A_171 : vector<256x4096xf32>
    %jit3A_173 = arith.constant 0xFF800000 : f32
    %broadcast_in_dim3A_174 = vector.broadcast %jit3A_173 : f32 to vector<256x4096xf32>
    %select_n3A_175 = arith.select %eq3A_172, %broadcast_in_dim3A_174, %select_n3A_159 : vector<256x4096xi1>, vector<256x4096xf32>
    %reduce_max3A_176 = arith.constant dense<0xFF800000> : vector<256xf32>
    %reduce_max3A_177 = vector.multi_reduction <maximumf>, %select_n3A_175, %reduce_max3A_176 [1] : vector<256x4096xf32> to vector<256xf32>
    %broadcast_in_dim3A_178 = vector.shape_cast %reduce_max3A_177 : vector<256xf32> to vector<256x1xf32>
    %eq3A_179 = vector.broadcast %broadcast_in_dim3A_178 : vector<256x1xf32> to vector<256x4096xf32>
    %eq3A_180 = arith.cmpf oeq, %select_n3A_175, %eq3A_179 : vector<256x4096xf32>
    %jit3A_181 = arith.constant 0.000000e+00 : f32
    %broadcast_in_dim3A_182 = vector.broadcast %jit3A_181 : f32 to vector<256x4096xf32>
    %select_n3A_183 = arith.select %eq3A_180, %sub3A_20, %broadcast_in_dim3A_182 : vector<256x4096xi1>, vector<256x4096xf32>
    %reduce_max3A_184 = arith.constant dense<0xFF800000> : vector<256xf32>
    %reduce_max3A_185 = vector.multi_reduction <maximumf>, %select_n3A_183, %reduce_max3A_184 [1] : vector<256x4096xf32> to vector<256xf32>
    %broadcast_in_dim3A_186 = vector.shape_cast %reduce_max3A_185 : vector<256xf32> to vector<256x1xf32>
    %eq3A_187 = vector.broadcast %broadcast_in_dim3A_186 : vector<256x1xf32> to vector<256x4096xf32>
    %eq3A_188 = arith.cmpf oeq, %sub3A_20, %eq3A_187 : vector<256x4096xf32>
    %jit3A_189 = arith.constant 0xFF800000 : f32
    %broadcast_in_dim3A_190 = vector.broadcast %jit3A_189 : f32 to vector<256x4096xf32>
    %select_n3A_191 = arith.select %eq3A_188, %broadcast_in_dim3A_190, %select_n3A_175 : vector<256x4096xi1>, vector<256x4096xf32>
    %reduce_max3A_192 = arith.constant dense<0xFF800000> : vector<256xf32>
    %reduce_max3A_193 = vector.multi_reduction <maximumf>, %select_n3A_191, %reduce_max3A_192 [1] : vector<256x4096xf32> to vector<256xf32>
    %broadcast_in_dim3A_194 = vector.shape_cast %reduce_max3A_193 : vector<256xf32> to vector<256x1xf32>
    %eq3A_195 = vector.broadcast %broadcast_in_dim3A_194 : vector<256x1xf32> to vector<256x4096xf32>
    %eq3A_196 = arith.cmpf oeq, %select_n3A_191, %eq3A_195 : vector<256x4096xf32>
    %jit3A_197 = arith.constant 0.000000e+00 : f32
    %broadcast_in_dim3A_198 = vector.broadcast %jit3A_197 : f32 to vector<256x4096xf32>
    %select_n3A_199 = arith.select %eq3A_196, %sub3A_20, %broadcast_in_dim3A_198 : vector<256x4096xi1>, vector<256x4096xf32>
    %reduce_max3A_200 = arith.constant dense<0xFF800000> : vector<256xf32>
    %reduce_max3A_201 = vector.multi_reduction <maximumf>, %select_n3A_199, %reduce_max3A_200 [1] : vector<256x4096xf32> to vector<256xf32>
    %broadcast_in_dim3A_202 = vector.shape_cast %reduce_max3A_201 : vector<256xf32> to vector<256x1xf32>
    %eq3A_203 = vector.broadcast %broadcast_in_dim3A_202 : vector<256x1xf32> to vector<256x4096xf32>
    %eq3A_204 = arith.cmpf oeq, %sub3A_20, %eq3A_203 : vector<256x4096xf32>
    %jit3A_205 = arith.constant 0xFF800000 : f32
    %broadcast_in_dim3A_206 = vector.broadcast %jit3A_205 : f32 to vector<256x4096xf32>
    %select_n3A_207 = arith.select %eq3A_204, %broadcast_in_dim3A_206, %select_n3A_191 : vector<256x4096xi1>, vector<256x4096xf32>
    %reduce_max3A_208 = arith.constant dense<0xFF800000> : vector<256xf32>
    %reduce_max3A_209 = vector.multi_reduction <maximumf>, %select_n3A_207, %reduce_max3A_208 [1] : vector<256x4096xf32> to vector<256xf32>
    %broadcast_in_dim3A_210 = vector.shape_cast %reduce_max3A_209 : vector<256xf32> to vector<256x1xf32>
    %eq3A_211 = vector.broadcast %broadcast_in_dim3A_210 : vector<256x1xf32> to vector<256x4096xf32>
    %eq3A_212 = arith.cmpf oeq, %select_n3A_207, %eq3A_211 : vector<256x4096xf32>
    %jit3A_213 = arith.constant 0.000000e+00 : f32
    %broadcast_in_dim3A_214 = vector.broadcast %jit3A_213 : f32 to vector<256x4096xf32>
    %select_n3A_215 = arith.select %eq3A_212, %sub3A_20, %broadcast_in_dim3A_214 : vector<256x4096xi1>, vector<256x4096xf32>
    %reduce_max3A_216 = arith.constant dense<0xFF800000> : vector<256xf32>
    %reduce_max3A_217 = vector.multi_reduction <maximumf>, %select_n3A_215, %reduce_max3A_216 [1] : vector<256x4096xf32> to vector<256xf32>
    %broadcast_in_dim3A_218 = vector.shape_cast %reduce_max3A_217 : vector<256xf32> to vector<256x1xf32>
    %eq3A_219 = vector.broadcast %broadcast_in_dim3A_218 : vector<256x1xf32> to vector<256x4096xf32>
    %eq3A_220 = arith.cmpf oeq, %sub3A_20, %eq3A_219 : vector<256x4096xf32>
    %jit3A_221 = arith.constant 0xFF800000 : f32
    %broadcast_in_dim3A_222 = vector.broadcast %jit3A_221 : f32 to vector<256x4096xf32>
    %select_n3A_223 = arith.select %eq3A_220, %broadcast_in_dim3A_222, %select_n3A_207 : vector<256x4096xi1>, vector<256x4096xf32>
    %reduce_max3A_224 = arith.constant dense<0xFF800000> : vector<256xf32>
    %reduce_max3A_225 = vector.multi_reduction <maximumf>, %select_n3A_223, %reduce_max3A_224 [1] : vector<256x4096xf32> to vector<256xf32>
    %broadcast_in_dim3A_226 = vector.shape_cast %reduce_max3A_225 : vector<256xf32> to vector<256x1xf32>
    %eq3A_227 = vector.broadcast %broadcast_in_dim3A_226 : vector<256x1xf32> to vector<256x4096xf32>
    %eq3A_228 = arith.cmpf oeq, %select_n3A_223, %eq3A_227 : vector<256x4096xf32>
    %jit3A_229 = arith.constant 0.000000e+00 : f32
    %broadcast_in_dim3A_230 = vector.broadcast %jit3A_229 : f32 to vector<256x4096xf32>
    %select_n3A_231 = arith.select %eq3A_228, %sub3A_20, %broadcast_in_dim3A_230 : vector<256x4096xi1>, vector<256x4096xf32>
    %reduce_max3A_232 = arith.constant dense<0xFF800000> : vector<256xf32>
    %reduce_max3A_233 = vector.multi_reduction <maximumf>, %select_n3A_231, %reduce_max3A_232 [1] : vector<256x4096xf32> to vector<256xf32>
    %broadcast_in_dim3A_234 = vector.shape_cast %reduce_max3A_233 : vector<256xf32> to vector<256x1xf32>
    %eq3A_235 = vector.broadcast %broadcast_in_dim3A_234 : vector<256x1xf32> to vector<256x4096xf32>
    %eq3A_236 = arith.cmpf oeq, %sub3A_20, %eq3A_235 : vector<256x4096xf32>
    %jit3A_237 = arith.constant 0xFF800000 : f32
    %broadcast_in_dim3A_238 = vector.broadcast %jit3A_237 : f32 to vector<256x4096xf32>
    %select_n3A_239 = arith.select %eq3A_236, %broadcast_in_dim3A_238, %select_n3A_223 : vector<256x4096xi1>, vector<256x4096xf32>
    %reduce_max3A_240 = arith.constant dense<0xFF800000> : vector<256xf32>
    %reduce_max3A_241 = vector.multi_reduction <maximumf>, %select_n3A_239, %reduce_max3A_240 [1] : vector<256x4096xf32> to vector<256xf32>
    %broadcast_in_dim3A_242 = vector.shape_cast %reduce_max3A_241 : vector<256xf32> to vector<256x1xf32>
    %eq3A_243 = vector.broadcast %broadcast_in_dim3A_242 : vector<256x1xf32> to vector<256x4096xf32>
    %eq3A_244 = arith.cmpf oeq, %select_n3A_239, %eq3A_243 : vector<256x4096xf32>
    %jit3A_245 = arith.constant 0.000000e+00 : f32
    %broadcast_in_dim3A_246 = vector.broadcast %jit3A_245 : f32 to vector<256x4096xf32>
    %select_n3A_247 = arith.select %eq3A_244, %sub3A_20, %broadcast_in_dim3A_246 : vector<256x4096xi1>, vector<256x4096xf32>
    %reduce_max3A_248 = arith.constant dense<0xFF800000> : vector<256xf32>
    %reduce_max3A_249 = vector.multi_reduction <maximumf>, %select_n3A_247, %reduce_max3A_248 [1] : vector<256x4096xf32> to vector<256xf32>
    %broadcast_in_dim3A_250 = vector.shape_cast %reduce_max3A_249 : vector<256xf32> to vector<256x1xf32>
    %eq3A_251 = vector.broadcast %broadcast_in_dim3A_250 : vector<256x1xf32> to vector<256x4096xf32>
    %eq3A_252 = arith.cmpf oeq, %sub3A_20, %eq3A_251 : vector<256x4096xf32>
    %jit3A_253 = arith.constant 0xFF800000 : f32
    %broadcast_in_dim3A_254 = vector.broadcast %jit3A_253 : f32 to vector<256x4096xf32>
    %select_n3A_255 = arith.select %eq3A_252, %broadcast_in_dim3A_254, %select_n3A_239 : vector<256x4096xi1>, vector<256x4096xf32>
    %reduce_max3A_256 = arith.constant dense<0xFF800000> : vector<256xf32>
    %reduce_max3A_257 = vector.multi_reduction <maximumf>, %select_n3A_255, %reduce_max3A_256 [1] : vector<256x4096xf32> to vector<256xf32>
    %broadcast_in_dim3A_258 = vector.shape_cast %reduce_max3A_257 : vector<256xf32> to vector<256x1xf32>
    %eq3A_259 = vector.broadcast %broadcast_in_dim3A_258 : vector<256x1xf32> to vector<256x4096xf32>
    %eq3A_260 = arith.cmpf oeq, %select_n3A_255, %eq3A_259 : vector<256x4096xf32>
    %jit3A_261 = arith.constant 0.000000e+00 : f32
    %broadcast_in_dim3A_262 = vector.broadcast %jit3A_261 : f32 to vector<256x4096xf32>
    %select_n3A_263 = arith.select %eq3A_260, %sub3A_20, %broadcast_in_dim3A_262 : vector<256x4096xi1>, vector<256x4096xf32>
    %reduce_max3A_264 = arith.constant dense<0xFF800000> : vector<256xf32>
    %reduce_max3A_265 = vector.multi_reduction <maximumf>, %select_n3A_263, %reduce_max3A_264 [1] : vector<256x4096xf32> to vector<256xf32>
    %broadcast_in_dim3A_266 = vector.shape_cast %reduce_max3A_265 : vector<256xf32> to vector<256x1xf32>
    %concatenate3A = tpu.concatenate %broadcast_in_dim3A_26, %broadcast_in_dim3A_42, %broadcast_in_dim3A_58, %broadcast_in_dim3A_74, %broadcast_in_dim3A_90, %broadcast_in_dim3A_106, %broadcast_in_dim3A_122, %broadcast_in_dim3A_138, %broadcast_in_dim3A_154, %broadcast_in_dim3A_170, %broadcast_in_dim3A_186, %broadcast_in_dim3A_202, %broadcast_in_dim3A_218, %broadcast_in_dim3A_234, %broadcast_in_dim3A_250, %broadcast_in_dim3A_266 in 1 : vector<256x1xf32>, vector<256x1xf32>, vector<256x1xf32>, vector<256x1xf32>, vector<256x1xf32>, vector<256x1xf32>, vector<256x1xf32>, vector<256x1xf32>, vector<256x1xf32>, vector<256x1xf32>, vector<256x1xf32>, vector<256x1xf32>, vector<256x1xf32>, vector<256x1xf32>, vector<256x1xf32>, vector<256x1xf32> -> vector<256x16xf32>
    %sub3A_267 = arith.constant 4.096000e+03 : f32
    %sub3A_268 = vector.broadcast %sub3A_267 : f32 to vector<256x16xf32>
    %sub3A_269 = arith.subf %sub3A_268, %concatenate3A : vector<256x16xf32>
    %convert_element_type3A_270 = arith.fptosi %sub3A_269 : vector<256x16xf32> to vector<256x16xi32>
    %add3A = arith.constant 0 : i32
    %add3A_271 = vector.broadcast %add3A : i32 to vector<256x16xi32>
    %add3A_272 = arith.addi %convert_element_type3A_270, %add3A_271 : vector<256x16xi32>
    %swap3A = arith.constant 0 : index
    %swap3A_273 = arith.constant 0 : index
    %swap3A_274 = vector.load %arg4[%swap3A, %swap3A_273] : memref<256x16xi32, #tpu.memory_space<vmem>>, vector<256x16xi32>
    tpu.vector_store %arg4[%swap3A, %swap3A_273], %add3A_272 {strides = array<i32>} : memref<256x16xi32, #tpu.memory_space<vmem>>, vector<256x16xi32>,
    return
  }
  func.func @transform_0(%arg0: i32) -> (i32, i32, i32) {
    %c0_i32 = arith.constant 0 : i32
    %c0_i32_0 = arith.constant 0 : i32
    %c0_i32_1 = arith.constant 0 : i32
    return %c0_i32, %arg0, %c0_i32_0 : i32, i32, i32
  }
  func.func @transform_1(%arg0: i32) -> (i32, i32, i32) {
    %c0_i32 = arith.constant 0 : i32
    %c0_i32_0 = arith.constant 0 : i32
    %c0_i32_1 = arith.constant 0 : i32
    %c0_i32_2 = arith.constant 0 : i32
    return %c0_i32, %c0_i32_0, %c0_i32_1 : i32, i32, i32
  }
  func.func @transform_2(%arg0: i32) -> (i32, i32, i32) {
    %c0_i32 = arith.constant 0 : i32
    %c0_i32_0 = arith.constant 0 : i32
    %c0_i32_1 = arith.constant 0 : i32
    %c0_i32_2 = arith.constant 0 : i32
    return %c0_i32, %c0_i32_0, %c0_i32_1 : i32, i32, i32
  }
  func.func @transform_3(%arg0: i32) -> (i32, i32) {
    %c0_i32 = arith.constant 0 : i32
    %c0_i32_0 = arith.constant 0 : i32
    return %arg0, %c0_i32 : i32, i32
  }
}

module attributes {stable_mosaic.version = 14 : i64} {
  func.func @_knn_body(%arg0: i32, %arg1: memref<1x256x16xf32, #tpu.memory_space<vmem>>, %arg2: memref<1x8x4096xf32, #tpu.memory_space<vmem>>, %arg3: memref<1x1x4096xf32, #tpu.memory_space<vmem>>, %arg4: memref<256x16xi32, #tpu.memory_space<vmem>>) attributes {dimension_semantics = [#tpu.dimension_semantics<arbitrary>], iteration_bounds = array<i64: 16>, scalar_prefetch = 0 : i64, scratch_operands = 0 : i64, tpu.core_type = #tpu.core_type<tc>, window_params = [{transform_indices = @transform_0, window_bounds = array<i64: 1, 256, 16>}, {transform_indices = @transform_1, window_bounds = array<i64: 1, 8, 4096>}, {transform_indices = @transform_2, window_bounds = array<i64: 1, 1, 4096>}, {transform_indices = @transform_3, window_bounds = array<i64: 256, 16>}]} {
    %get3A = arith.constant 0 : index
    %get3A_0 = arith.constant 0 : index
    %get3A_1 = arith.constant 0 : index
    %get3A_2 = vector.load %arg1[%get3A, %get3A_0, %get3A_1] : memref<1x256x16xf32, #tpu.memory_space<vmem>>, vector<1x256x16xf32>
    %get3A_3 = vector.shape_cast %get3A_2 : vector<1x256x16xf32> to vector<256x16xf32>
    %slice3A = vector.extract_strided_slice %get3A_3 {offsets = [0, 0], sizes = [256, 8], strides = [1, 1]} : vector<256x16xf32> to vector<256x8xf32>
    %get3A_4 = arith.constant 0 : index
    %get3A_5 = arith.constant 0 : index
    %get3A_6 = arith.constant 0 : index
    %get3A_7 = vector.load %arg2[%get3A_4, %get3A_5, %get3A_6] : memref<1x8x4096xf32, #tpu.memory_space<vmem>>, vector<1x8x4096xf32>
    %get3A_8 = vector.shape_cast %get3A_7 : vector<1x8x4096xf32> to vector<8x4096xf32>
    %get3A_9 = arith.constant 0 : index
    %get3A_10 = arith.constant 0 : index
    %get3A_11 = arith.constant 0 : index
    %get3A_12 = vector.load %arg3[%get3A_9, %get3A_10, %get3A_11] : memref<1x1x4096xf32, #tpu.memory_space<vmem>>, vector<1x1x4096xf32>
    %get3A_13 = vector.shape_cast %get3A_12 : vector<1x1x4096xf32> to vector<1x4096xf32>
    %dot_general3A = arith.constant dense<0.000000e+00> : vector<256x4096xf32>
    %dot_general3A_14 = tpu.matmul %slice3A, %get3A_8, %dot_general3A {dimension_numbers = #tpu.dot_dimension_numbers<[1], [0], [0], [1], [0, 0, 1, 1], [], []>, transpose_lhs_hint = false} : vector<256x8xf32>, vector<8x4096xf32>, vector<256x4096xf32> -> vector<256x4096xf32>
    %mul3A = arith.constant 2.000000e+00 : f32
    %mul3A_15 = vector.broadcast %mul3A : f32 to vector<256x4096xf32>
    %mul3A_16 = arith.mulf %mul3A_15, %dot_general3A_14 : vector<256x4096xf32>
    %sub3A = vector.broadcast %get3A_13 : vector<1x4096xf32> to vector<256x4096xf32>
    %sub3A_17 = arith.subf %mul3A_16, %sub3A : vector<256x4096xf32>
    %iota3A = tpu.iota {dimensions = array<i32: 1>} : vector<256x4096xi32>
    %convert_element_type3A = arith.sitofp %iota3A : vector<256x4096xi32> to vector<256x4096xf32>
    %sub3A_18 = arith.constant 4.096000e+03 : f32
    %sub3A_19 = vector.broadcast %sub3A_18 : f32 to vector<256x4096xf32>
    %sub3A_20 = arith.subf %sub3A_19, %convert_element_type3A : vector<256x4096xf32>
    %reduce_max3A = arith.constant dense<0xFF800000> : vector<256xf32>
    %reduce_max3A_21 = vector.multi_reduction <maximumf>, %sub3A_17, %reduce_max3A [1] : vector<256x4096xf32> to vector<256xf32>
    %broadcast_in_dim3A = vector.shape_cast %reduce_max3A_21 : vector<256xf32> to vector<256x1xf32>
    %eq3A = vector.broadcast %broadcast_in_dim3A : vector<256x1xf32> to vector<256x4096xf32>
    %eq3A_22 = arith.cmpf oeq, %sub3A_17, %eq3A : vector<256x4096xf32>
    %jit3A = arith.constant 0.000000e+00 : f32
    %broadcast_in_dim3A_23 = vector.broadcast %jit3A : f32 to vector<256x4096xf32>
    %select_n3A = arith.select %eq3A_22, %sub3A_20, %broadcast_in_dim3A_23 : vector<256x4096xi1>, vector<256x4096xf32>
    %reduce_max3A_24 = arith.constant dense<0xFF800000> : vector<256xf32>
    %reduce_max3A_25 = vector.multi_reduction <maximumf>, %select_n3A, %reduce_max3A_24 [1] : vector<256x4096xf32> to vector<256xf32>
    %broadcast_in_dim3A_26 = vector.shape_cast %reduce_max3A_25 : vector<256xf32> to vector<256x1xf32>
    %eq3A_27 = vector.broadcast %broadcast_in_dim3A_26 : vector<256x1xf32> to vector<256x4096xf32>
    %eq3A_28 = arith.cmpf oeq, %sub3A_20, %eq3A_27 : vector<256x4096xf32>
    %jit3A_29 = arith.constant 0xFF800000 : f32
    %broadcast_in_dim3A_30 = vector.broadcast %jit3A_29 : f32 to vector<256x4096xf32>
    %select_n3A_31 = arith.select %eq3A_28, %broadcast_in_dim3A_30, %sub3A_17 : vector<256x4096xi1>, vector<256x4096xf32>
    %reduce_max3A_32 = arith.constant dense<0xFF800000> : vector<256xf32>
    %reduce_max3A_33 = vector.multi_reduction <maximumf>, %select_n3A_31, %reduce_max3A_32 [1] : vector<256x4096xf32> to vector<256xf32>
    %broadcast_in_dim3A_34 = vector.shape_cast %reduce_max3A_33 : vector<256xf32> to vector<256x1xf32>
    %eq3A_35 = vector.broadcast %broadcast_in_dim3A_34 : vector<256x1xf32> to vector<256x4096xf32>
    %eq3A_36 = arith.cmpf oeq, %select_n3A_31, %eq3A_35 : vector<256x4096xf32>
    %jit3A_37 = arith.constant 0.000000e+00 : f32
    %broadcast_in_dim3A_38 = vector.broadcast %jit3A_37 : f32 to vector<256x4096xf32>
    %select_n3A_39 = arith.select %eq3A_36, %sub3A_20, %broadcast_in_dim3A_38 : vector<256x4096xi1>, vector<256x4096xf32>
    %reduce_max3A_40 = arith.constant dense<0xFF800000> : vector<256xf32>
    %reduce_max3A_41 = vector.multi_reduction <maximumf>, %select_n3A_39, %reduce_max3A_40 [1] : vector<256x4096xf32> to vector<256xf32>
    %broadcast_in_dim3A_42 = vector.shape_cast %reduce_max3A_41 : vector<256xf32> to vector<256x1xf32>
    %eq3A_43 = vector.broadcast %broadcast_in_dim3A_42 : vector<256x1xf32> to vector<256x4096xf32>
    %eq3A_44 = arith.cmpf oeq, %sub3A_20, %eq3A_43 : vector<256x4096xf32>
    %jit3A_45 = arith.constant 0xFF800000 : f32
    %broadcast_in_dim3A_46 = vector.broadcast %jit3A_45 : f32 to vector<256x4096xf32>
    %select_n3A_47 = arith.select %eq3A_44, %broadcast_in_dim3A_46, %select_n3A_31 : vector<256x4096xi1>, vector<256x4096xf32>
    %reduce_max3A_48 = arith.constant dense<0xFF800000> : vector<256xf32>
    %reduce_max3A_49 = vector.multi_reduction <maximumf>, %select_n3A_47, %reduce_max3A_48 [1] : vector<256x4096xf32> to vector<256xf32>
    %broadcast_in_dim3A_50 = vector.shape_cast %reduce_max3A_49 : vector<256xf32> to vector<256x1xf32>
    %eq3A_51 = vector.broadcast %broadcast_in_dim3A_50 : vector<256x1xf32> to vector<256x4096xf32>
    %eq3A_52 = arith.cmpf oeq, %select_n3A_47, %eq3A_51 : vector<256x4096xf32>
    %jit3A_53 = arith.constant 0.000000e+00 : f32
    %broadcast_in_dim3A_54 = vector.broadcast %jit3A_53 : f32 to vector<256x4096xf32>
    %select_n3A_55 = arith.select %eq3A_52, %sub3A_20, %broadcast_in_dim3A_54 : vector<256x4096xi1>, vector<256x4096xf32>
    %reduce_max3A_56 = arith.constant dense<0xFF800000> : vector<256xf32>
    %reduce_max3A_57 = vector.multi_reduction <maximumf>, %select_n3A_55, %reduce_max3A_56 [1] : vector<256x4096xf32> to vector<256xf32>
    %broadcast_in_dim3A_58 = vector.shape_cast %reduce_max3A_57 : vector<256xf32> to vector<256x1xf32>
    %eq3A_59 = vector.broadcast %broadcast_in_dim3A_58 : vector<256x1xf32> to vector<256x4096xf32>
    %eq3A_60 = arith.cmpf oeq, %sub3A_20, %eq3A_59 : vector<256x4096xf32>
    %jit3A_61 = arith.constant 0xFF800000 : f32
    %broadcast_in_dim3A_62 = vector.broadcast %jit3A_61 : f32 to vector<256x4096xf32>
    %select_n3A_63 = arith.select %eq3A_60, %broadcast_in_dim3A_62, %select_n3A_47 : vector<256x4096xi1>, vector<256x4096xf32>
    %reduce_max3A_64 = arith.constant dense<0xFF800000> : vector<256xf32>
    %reduce_max3A_65 = vector.multi_reduction <maximumf>, %select_n3A_63, %reduce_max3A_64 [1] : vector<256x4096xf32> to vector<256xf32>
    %broadcast_in_dim3A_66 = vector.shape_cast %reduce_max3A_65 : vector<256xf32> to vector<256x1xf32>
    %eq3A_67 = vector.broadcast %broadcast_in_dim3A_66 : vector<256x1xf32> to vector<256x4096xf32>
    %eq3A_68 = arith.cmpf oeq, %select_n3A_63, %eq3A_67 : vector<256x4096xf32>
    %jit3A_69 = arith.constant 0.000000e+00 : f32
    %broadcast_in_dim3A_70 = vector.broadcast %jit3A_69 : f32 to vector<256x4096xf32>
    %select_n3A_71 = arith.select %eq3A_68, %sub3A_20, %broadcast_in_dim3A_70 : vector<256x4096xi1>, vector<256x4096xf32>
    %reduce_max3A_72 = arith.constant dense<0xFF800000> : vector<256xf32>
    %reduce_max3A_73 = vector.multi_reduction <maximumf>, %select_n3A_71, %reduce_max3A_72 [1] : vector<256x4096xf32> to vector<256xf32>
    %broadcast_in_dim3A_74 = vector.shape_cast %reduce_max3A_73 : vector<256xf32> to vector<256x1xf32>
    %eq3A_75 = vector.broadcast %broadcast_in_dim3A_74 : vector<256x1xf32> to vector<256x4096xf32>
    %eq3A_76 = arith.cmpf oeq, %sub3A_20, %eq3A_75 : vector<256x4096xf32>
    %jit3A_77 = arith.constant 0xFF800000 : f32
    %broadcast_in_dim3A_78 = vector.broadcast %jit3A_77 : f32 to vector<256x4096xf32>
    %select_n3A_79 = arith.select %eq3A_76, %broadcast_in_dim3A_78, %select_n3A_63 : vector<256x4096xi1>, vector<256x4096xf32>
    %reduce_max3A_80 = arith.constant dense<0xFF800000> : vector<256xf32>
    %reduce_max3A_81 = vector.multi_reduction <maximumf>, %select_n3A_79, %reduce_max3A_80 [1] : vector<256x4096xf32> to vector<256xf32>
    %broadcast_in_dim3A_82 = vector.shape_cast %reduce_max3A_81 : vector<256xf32> to vector<256x1xf32>
    %eq3A_83 = vector.broadcast %broadcast_in_dim3A_82 : vector<256x1xf32> to vector<256x4096xf32>
    %eq3A_84 = arith.cmpf oeq, %select_n3A_79, %eq3A_83 : vector<256x4096xf32>
    %jit3A_85 = arith.constant 0.000000e+00 : f32
    %broadcast_in_dim3A_86 = vector.broadcast %jit3A_85 : f32 to vector<256x4096xf32>
    %select_n3A_87 = arith.select %eq3A_84, %sub3A_20, %broadcast_in_dim3A_86 : vector<256x4096xi1>, vector<256x4096xf32>
    %reduce_max3A_88 = arith.constant dense<0xFF800000> : vector<256xf32>
    %reduce_max3A_89 = vector.multi_reduction <maximumf>, %select_n3A_87, %reduce_max3A_88 [1] : vector<256x4096xf32> to vector<256xf32>
    %broadcast_in_dim3A_90 = vector.shape_cast %reduce_max3A_89 : vector<256xf32> to vector<256x1xf32>
    %eq3A_91 = vector.broadcast %broadcast_in_dim3A_90 : vector<256x1xf32> to vector<256x4096xf32>
    %eq3A_92 = arith.cmpf oeq, %sub3A_20, %eq3A_91 : vector<256x4096xf32>
    %jit3A_93 = arith.constant 0xFF800000 : f32
    %broadcast_in_dim3A_94 = vector.broadcast %jit3A_93 : f32 to vector<256x4096xf32>
    %select_n3A_95 = arith.select %eq3A_92, %broadcast_in_dim3A_94, %select_n3A_79 : vector<256x4096xi1>, vector<256x4096xf32>
    %reduce_max3A_96 = arith.constant dense<0xFF800000> : vector<256xf32>
    %reduce_max3A_97 = vector.multi_reduction <maximumf>, %select_n3A_95, %reduce_max3A_96 [1] : vector<256x4096xf32> to vector<256xf32>
    %broadcast_in_dim3A_98 = vector.shape_cast %reduce_max3A_97 : vector<256xf32> to vector<256x1xf32>
    %eq3A_99 = vector.broadcast %broadcast_in_dim3A_98 : vector<256x1xf32> to vector<256x4096xf32>
    %eq3A_100 = arith.cmpf oeq, %select_n3A_95, %eq3A_99 : vector<256x4096xf32>
    %jit3A_101 = arith.constant 0.000000e+00 : f32
    %broadcast_in_dim3A_102 = vector.broadcast %jit3A_101 : f32 to vector<256x4096xf32>
    %select_n3A_103 = arith.select %eq3A_100, %sub3A_20, %broadcast_in_dim3A_102 : vector<256x4096xi1>, vector<256x4096xf32>
    %reduce_max3A_104 = arith.constant dense<0xFF800000> : vector<256xf32>
    %reduce_max3A_105 = vector.multi_reduction <maximumf>, %select_n3A_103, %reduce_max3A_104 [1] : vector<256x4096xf32> to vector<256xf32>
    %broadcast_in_dim3A_106 = vector.shape_cast %reduce_max3A_105 : vector<256xf32> to vector<256x1xf32>
    %eq3A_107 = vector.broadcast %broadcast_in_dim3A_106 : vector<256x1xf32> to vector<256x4096xf32>
    %eq3A_108 = arith.cmpf oeq, %sub3A_20, %eq3A_107 : vector<256x4096xf32>
    %jit3A_109 = arith.constant 0xFF800000 : f32
    %broadcast_in_dim3A_110 = vector.broadcast %jit3A_109 : f32 to vector<256x4096xf32>
    %select_n3A_111 = arith.select %eq3A_108, %broadcast_in_dim3A_110, %select_n3A_95 : vector<256x4096xi1>, vector<256x4096xf32>
    %reduce_max3A_112 = arith.constant dense<0xFF800000> : vector<256xf32>
    %reduce_max3A_113 = vector.multi_reduction <maximumf>, %select_n3A_111, %reduce_max3A_112 [1] : vector<256x4096xf32> to vector<256xf32>
    %broadcast_in_dim3A_114 = vector.shape_cast %reduce_max3A_113 : vector<256xf32> to vector<256x1xf32>
    %eq3A_115 = vector.broadcast %broadcast_in_dim3A_114 : vector<256x1xf32> to vector<256x4096xf32>
    %eq3A_116 = arith.cmpf oeq, %select_n3A_111, %eq3A_115 : vector<256x4096xf32>
    %jit3A_117 = arith.constant 0.000000e+00 : f32
    %broadcast_in_dim3A_118 = vector.broadcast %jit3A_117 : f32 to vector<256x4096xf32>
    %select_n3A_119 = arith.select %eq3A_116, %sub3A_20, %broadcast_in_dim3A_118 : vector<256x4096xi1>, vector<256x4096xf32>
    %reduce_max3A_120 = arith.constant dense<0xFF800000> : vector<256xf32>
    %reduce_max3A_121 = vector.multi_reduction <maximumf>, %select_n3A_119, %reduce_max3A_120 [1] : vector<256x4096xf32> to vector<256xf32>
    %broadcast_in_dim3A_122 = vector.shape_cast %reduce_max3A_121 : vector<256xf32> to vector<256x1xf32>
    %eq3A_123 = vector.broadcast %broadcast_in_dim3A_122 : vector<256x1xf32> to vector<256x4096xf32>
    %eq3A_124 = arith.cmpf oeq, %sub3A_20, %eq3A_123 : vector<256x4096xf32>
    %jit3A_125 = arith.constant 0xFF800000 : f32
    %broadcast_in_dim3A_126 = vector.broadcast %jit3A_125 : f32 to vector<256x4096xf32>
    %select_n3A_127 = arith.select %eq3A_124, %broadcast_in_dim3A_126, %select_n3A_111 : vector<256x4096xi1>, vector<256x4096xf32>
    %reduce_max3A_128 = arith.constant dense<0xFF800000> : vector<256xf32>
    %reduce_max3A_129 = vector.multi_reduction <maximumf>, %select_n3A_127, %reduce_max3A_128 [1] : vector<256x4096xf32> to vector<256xf32>
    %broadcast_in_dim3A_130 = vector.shape_cast %reduce_max3A_129 : vector<256xf32> to vector<256x1xf32>
    %eq3A_131 = vector.broadcast %broadcast_in_dim3A_130 : vector<256x1xf32> to vector<256x4096xf32>
    %eq3A_132 = arith.cmpf oeq, %select_n3A_127, %eq3A_131 : vector<256x4096xf32>
    %jit3A_133 = arith.constant 0.000000e+00 : f32
    %broadcast_in_dim3A_134 = vector.broadcast %jit3A_133 : f32 to vector<256x4096xf32>
    %select_n3A_135 = arith.select %eq3A_132, %sub3A_20, %broadcast_in_dim3A_134 : vector<256x4096xi1>, vector<256x4096xf32>
    %reduce_max3A_136 = arith.constant dense<0xFF800000> : vector<256xf32>
    %reduce_max3A_137 = vector.multi_reduction <maximumf>, %select_n3A_135, %reduce_max3A_136 [1] : vector<256x4096xf32> to vector<256xf32>
    %broadcast_in_dim3A_138 = vector.shape_cast %reduce_max3A_137 : vector<256xf32> to vector<256x1xf32>
    %eq3A_139 = vector.broadcast %broadcast_in_dim3A_138 : vector<256x1xf32> to vector<256x4096xf32>
    %eq3A_140 = arith.cmpf oeq, %sub3A_20, %eq3A_139 : vector<256x4096xf32>
    %jit3A_141 = arith.constant 0xFF800000 : f32
    %broadcast_in_dim3A_142 = vector.broadcast %jit3A_141 : f32 to vector<256x4096xf32>
    %select_n3A_143 = arith.select %eq3A_140, %broadcast_in_dim3A_142, %select_n3A_127 : vector<256x4096xi1>, vector<256x4096xf32>
    %reduce_max3A_144 = arith.constant dense<0xFF800000> : vector<256xf32>
    %reduce_max3A_145 = vector.multi_reduction <maximumf>, %select_n3A_143, %reduce_max3A_144 [1] : vector<256x4096xf32> to vector<256xf32>
    %broadcast_in_dim3A_146 = vector.shape_cast %reduce_max3A_145 : vector<256xf32> to vector<256x1xf32>
    %eq3A_147 = vector.broadcast %broadcast_in_dim3A_146 : vector<256x1xf32> to vector<256x4096xf32>
    %eq3A_148 = arith.cmpf oeq, %select_n3A_143, %eq3A_147 : vector<256x4096xf32>
    %jit3A_149 = arith.constant 0.000000e+00 : f32
    %broadcast_in_dim3A_150 = vector.broadcast %jit3A_149 : f32 to vector<256x4096xf32>
    %select_n3A_151 = arith.select %eq3A_148, %sub3A_20, %broadcast_in_dim3A_150 : vector<256x4096xi1>, vector<256x4096xf32>
    %reduce_max3A_152 = arith.constant dense<0xFF800000> : vector<256xf32>
    %reduce_max3A_153 = vector.multi_reduction <maximumf>, %select_n3A_151, %reduce_max3A_152 [1] : vector<256x4096xf32> to vector<256xf32>
    %broadcast_in_dim3A_154 = vector.shape_cast %reduce_max3A_153 : vector<256xf32> to vector<256x1xf32>
    %eq3A_155 = vector.broadcast %broadcast_in_dim3A_154 : vector<256x1xf32> to vector<256x4096xf32>
    %eq3A_156 = arith.cmpf oeq, %sub3A_20, %eq3A_155 : vector<256x4096xf32>
    %jit3A_157 = arith.constant 0xFF800000 : f32
    %broadcast_in_dim3A_158 = vector.broadcast %jit3A_157 : f32 to vector<256x4096xf32>
    %select_n3A_159 = arith.select %eq3A_156, %broadcast_in_dim3A_158, %select_n3A_143 : vector<256x4096xi1>, vector<256x4096xf32>
    %reduce_max3A_160 = arith.constant dense<0xFF800000> : vector<256xf32>
    %reduce_max3A_161 = vector.multi_reduction <maximumf>, %select_n3A_159, %reduce_max3A_160 [1] : vector<256x4096xf32> to vector<256xf32>
    %broadcast_in_dim3A_162 = vector.shape_cast %reduce_max3A_161 : vector<256xf32> to vector<256x1xf32>
    %eq3A_163 = vector.broadcast %broadcast_in_dim3A_162 : vector<256x1xf32> to vector<256x4096xf32>
    %eq3A_164 = arith.cmpf oeq, %select_n3A_159, %eq3A_163 : vector<256x4096xf32>
    %jit3A_165 = arith.constant 0.000000e+00 : f32
    %broadcast_in_dim3A_166 = vector.broadcast %jit3A_165 : f32 to vector<256x4096xf32>
    %select_n3A_167 = arith.select %eq3A_164, %sub3A_20, %broadcast_in_dim3A_166 : vector<256x4096xi1>, vector<256x4096xf32>
    %reduce_max3A_168 = arith.constant dense<0xFF800000> : vector<256xf32>
    %reduce_max3A_169 = vector.multi_reduction <maximumf>, %select_n3A_167, %reduce_max3A_168 [1] : vector<256x4096xf32> to vector<256xf32>
    %broadcast_in_dim3A_170 = vector.shape_cast %reduce_max3A_169 : vector<256xf32> to vector<256x1xf32>
    %eq3A_171 = vector.broadcast %broadcast_in_dim3A_170 : vector<256x1xf32> to vector<256x4096xf32>
    %eq3A_172 = arith.cmpf oeq, %sub3A_20, %eq3A_171 : vector<256x4096xf32>
    %jit3A_173 = arith.constant 0xFF800000 : f32
    %broadcast_in_dim3A_174 = vector.broadcast %jit3A_173 : f32 to vector<256x4096xf32>
    %select_n3A_175 = arith.select %eq3A_172, %broadcast_in_dim3A_174, %select_n3A_159 : vector<256x4096xi1>, vector<256x4096xf32>
    %reduce_max3A_176 = arith.constant dense<0xFF800000> : vector<256xf32>
    %reduce_max3A_177 = vector.multi_reduction <maximumf>, %select_n3A_175, %reduce_max3A_176 [1] : vector<256x4096xf32> to vector<256xf32>
    %broadcast_in_dim3A_178 = vector.shape_cast %reduce_max3A_177 : vector<256xf32> to vector<256x1xf32>
    %eq3A_179 = vector.broadcast %broadcast_in_dim3A_178 : vector<256x1xf32> to vector<256x4096xf32>
    %eq3A_180 = arith.cmpf oeq, %select_n3A_175, %eq3A_179 : vector<256x4096xf32>
    %jit3A_181 = arith.constant 0.000000e+00 : f32
    %broadcast_in_dim3A_182 = vector.broadcast %jit3A_181 : f32 to vector<256x4096xf32>
    %select_n3A_183 = arith.select %eq3A_180, %sub3A_20, %broadcast_in_dim3A_182 : vector<256x4096xi1>, vector<256x4096xf32>
    %reduce_max3A_184 = arith.constant dense<0xFF800000> : vector<256xf32>
    %reduce_max3A_185 = vector.multi_reduction <maximumf>, %select_n3A_183, %reduce_max3A_184 [1] : vector<256x4096xf32> to vector<256xf32>
    %broadcast_in_dim3A_186 = vector.shape_cast %reduce_max3A_185 : vector<256xf32> to vector<256x1xf32>
    %eq3A_187 = vector.broadcast %broadcast_in_dim3A_186 : vector<256x1xf32> to vector<256x4096xf32>
    %eq3A_188 = arith.cmpf oeq, %sub3A_20, %eq3A_187 : vector<256x4096xf32>
    %jit3A_189 = arith.constant 0xFF800000 : f32
    %broadcast_in_dim3A_190 = vector.broadcast %jit3A_189 : f32 to vector<256x4096xf32>
    %select_n3A_191 = arith.select %eq3A_188, %broadcast_in_dim3A_190, %select_n3A_175 : vector<256x4096xi1>, vector<256x4096xf32>
    %reduce_max3A_192 = arith.constant dense<0xFF800000> : vector<256xf32>
    %reduce_max3A_193 = vector.multi_reduction <maximumf>, %select_n3A_191, %reduce_max3A_192 [1] : vector<256x4096xf32> to vector<256xf32>
    %broadcast_in_dim3A_194 = vector.shape_cast %reduce_max3A_193 : vector<256xf32> to vector<256x1xf32>
    %eq3A_195 = vector.broadcast %broadcast_in_dim3A_194 : vector<256x1xf32> to vector<256x4096xf32>
    %eq3A_196 = arith.cmpf oeq, %select_n3A_191, %eq3A_195 : vector<256x4096xf32>
    %jit3A_197 = arith.constant 0.000000e+00 : f32
    %broadcast_in_dim3A_198 = vector.broadcast %jit3A_197 : f32 to vector<256x4096xf32>
    %select_n3A_199 = arith.select %eq3A_196, %sub3A_20, %broadcast_in_dim3A_198 : vector<256x4096xi1>, vector<256x4096xf32>
    %reduce_max3A_200 = arith.constant dense<0xFF800000> : vector<256xf32>
    %reduce_max3A_201 = vector.multi_reduction <maximumf>, %select_n3A_199, %reduce_max3A_200 [1] : vector<256x4096xf32> to vector<256xf32>
    %broadcast_in_dim3A_202 = vector.shape_cast %reduce_max3A_201 : vector<256xf32> to vector<256x1xf32>
    %eq3A_203 = vector.broadcast %broadcast_in_dim3A_202 : vector<256x1xf32> to vector<256x4096xf32>
    %eq3A_204 = arith.cmpf oeq, %sub3A_20, %eq3A_203 : vector<256x4096xf32>
    %jit3A_205 = arith.constant 0xFF800000 : f32
    %broadcast_in_dim3A_206 = vector.broadcast %jit3A_205 : f32 to vector<256x4096xf32>
    %select_n3A_207 = arith.select %eq3A_204, %broadcast_in_dim3A_206, %select_n3A_191 : vector<256x4096xi1>, vector<256x4096xf32>
    %reduce_max3A_208 = arith.constant dense<0xFF800000> : vector<256xf32>
    %reduce_max3A_209 = vector.multi_reduction <maximumf>, %select_n3A_207, %reduce_max3A_208 [1] : vector<256x4096xf32> to vector<256xf32>
    %broadcast_in_dim3A_210 = vector.shape_cast %reduce_max3A_209 : vector<256xf32> to vector<256x1xf32>
    %eq3A_211 = vector.broadcast %broadcast_in_dim3A_210 : vector<256x1xf32> to vector<256x4096xf32>
    %eq3A_212 = arith.cmpf oeq, %select_n3A_207, %eq3A_211 : vector<256x4096xf32>
    %jit3A_213 = arith.constant 0.000000e+00 : f32
    %broadcast_in_dim3A_214 = vector.broadcast %jit3A_213 : f32 to vector<256x4096xf32>
    %select_n3A_215 = arith.select %eq3A_212, %sub3A_20, %broadcast_in_dim3A_214 : vector<256x4096xi1>, vector<256x4096xf32>
    %reduce_max3A_216 = arith.constant dense<0xFF800000> : vector<256xf32>
    %reduce_max3A_217 = vector.multi_reduction <maximumf>, %select_n3A_215, %reduce_max3A_216 [1] : vector<256x4096xf32> to vector<256xf32>
    %broadcast_in_dim3A_218 = vector.shape_cast %reduce_max3A_217 : vector<256xf32> to vector<256x1xf32>
    %eq3A_219 = vector.broadcast %broadcast_in_dim3A_218 : vector<256x1xf32> to vector<256x4096xf32>
    %eq3A_220 = arith.cmpf oeq, %sub3A_20, %eq3A_219 : vector<256x4096xf32>
    %jit3A_221 = arith.constant 0xFF800000 : f32
    %broadcast_in_dim3A_222 = vector.broadcast %jit3A_221 : f32 to vector<256x4096xf32>
    %select_n3A_223 = arith.select %eq3A_220, %broadcast_in_dim3A_222, %select_n3A_207 : vector<256x4096xi1>, vector<256x4096xf32>
    %reduce_max3A_224 = arith.constant dense<0xFF800000> : vector<256xf32>
    %reduce_max3A_225 = vector.multi_reduction <maximumf>, %select_n3A_223, %reduce_max3A_224 [1] : vector<256x4096xf32> to vector<256xf32>
    %broadcast_in_dim3A_226 = vector.shape_cast %reduce_max3A_225 : vector<256xf32> to vector<256x1xf32>
    %eq3A_227 = vector.broadcast %broadcast_in_dim3A_226 : vector<256x1xf32> to vector<256x4096xf32>
    %eq3A_228 = arith.cmpf oeq, %select_n3A_223, %eq3A_227 : vector<256x4096xf32>
    %jit3A_229 = arith.constant 0.000000e+00 : f32
    %broadcast_in_dim3A_230 = vector.broadcast %jit3A_229 : f32 to vector<256x4096xf32>
    %select_n3A_231 = arith.select %eq3A_228, %sub3A_20, %broadcast_in_dim3A_230 : vector<256x4096xi1>, vector<256x4096xf32>
    %reduce_max3A_232 = arith.constant dense<0xFF800000> : vector<256xf32>
    %reduce_max3A_233 = vector.multi_reduction <maximumf>, %select_n3A_231, %reduce_max3A_232 [1] : vector<256x4096xf32> to vector<256xf32>
    %broadcast_in_dim3A_234 = vector.shape_cast %reduce_max3A_233 : vector<256xf32> to vector<256x1xf32>
    %eq3A_235 = vector.broadcast %broadcast_in_dim3A_234 : vector<256x1xf32> to vector<256x4096xf32>
    %eq3A_236 = arith.cmpf oeq, %sub3A_20, %eq3A_235 : vector<256x4096xf32>
    %jit3A_237 = arith.constant 0xFF800000 : f32
    %broadcast_in_dim3A_238 = vector.broadcast %jit3A_237 : f32 to vector<256x4096xf32>
    %select_n3A_239 = arith.select %eq3A_236, %broadcast_in_dim3A_238, %select_n3A_223 : vector<256x4096xi1>, vector<256x4096xf32>
    %reduce_max3A_240 = arith.constant dense<0xFF800000> : vector<256xf32>
    %reduce_max3A_241 = vector.multi_reduction <maximumf>, %select_n3A_239, %reduce_max3A_240 [1] : vector<256x4096xf32> to vector<256xf32>
    %broadcast_in_dim3A_242 = vector.shape_cast %reduce_max3A_241 : vector<256xf32> to vector<256x1xf32>
    %eq3A_243 = vector.broadcast %broadcast_in_dim3A_242 : vector<256x1xf32> to vector<256x4096xf32>
    %eq3A_244 = arith.cmpf oeq, %select_n3A_239, %eq3A_243 : vector<256x4096xf32>
    %jit3A_245 = arith.constant 0.000000e+00 : f32
    %broadcast_in_dim3A_246 = vector.broadcast %jit3A_245 : f32 to vector<256x4096xf32>
    %select_n3A_247 = arith.select %eq3A_244, %sub3A_20, %broadcast_in_dim3A_246 : vector<256x4096xi1>, vector<256x4096xf32>
    %reduce_max3A_248 = arith.constant dense<0xFF800000> : vector<256xf32>
    %reduce_max3A_249 = vector.multi_reduction <maximumf>, %select_n3A_247, %reduce_max3A_248 [1] : vector<256x4096xf32> to vector<256xf32>
    %broadcast_in_dim3A_250 = vector.shape_cast %reduce_max3A_249 : vector<256xf32> to vector<256x1xf32>
    %eq3A_251 = vector.broadcast %broadcast_in_dim3A_250 : vector<256x1xf32> to vector<256x4096xf32>
    %eq3A_252 = arith.cmpf oeq, %sub3A_20, %eq3A_251 : vector<256x4096xf32>
    %jit3A_253 = arith.constant 0xFF800000 : f32
    %broadcast_in_dim3A_254 = vector.broadcast %jit3A_253 : f32 to vector<256x4096xf32>
    %select_n3A_255 = arith.select %eq3A_252, %broadcast_in_dim3A_254, %select_n3A_239 : vector<256x4096xi1>, vector<256x4096xf32>
    %reduce_max3A_256 = arith.constant dense<0xFF800000> : vector<256xf32>
    %reduce_max3A_257 = vector.multi_reduction <maximumf>, %select_n3A_255, %reduce_max3A_256 [1] : vector<256x4096xf32> to vector<256xf32>
    %broadcast_in_dim3A_258 = vector.shape_cast %reduce_max3A_257 : vector<256xf32> to vector<256x1xf32>
    %eq3A_259 = vector.broadcast %broadcast_in_dim3A_258 : vector<256x1xf32> to vector<256x4096xf32>
    %eq3A_260 = arith.cmpf oeq, %select_n3A_255, %eq3A_259 : vector<256x4096xf32>
    %jit3A_261 = arith.constant 0.000000e+00 : f32
    %broadcast_in_dim3A_262 = vector.broadcast %jit3A_261 : f32 to vector<256x4096xf32>
    %select_n3A_263 = arith.select %eq3A_260, %sub3A_20, %broadcast_in_dim3A_262 : vector<256x4096xi1>, vector<256x4096xf32>
    %reduce_max3A_264 = arith.constant dense<0xFF800000> : vector<256xf32>
    %reduce_max3A_265 = vector.multi_reduction <maximumf>, %select_n3A_263, %reduce_max3A_264 [1] : vector<256x4096xf32> to vector<256xf32>
    %broadcast_in_dim3A_266 = vector.shape_cast %reduce_max3A_265 : vector<256xf32> to vector<256x1xf32>
    %concatenate3A = tpu.concatenate %broadcast_in_dim3A_26, %broadcast_in_dim3A_42, %broadcast_in_dim3A_58, %broadcast_in_dim3A_74, %broadcast_in_dim3A_90, %broadcast_in_dim3A_106, %broadcast_in_dim3A_122, %broadcast_in_dim3A_138, %broadcast_in_dim3A_154, %broadcast_in_dim3A_170, %broadcast_in_dim3A_186, %broadcast_in_dim3A_202, %broadcast_in_dim3A_218, %broadcast_in_dim3A_234, %broadcast_in_dim3A_250, %broadcast_in_dim3A_266 in 1 : vector<256x1xf32>, vector<256x1xf32>, vector<256x1xf32>, vector<256x1xf32>, vector<256x1xf32>, vector<256x1xf32>, vector<256x1xf32>, vector<256x1xf32>, vector<256x1xf32>, vector<256x1xf32>, vector<256x1xf32>, vector<256x1xf32>, vector<256x1xf32>, vector<256x1xf32>, vector<256x1xf32>, vector<256x1xf32> -> vector<256x16xf32>
    %sub3A_267 = arith.constant 4.096000e+03 : f32
    %sub3A_268 = vector.broadcast %sub3A_267 : f32 to vector<256x16xf32>
    %sub3A_269 = arith.subf %sub3A_268, %concatenate3A : vector<256x16xf32>
    %convert_element_type3A_270 = arith.fptosi %sub3A_269 : vector<256x16xf32> to vector<256x16xi32>
    %add3A = arith.constant 4096 : i32
    %add3A_271 = vector.broadcast %add3A : i32 to vector<256x16xi32>
    %add3A_272 = arith.addi %convert_element_type3A_270, %add3A_271 : vector<256x16xi32>
    %swap3A = arith.constant 0 : index
    %swap3A_273 = arith.constant 0 : index
    %swap3A_274 = vector.load %arg4[%swap3A, %swap3A_273] : memref<256x16xi32, #tpu.memory_space<vmem>>, vector<256x16xi32>
    tpu.vector_store %arg4[%swap3A, %swap3A_273], %add3A_272 {strides = array<i32>} : memref<256x16xi32, #tpu.memory_space<vmem>>, vector<256x16xi32>,
    return
  }
  func.func @transform_0(%arg0: i32) -> (i32, i32, i32) {
    %c1_i32 = arith.constant 1 : i32
    %c0_i32 = arith.constant 0 : i32
    %c0_i32_0 = arith.constant 0 : i32
    return %c1_i32, %arg0, %c0_i32 : i32, i32, i32
  }
  func.func @transform_1(%arg0: i32) -> (i32, i32, i32) {
    %c1_i32 = arith.constant 1 : i32
    %c0_i32 = arith.constant 0 : i32
    %c0_i32_0 = arith.constant 0 : i32
    %c0_i32_1 = arith.constant 0 : i32
    return %c1_i32, %c0_i32, %c0_i32_0 : i32, i32, i32
  }
  func.func @transform_2(%arg0: i32) -> (i32, i32, i32) {
    %c1_i32 = arith.constant 1 : i32
    %c0_i32 = arith.constant 0 : i32
    %c0_i32_0 = arith.constant 0 : i32
    %c0_i32_1 = arith.constant 0 : i32
    return %c1_i32, %c0_i32, %c0_i32_0 : i32, i32, i32
  }
  func.func @transform_3(%arg0: i32) -> (i32, i32) {
    %c0_i32 = arith.constant 0 : i32
    %c0_i32_0 = arith.constant 0 : i32
    return %arg0, %c0_i32 : i32, i32
  }
}

module attributes {stable_mosaic.version = 14 : i64} {
  func.func @_fuse_body(%arg0: i32, %arg1: memref<8192x128xf32, #tpu.memory_space<vmem>>, %arg2: memref<1x512x128xf32, #tpu.memory_space<vmem>>, %arg3: memref<128x64xf32, #tpu.memory_space<vmem>>, %arg4: memref<1x128xf32, #tpu.memory_space<vmem>>, %arg5: memref<1x128xf32, #tpu.memory_space<vmem>>, %arg6: memref<128x128xf32, #tpu.memory_space<vmem>>, %arg7: memref<256x128xf32, #tpu.memory_space<vmem>>, %arg8: memref<1x256xf32, #tpu.memory_space<vmem>>, %arg9: memref<1x256xf32, #tpu.memory_space<vmem>>, %arg10: memref<128x64xf32, #tpu.memory_space<vmem>>, %arg11: memref<1x128xf32, #tpu.memory_space<vmem>>, %arg12: memref<1x128xf32, #tpu.memory_space<vmem>>, %arg13: memref<128x128xf32, #tpu.memory_space<vmem>>, %arg14: memref<256x128xf32, #tpu.memory_space<vmem>>, %arg15: memref<1x256xf32, #tpu.memory_space<vmem>>, %arg16: memref<1x256xf32, #tpu.memory_space<vmem>>, %arg17: memref<512x512xf32, #tpu.memory_space<vmem>>, %arg18: memref<1x512xf32, #tpu.memory_space<vmem>>, %arg19: memref<1x512xf32, #tpu.memory_space<vmem>>, %arg20: memref<1x512x512xf32, #tpu.memory_space<vmem>>) attributes {dimension_semantics = [#tpu.dimension_semantics<arbitrary>], iteration_bounds = array<i64: 8>, scalar_prefetch = 0 : i64, scratch_operands = 0 : i64, tpu.core_type = #tpu.core_type<tc>, window_params = [{transform_indices = @transform_0, window_bounds = array<i64: 8192, 128>}, {transform_indices = @transform_1, window_bounds = array<i64: 1, 512, 128>}, {pipeline_mode = #tpu.pipeline_mode<synchronous>, transform_indices = @transform_2, window_bounds = array<i64: 128, 64>}, {pipeline_mode = #tpu.pipeline_mode<synchronous>, transform_indices = @transform_3, window_bounds = array<i64: 1, 128>}, {pipeline_mode = #tpu.pipeline_mode<synchronous>, transform_indices = @transform_4, window_bounds = array<i64: 1, 128>}, {pipeline_mode = #tpu.pipeline_mode<synchronous>, transform_indices = @transform_5, window_bounds = array<i64: 128, 128>}, {pipeline_mode = #tpu.pipeline_mode<synchronous>, transform_indices = @transform_6, window_bounds = array<i64: 256, 128>}, {pipeline_mode = #tpu.pipeline_mode<synchronous>, transform_indices = @transform_7, window_bounds = array<i64: 1, 256>}, {pipeline_mode = #tpu.pipeline_mode<synchronous>, transform_indices = @transform_8, window_bounds = array<i64: 1, 256>}, {pipeline_mode = #tpu.pipeline_mode<synchronous>, transform_indices = @transform_9, window_bounds = array<i64: 128, 64>}, {pipeline_mode = #tpu.pipeline_mode<synchronous>, transform_indices = @transform_10, window_bounds = array<i64: 1, 128>}, {pipeline_mode = #tpu.pipeline_mode<synchronous>, transform_indices = @transform_11, window_bounds = array<i64: 1, 128>}, {pipeline_mode = #tpu.pipeline_mode<synchronous>, transform_indices = @transform_12, window_bounds = array<i64: 128, 128>}, {pipeline_mode = #tpu.pipeline_mode<synchronous>, transform_indices = @transform_13, window_bounds = array<i64: 256, 128>}, {pipeline_mode = #tpu.pipeline_mode<synchronous>, transform_indices = @transform_14, window_bounds = array<i64: 1, 256>}, {pipeline_mode = #tpu.pipeline_mode<synchronous>, transform_indices = @transform_15, window_bounds = array<i64: 1, 256>}, {pipeline_mode = #tpu.pipeline_mode<synchronous>, transform_indices = @transform_16, window_bounds = array<i64: 512, 512>}, {pipeline_mode = #tpu.pipeline_mode<synchronous>, transform_indices = @transform_17, window_bounds = array<i64: 1, 512>}, {pipeline_mode = #tpu.pipeline_mode<synchronous>, transform_indices = @transform_18, window_bounds = array<i64: 1, 512>}, {transform_indices = @transform_19, window_bounds = array<i64: 1, 512, 512>}]} {
    %get3A = arith.constant 0 : index
    %get3A_0 = arith.constant 0 : index
    %get3A_1 = vector.load %arg1[%get3A, %get3A_0] : memref<8192x128xf32, #tpu.memory_space<vmem>>, vector<8192x128xf32>
    %get3A_2 = arith.constant 0 : index
    %get3A_3 = arith.constant 0 : index
    %get3A_4 = arith.constant 0 : index
    %get3A_5 = vector.load %arg2[%get3A_2, %get3A_3, %get3A_4] : memref<1x512x128xf32, #tpu.memory_space<vmem>>, vector<1x512x128xf32>
    %get3A_6 = vector.shape_cast %get3A_5 : vector<1x512x128xf32> to vector<512x128xf32>
    %slice3A = vector.extract_strided_slice %get3A_1 {offsets = [0, 0], sizes = [8192, 64], strides = [1, 1]} : vector<8192x128xf32> to vector<8192x64xf32>
    %slice3A_7 = vector.extract_strided_slice %get3A_6 {offsets = [0, 0], sizes = [512, 64], strides = [1, 1]} : vector<512x128xf32> to vector<512x64xf32>
    %get3A_8 = arith.constant 0 : index
    %get3A_9 = arith.constant 0 : index
    %get3A_10 = vector.load %arg3[%get3A_8, %get3A_9] : memref<128x64xf32, #tpu.memory_space<vmem>>, vector<128x64xf32>
    %get3A_11 = arith.constant 0 : index
    %get3A_12 = arith.constant 0 : index
    %get3A_13 = vector.load %arg4[%get3A_11, %get3A_12] : memref<1x128xf32, #tpu.memory_space<vmem>>, vector<1x128xf32>
    %get3A_14 = arith.constant 0 : index
    %get3A_15 = arith.constant 0 : index
    %get3A_16 = vector.load %arg5[%get3A_14, %get3A_15] : memref<1x128xf32, #tpu.memory_space<vmem>>, vector<1x128xf32>
    %get3A_17 = arith.constant 0 : index
    %get3A_18 = arith.constant 0 : index
    %get3A_19 = vector.load %arg6[%get3A_17, %get3A_18] : memref<128x128xf32, #tpu.memory_space<vmem>>, vector<128x128xf32>
    %get3A_20 = arith.constant 0 : index
    %get3A_21 = arith.constant 0 : index
    %get3A_22 = vector.load %arg7[%get3A_20, %get3A_21] : memref<256x128xf32, #tpu.memory_space<vmem>>, vector<256x128xf32>
    %get3A_23 = arith.constant 0 : index
    %get3A_24 = arith.constant 0 : index
    %get3A_25 = vector.load %arg8[%get3A_23, %get3A_24] : memref<1x256xf32, #tpu.memory_space<vmem>>, vector<1x256xf32>
    %get3A_26 = arith.constant 0 : index
    %get3A_27 = arith.constant 0 : index
    %get3A_28 = vector.load %arg9[%get3A_26, %get3A_27] : memref<1x256xf32, #tpu.memory_space<vmem>>, vector<1x256xf32>
    %sqrt3A = arith.constant 1.000010e+00 : f32
    %sqrt3A_29 = math.sqrt %sqrt3A : f32
    %div3A = vector.broadcast %sqrt3A_29 : f32 to vector<1x128xf32>
    %div3A_30 = arith.divf %get3A_13, %div3A : vector<1x128xf32>
    %sqrt3A_31 = arith.constant 1.000010e+00 : f32
    %sqrt3A_32 = math.sqrt %sqrt3A_31 : f32
    %div3A_33 = vector.broadcast %sqrt3A_32 : f32 to vector<1x256xf32>
    %div3A_34 = arith.divf %get3A_25, %div3A_33 : vector<1x256xf32>
    %reshape3A = vector.shape_cast %slice3A : vector<8192x64xf32> to vector<512x16x64xf32>
    %broadcast_in_dim3A = vector.shape_cast %slice3A_7 : vector<512x64xf32> to vector<512x1x64xf32>
    %add3A = vector.broadcast %broadcast_in_dim3A : vector<512x1x64xf32> to vector<512x16x64xf32>
    %add3A_35 = arith.addf %reshape3A, %add3A : vector<512x16x64xf32>
    %max3A = arith.constant 0.000000e+00 : f32
    %max3A_36 = vector.broadcast %max3A : f32 to vector<512x16x64xf32>
    %max3A_37 = arith.maximumf %add3A_35, %max3A_36 : vector<512x16x64xf32>
    %reshape3A_38 = vector.shape_cast %max3A_37 : vector<512x16x64xf32> to vector<8192x64xf32>
    %dot_general3A = arith.constant dense<0.000000e+00> : vector<8192x128xf32>
    %dot_general3A_39 = tpu.matmul %reshape3A_38, %get3A_10, %dot_general3A {dimension_numbers = #tpu.dot_dimension_numbers<[1], [1], [0], [0], [0, 0, 1, 0], [], []>, transpose_lhs_hint = false} : vector<8192x64xf32>, vector<128x64xf32>, vector<8192x128xf32> -> vector<8192x128xf32>
    %mul3A = vector.broadcast %div3A_30 : vector<1x128xf32> to vector<8192x128xf32>
    %mul3A_40 = arith.mulf %dot_general3A_39, %mul3A : vector<8192x128xf32>
    %add3A_41 = vector.broadcast %get3A_16 : vector<1x128xf32> to vector<8192x128xf32>
    %add3A_42 = arith.addf %mul3A_40, %add3A_41 : vector<8192x128xf32>
    %max3A_43 = arith.constant 0.000000e+00 : f32
    %max3A_44 = vector.broadcast %max3A_43 : f32 to vector<8192x128xf32>
    %max3A_45 = arith.maximumf %add3A_42, %max3A_44 : vector<8192x128xf32>
    %dot_general3A_46 = arith.constant dense<0.000000e+00> : vector<8192x128xf32>
    %dot_general3A_47 = tpu.matmul %max3A_45, %get3A_19, %dot_general3A_46 {dimension_numbers = #tpu.dot_dimension_numbers<[1], [1], [0], [0], [0, 0, 1, 0], [], []>, transpose_lhs_hint = false} : vector<8192x128xf32>, vector<128x128xf32>, vector<8192x128xf32> -> vector<8192x128xf32>
    %logistic3A = arith.negf %dot_general3A_47 : vector<8192x128xf32>
    %logistic3A_48 = math.exp %logistic3A : vector<8192x128xf32>
    %logistic3A_49 = arith.constant 1.000000e+00 : f32
    %logistic3A_50 = vector.broadcast %logistic3A_49 : f32 to vector<8192x128xf32>
    %logistic3A_51 = arith.addf %logistic3A_50, %logistic3A_48 : vector<8192x128xf32>
    %logistic3A_52 = arith.divf %logistic3A_50, %logistic3A_51 : vector<8192x128xf32>
    %mul3A_53 = arith.mulf %max3A_45, %logistic3A_52 : vector<8192x128xf32>
    %reshape3A_54 = vector.shape_cast %mul3A_53 : vector<8192x128xf32> to vector<512x16x128xf32>
    %reduce_sum3A = arith.constant dense<0.000000e+00> : vector<512x128xf32>
    %reduce_sum3A_55 = vector.multi_reduction <add>, %reshape3A_54, %reduce_sum3A [1] : vector<512x16x128xf32> to vector<512x128xf32>
    %dot_general3A_56 = arith.constant dense<0.000000e+00> : vector<512x256xf32>
    %dot_general3A_57 = tpu.matmul %reduce_sum3A_55, %get3A_22, %dot_general3A_56 {dimension_numbers = #tpu.dot_dimension_numbers<[1], [1], [0], [0], [0, 0, 1, 0], [], []>, transpose_lhs_hint = false} : vector<512x128xf32>, vector<256x128xf32>, vector<512x256xf32> -> vector<512x256xf32>
    %mul3A_58 = vector.broadcast %div3A_34 : vector<1x256xf32> to vector<512x256xf32>
    %mul3A_59 = arith.mulf %dot_general3A_57, %mul3A_58 : vector<512x256xf32>
    %add3A_60 = vector.broadcast %get3A_28 : vector<1x256xf32> to vector<512x256xf32>
    %add3A_61 = arith.addf %mul3A_59, %add3A_60 : vector<512x256xf32>
    %max3A_62 = arith.constant 0.000000e+00 : f32
    %max3A_63 = vector.broadcast %max3A_62 : f32 to vector<512x256xf32>
    %max3A_64 = arith.maximumf %add3A_61, %max3A_63 : vector<512x256xf32>
    %slice3A_65 = vector.extract_strided_slice %get3A_1 {offsets = [0, 64], sizes = [8192, 64], strides = [1, 1]} : vector<8192x128xf32> to vector<8192x64xf32>
    %slice3A_66 = vector.extract_strided_slice %get3A_6 {offsets = [0, 64], sizes = [512, 64], strides = [1, 1]} : vector<512x128xf32> to vector<512x64xf32>
    %get3A_67 = arith.constant 0 : index
    %get3A_68 = arith.constant 0 : index
    %get3A_69 = vector.load %arg10[%get3A_67, %get3A_68] : memref<128x64xf32, #tpu.memory_space<vmem>>, vector<128x64xf32>
    %get3A_70 = arith.constant 0 : index
    %get3A_71 = arith.constant 0 : index
    %get3A_72 = vector.load %arg11[%get3A_70, %get3A_71] : memref<1x128xf32, #tpu.memory_space<vmem>>, vector<1x128xf32>
    %get3A_73 = arith.constant 0 : index
    %get3A_74 = arith.constant 0 : index
    %get3A_75 = vector.load %arg12[%get3A_73, %get3A_74] : memref<1x128xf32, #tpu.memory_space<vmem>>, vector<1x128xf32>
    %get3A_76 = arith.constant 0 : index
    %get3A_77 = arith.constant 0 : index
    %get3A_78 = vector.load %arg13[%get3A_76, %get3A_77] : memref<128x128xf32, #tpu.memory_space<vmem>>, vector<128x128xf32>
    %get3A_79 = arith.constant 0 : index
    %get3A_80 = arith.constant 0 : index
    %get3A_81 = vector.load %arg14[%get3A_79, %get3A_80] : memref<256x128xf32, #tpu.memory_space<vmem>>, vector<256x128xf32>
    %get3A_82 = arith.constant 0 : index
    %get3A_83 = arith.constant 0 : index
    %get3A_84 = vector.load %arg15[%get3A_82, %get3A_83] : memref<1x256xf32, #tpu.memory_space<vmem>>, vector<1x256xf32>
    %get3A_85 = arith.constant 0 : index
    %get3A_86 = arith.constant 0 : index
    %get3A_87 = vector.load %arg16[%get3A_85, %get3A_86] : memref<1x256xf32, #tpu.memory_space<vmem>>, vector<1x256xf32>
    %sqrt3A_88 = arith.constant 1.000010e+00 : f32
    %sqrt3A_89 = math.sqrt %sqrt3A_88 : f32
    %div3A_90 = vector.broadcast %sqrt3A_89 : f32 to vector<1x128xf32>
    %div3A_91 = arith.divf %get3A_72, %div3A_90 : vector<1x128xf32>
    %sqrt3A_92 = arith.constant 1.000010e+00 : f32
    %sqrt3A_93 = math.sqrt %sqrt3A_92 : f32
    %div3A_94 = vector.broadcast %sqrt3A_93 : f32 to vector<1x256xf32>
    %div3A_95 = arith.divf %get3A_84, %div3A_94 : vector<1x256xf32>
    %reshape3A_96 = vector.shape_cast %slice3A_65 : vector<8192x64xf32> to vector<512x16x64xf32>
    %broadcast_in_dim3A_97 = vector.shape_cast %slice3A_66 : vector<512x64xf32> to vector<512x1x64xf32>
    %add3A_98 = vector.broadcast %broadcast_in_dim3A_97 : vector<512x1x64xf32> to vector<512x16x64xf32>
    %add3A_99 = arith.addf %reshape3A_96, %add3A_98 : vector<512x16x64xf32>
    %max3A_100 = arith.constant 0.000000e+00 : f32
    %max3A_101 = vector.broadcast %max3A_100 : f32 to vector<512x16x64xf32>
    %max3A_102 = arith.maximumf %add3A_99, %max3A_101 : vector<512x16x64xf32>
    %reshape3A_103 = vector.shape_cast %max3A_102 : vector<512x16x64xf32> to vector<8192x64xf32>
    %dot_general3A_104 = arith.constant dense<0.000000e+00> : vector<8192x128xf32>
    %dot_general3A_105 = tpu.matmul %reshape3A_103, %get3A_69, %dot_general3A_104 {dimension_numbers = #tpu.dot_dimension_numbers<[1], [1], [0], [0], [0, 0, 1, 0], [], []>, transpose_lhs_hint = false} : vector<8192x64xf32>, vector<128x64xf32>, vector<8192x128xf32> -> vector<8192x128xf32>
    %mul3A_106 = vector.broadcast %div3A_91 : vector<1x128xf32> to vector<8192x128xf32>
    %mul3A_107 = arith.mulf %dot_general3A_105, %mul3A_106 : vector<8192x128xf32>
    %add3A_108 = vector.broadcast %get3A_75 : vector<1x128xf32> to vector<8192x128xf32>
    %add3A_109 = arith.addf %mul3A_107, %add3A_108 : vector<8192x128xf32>
    %max3A_110 = arith.constant 0.000000e+00 : f32
    %max3A_111 = vector.broadcast %max3A_110 : f32 to vector<8192x128xf32>
    %max3A_112 = arith.maximumf %add3A_109, %max3A_111 : vector<8192x128xf32>
    %dot_general3A_113 = arith.constant dense<0.000000e+00> : vector<8192x128xf32>
    %dot_general3A_114 = tpu.matmul %max3A_112, %get3A_78, %dot_general3A_113 {dimension_numbers = #tpu.dot_dimension_numbers<[1], [1], [0], [0], [0, 0, 1, 0], [], []>, transpose_lhs_hint = false} : vector<8192x128xf32>, vector<128x128xf32>, vector<8192x128xf32> -> vector<8192x128xf32>
    %logistic3A_115 = arith.negf %dot_general3A_114 : vector<8192x128xf32>
    %logistic3A_116 = math.exp %logistic3A_115 : vector<8192x128xf32>
    %logistic3A_117 = arith.constant 1.000000e+00 : f32
    %logistic3A_118 = vector.broadcast %logistic3A_117 : f32 to vector<8192x128xf32>
    %logistic3A_119 = arith.addf %logistic3A_118, %logistic3A_116 : vector<8192x128xf32>
    %logistic3A_120 = arith.divf %logistic3A_118, %logistic3A_119 : vector<8192x128xf32>
    %mul3A_121 = arith.mulf %max3A_112, %logistic3A_120 : vector<8192x128xf32>
    %reshape3A_122 = vector.shape_cast %mul3A_121 : vector<8192x128xf32> to vector<512x16x128xf32>
    %iota3A = tpu.iota {dimensions = array<i32: 1>} : vector<512x16x128xi32>
    %lt3A = arith.constant 12 : i32
    %lt3A_123 = vector.broadcast %lt3A : i32 to vector<512x16x128xi32>
    %lt3A_124 = arith.cmpi slt, %iota3A, %lt3A_123 : vector<512x16x128xi32>
    %jit3A = arith.constant 0.000000e+00 : f32
    %broadcast_in_dim3A_125 = vector.broadcast %jit3A : f32 to vector<512x16x128xf32>
    %select_n3A = arith.select %lt3A_124, %reshape3A_122, %broadcast_in_dim3A_125 : vector<512x16x128xi1>, vector<512x16x128xf32>
    %reduce_sum3A_126 = arith.constant dense<0.000000e+00> : vector<512x128xf32>
    %reduce_sum3A_127 = vector.multi_reduction <add>, %select_n3A, %reduce_sum3A_126 [1] : vector<512x16x128xf32> to vector<512x128xf32>
    %dot_general3A_128 = arith.constant dense<0.000000e+00> : vector<512x256xf32>
    %dot_general3A_129 = tpu.matmul %reduce_sum3A_127, %get3A_81, %dot_general3A_128 {dimension_numbers = #tpu.dot_dimension_numbers<[1], [1], [0], [0], [0, 0, 1, 0], [], []>, transpose_lhs_hint = false} : vector<512x128xf32>, vector<256x128xf32>, vector<512x256xf32> -> vector<512x256xf32>
    %mul3A_130 = vector.broadcast %div3A_95 : vector<1x256xf32> to vector<512x256xf32>
    %mul3A_131 = arith.mulf %dot_general3A_129, %mul3A_130 : vector<512x256xf32>
    %add3A_132 = vector.broadcast %get3A_87 : vector<1x256xf32> to vector<512x256xf32>
    %add3A_133 = arith.addf %mul3A_131, %add3A_132 : vector<512x256xf32>
    %max3A_134 = arith.constant 0.000000e+00 : f32
    %max3A_135 = vector.broadcast %max3A_134 : f32 to vector<512x256xf32>
    %max3A_136 = arith.maximumf %add3A_133, %max3A_135 : vector<512x256xf32>
    %concatenate3A = tpu.concatenate %max3A_64, %max3A_136 in 1 : vector<512x256xf32>, vector<512x256xf32> -> vector<512x512xf32>
    %get3A_137 = arith.constant 0 : index
    %get3A_138 = arith.constant 0 : index
    %get3A_139 = vector.load %arg18[%get3A_137, %get3A_138] : memref<1x512xf32, #tpu.memory_space<vmem>>, vector<1x512xf32>
    %sqrt3A_140 = arith.constant 1.000010e+00 : f32
    %sqrt3A_141 = math.sqrt %sqrt3A_140 : f32
    %div3A_142 = vector.broadcast %sqrt3A_141 : f32 to vector<1x512xf32>
    %div3A_143 = arith.divf %get3A_139, %div3A_142 : vector<1x512xf32>
    %get3A_144 = arith.constant 0 : index
    %get3A_145 = arith.constant 0 : index
    %get3A_146 = vector.load %arg17[%get3A_144, %get3A_145] : memref<512x512xf32, #tpu.memory_space<vmem>>, vector<512x512xf32>
    %dot_general3A_147 = arith.constant dense<0.000000e+00> : vector<512x512xf32>
    %dot_general3A_148 = tpu.matmul %concatenate3A, %get3A_146, %dot_general3A_147 {dimension_numbers = #tpu.dot_dimension_numbers<[1], [1], [0], [0], [0, 0, 1, 0], [], []>, transpose_lhs_hint = false} : vector<512x512xf32>, vector<512x512xf32>, vector<512x512xf32> -> vector<512x512xf32>
    %mul3A_149 = vector.broadcast %div3A_143 : vector<1x512xf32> to vector<512x512xf32>
    %mul3A_150 = arith.mulf %dot_general3A_148, %mul3A_149 : vector<512x512xf32>
    %get3A_151 = arith.constant 0 : index
    %get3A_152 = arith.constant 0 : index
    %get3A_153 = vector.load %arg19[%get3A_151, %get3A_152] : memref<1x512xf32, #tpu.memory_space<vmem>>, vector<1x512xf32>
    %add3A_154 = vector.broadcast %get3A_153 : vector<1x512xf32> to vector<512x512xf32>
    %add3A_155 = arith.addf %mul3A_150, %add3A_154 : vector<512x512xf32>
    %max3A_156 = arith.constant 0.000000e+00 : f32
    %max3A_157 = vector.broadcast %max3A_156 : f32 to vector<512x512xf32>
    %max3A_158 = arith.maximumf %add3A_155, %max3A_157 : vector<512x512xf32>
    %transpose3A = tpu.transpose %max3A_158, [1, 0] : vector<512x512xf32> -> vector<512x512xf32>
    %swap3A = arith.constant 0 : index
    %swap3A_159 = arith.constant 0 : index
    %swap3A_160 = arith.constant 0 : index
    %swap3A_161 = vector.load %arg20[%swap3A, %swap3A_159, %swap3A_160] : memref<1x512x512xf32, #tpu.memory_space<vmem>>, vector<1x512x512xf32>
    %swap3A_162 = vector.shape_cast %swap3A_161 : vector<1x512x512xf32> to vector<512x512xf32>
    %swap3A_163 = vector.shape_cast %transpose3A : vector<512x512xf32> to vector<1x512x512xf32>
    tpu.vector_store %arg20[%swap3A, %swap3A_159, %swap3A_160], %swap3A_163 {strides = array<i32>} : memref<1x512x512xf32, #tpu.memory_space<vmem>>, vector<1x512x512xf32>,
    return
  }
  func.func @transform_0(%arg0: i32) -> (i32, i32) {
    %c0_i32 = arith.constant 0 : i32
    %c0_i32_0 = arith.constant 0 : i32
    return %arg0, %c0_i32 : i32, i32
  }
  func.func @transform_1(%arg0: i32) -> (i32, i32, i32) {
    %c0_i32 = arith.constant 0 : i32
    %c0_i32_0 = arith.constant 0 : i32
    %c0_i32_1 = arith.constant 0 : i32
    return %c0_i32, %arg0, %c0_i32_0 : i32, i32, i32
  }
  func.func @transform_2(%arg0: i32) -> (i32, i32) {
    %c0_i32 = arith.constant 0 : i32
    %c0_i32_0 = arith.constant 0 : i32
    %c0_i32_1 = arith.constant 0 : i32
    return %c0_i32, %c0_i32_0 : i32, i32
  }
  func.func @transform_3(%arg0: i32) -> (i32, i32) {
    %c0_i32 = arith.constant 0 : i32
    %c0_i32_0 = arith.constant 0 : i32
    %c0_i32_1 = arith.constant 0 : i32
    return %c0_i32, %c0_i32_0 : i32, i32
  }
  func.func @transform_4(%arg0: i32) -> (i32, i32) {
    %c0_i32 = arith.constant 0 : i32
    %c0_i32_0 = arith.constant 0 : i32
    %c0_i32_1 = arith.constant 0 : i32
    return %c0_i32, %c0_i32_0 : i32, i32
  }
  func.func @transform_5(%arg0: i32) -> (i32, i32) {
    %c0_i32 = arith.constant 0 : i32
    %c0_i32_0 = arith.constant 0 : i32
    %c0_i32_1 = arith.constant 0 : i32
    return %c0_i32, %c0_i32_0 : i32, i32
  }
  func.func @transform_6(%arg0: i32) -> (i32, i32) {
    %c0_i32 = arith.constant 0 : i32
    %c0_i32_0 = arith.constant 0 : i32
    %c0_i32_1 = arith.constant 0 : i32
    return %c0_i32, %c0_i32_0 : i32, i32
  }
  func.func @transform_7(%arg0: i32) -> (i32, i32) {
    %c0_i32 = arith.constant 0 : i32
    %c0_i32_0 = arith.constant 0 : i32
    %c0_i32_1 = arith.constant 0 : i32
    return %c0_i32, %c0_i32_0 : i32, i32
  }
  func.func @transform_8(%arg0: i32) -> (i32, i32) {
    %c0_i32 = arith.constant 0 : i32
    %c0_i32_0 = arith.constant 0 : i32
    %c0_i32_1 = arith.constant 0 : i32
    return %c0_i32, %c0_i32_0 : i32, i32
  }
  func.func @transform_9(%arg0: i32) -> (i32, i32) {
    %c0_i32 = arith.constant 0 : i32
    %c0_i32_0 = arith.constant 0 : i32
    %c0_i32_1 = arith.constant 0 : i32
    return %c0_i32, %c0_i32_0 : i32, i32
  }
  func.func @transform_10(%arg0: i32) -> (i32, i32) {
    %c0_i32 = arith.constant 0 : i32
    %c0_i32_0 = arith.constant 0 : i32
    %c0_i32_1 = arith.constant 0 : i32
    return %c0_i32, %c0_i32_0 : i32, i32
  }
  func.func @transform_11(%arg0: i32) -> (i32, i32) {
    %c0_i32 = arith.constant 0 : i32
    %c0_i32_0 = arith.constant 0 : i32
    %c0_i32_1 = arith.constant 0 : i32
    return %c0_i32, %c0_i32_0 : i32, i32
  }
  func.func @transform_12(%arg0: i32) -> (i32, i32) {
    %c0_i32 = arith.constant 0 : i32
    %c0_i32_0 = arith.constant 0 : i32
    %c0_i32_1 = arith.constant 0 : i32
    return %c0_i32, %c0_i32_0 : i32, i32
  }
  func.func @transform_13(%arg0: i32) -> (i32, i32) {
    %c0_i32 = arith.constant 0 : i32
    %c0_i32_0 = arith.constant 0 : i32
    %c0_i32_1 = arith.constant 0 : i32
    return %c0_i32, %c0_i32_0 : i32, i32
  }
  func.func @transform_14(%arg0: i32) -> (i32, i32) {
    %c0_i32 = arith.constant 0 : i32
    %c0_i32_0 = arith.constant 0 : i32
    %c0_i32_1 = arith.constant 0 : i32
    return %c0_i32, %c0_i32_0 : i32, i32
  }
  func.func @transform_15(%arg0: i32) -> (i32, i32) {
    %c0_i32 = arith.constant 0 : i32
    %c0_i32_0 = arith.constant 0 : i32
    %c0_i32_1 = arith.constant 0 : i32
    return %c0_i32, %c0_i32_0 : i32, i32
  }
  func.func @transform_16(%arg0: i32) -> (i32, i32) {
    %c0_i32 = arith.constant 0 : i32
    %c0_i32_0 = arith.constant 0 : i32
    %c0_i32_1 = arith.constant 0 : i32
    return %c0_i32, %c0_i32_0 : i32, i32
  }
  func.func @transform_17(%arg0: i32) -> (i32, i32) {
    %c0_i32 = arith.constant 0 : i32
    %c0_i32_0 = arith.constant 0 : i32
    %c0_i32_1 = arith.constant 0 : i32
    return %c0_i32, %c0_i32_0 : i32, i32
  }
  func.func @transform_18(%arg0: i32) -> (i32, i32) {
    %c0_i32 = arith.constant 0 : i32
    %c0_i32_0 = arith.constant 0 : i32
    %c0_i32_1 = arith.constant 0 : i32
    return %c0_i32, %c0_i32_0 : i32, i32
  }
  func.func @transform_19(%arg0: i32) -> (i32, i32, i32) {
    %c0_i32 = arith.constant 0 : i32
    %c0_i32_0 = arith.constant 0 : i32
    %c0_i32_1 = arith.constant 0 : i32
    return %c0_i32, %c0_i32_0, %arg0 : i32, i32, i32
  }
}

module attributes {stable_mosaic.version = 14 : i64} {
  func.func @_fuse_body(%arg0: i32, %arg1: memref<8192x128xf32, #tpu.memory_space<vmem>>, %arg2: memref<1x512x128xf32, #tpu.memory_space<vmem>>, %arg3: memref<128x64xf32, #tpu.memory_space<vmem>>, %arg4: memref<1x128xf32, #tpu.memory_space<vmem>>, %arg5: memref<1x128xf32, #tpu.memory_space<vmem>>, %arg6: memref<128x128xf32, #tpu.memory_space<vmem>>, %arg7: memref<256x128xf32, #tpu.memory_space<vmem>>, %arg8: memref<1x256xf32, #tpu.memory_space<vmem>>, %arg9: memref<1x256xf32, #tpu.memory_space<vmem>>, %arg10: memref<128x64xf32, #tpu.memory_space<vmem>>, %arg11: memref<1x128xf32, #tpu.memory_space<vmem>>, %arg12: memref<1x128xf32, #tpu.memory_space<vmem>>, %arg13: memref<128x128xf32, #tpu.memory_space<vmem>>, %arg14: memref<256x128xf32, #tpu.memory_space<vmem>>, %arg15: memref<1x256xf32, #tpu.memory_space<vmem>>, %arg16: memref<1x256xf32, #tpu.memory_space<vmem>>, %arg17: memref<512x512xf32, #tpu.memory_space<vmem>>, %arg18: memref<1x512xf32, #tpu.memory_space<vmem>>, %arg19: memref<1x512xf32, #tpu.memory_space<vmem>>, %arg20: memref<1x8x512xf32, #tpu.memory_space<vmem>>, %arg21: memref<1x512x512xf32, #tpu.memory_space<vmem>>) attributes {dimension_semantics = [#tpu.dimension_semantics<arbitrary>], iteration_bounds = array<i64: 8>, scalar_prefetch = 0 : i64, scratch_operands = 0 : i64, tpu.core_type = #tpu.core_type<tc>, window_params = [{transform_indices = @transform_0, window_bounds = array<i64: 8192, 128>}, {transform_indices = @transform_1, window_bounds = array<i64: 1, 512, 128>}, {pipeline_mode = #tpu.pipeline_mode<synchronous>, transform_indices = @transform_2, window_bounds = array<i64: 128, 64>}, {pipeline_mode = #tpu.pipeline_mode<synchronous>, transform_indices = @transform_3, window_bounds = array<i64: 1, 128>}, {pipeline_mode = #tpu.pipeline_mode<synchronous>, transform_indices = @transform_4, window_bounds = array<i64: 1, 128>}, {pipeline_mode = #tpu.pipeline_mode<synchronous>, transform_indices = @transform_5, window_bounds = array<i64: 128, 128>}, {pipeline_mode = #tpu.pipeline_mode<synchronous>, transform_indices = @transform_6, window_bounds = array<i64: 256, 128>}, {pipeline_mode = #tpu.pipeline_mode<synchronous>, transform_indices = @transform_7, window_bounds = array<i64: 1, 256>}, {pipeline_mode = #tpu.pipeline_mode<synchronous>, transform_indices = @transform_8, window_bounds = array<i64: 1, 256>}, {pipeline_mode = #tpu.pipeline_mode<synchronous>, transform_indices = @transform_9, window_bounds = array<i64: 128, 64>}, {pipeline_mode = #tpu.pipeline_mode<synchronous>, transform_indices = @transform_10, window_bounds = array<i64: 1, 128>}, {pipeline_mode = #tpu.pipeline_mode<synchronous>, transform_indices = @transform_11, window_bounds = array<i64: 1, 128>}, {pipeline_mode = #tpu.pipeline_mode<synchronous>, transform_indices = @transform_12, window_bounds = array<i64: 128, 128>}, {pipeline_mode = #tpu.pipeline_mode<synchronous>, transform_indices = @transform_13, window_bounds = array<i64: 256, 128>}, {pipeline_mode = #tpu.pipeline_mode<synchronous>, transform_indices = @transform_14, window_bounds = array<i64: 1, 256>}, {pipeline_mode = #tpu.pipeline_mode<synchronous>, transform_indices = @transform_15, window_bounds = array<i64: 1, 256>}, {pipeline_mode = #tpu.pipeline_mode<synchronous>, transform_indices = @transform_16, window_bounds = array<i64: 512, 512>}, {pipeline_mode = #tpu.pipeline_mode<synchronous>, transform_indices = @transform_17, window_bounds = array<i64: 1, 512>}, {pipeline_mode = #tpu.pipeline_mode<synchronous>, transform_indices = @transform_18, window_bounds = array<i64: 1, 512>}, {transform_indices = @transform_19, window_bounds = array<i64: 1, 8, 512>}, {transform_indices = @transform_20, window_bounds = array<i64: 1, 512, 512>}]} {
    %get3A = arith.constant 0 : index
    %get3A_0 = arith.constant 0 : index
    %get3A_1 = vector.load %arg1[%get3A, %get3A_0] : memref<8192x128xf32, #tpu.memory_space<vmem>>, vector<8192x128xf32>
    %get3A_2 = arith.constant 0 : index
    %get3A_3 = arith.constant 0 : index
    %get3A_4 = arith.constant 0 : index
    %get3A_5 = vector.load %arg2[%get3A_2, %get3A_3, %get3A_4] : memref<1x512x128xf32, #tpu.memory_space<vmem>>, vector<1x512x128xf32>
    %get3A_6 = vector.shape_cast %get3A_5 : vector<1x512x128xf32> to vector<512x128xf32>
    %slice3A = vector.extract_strided_slice %get3A_1 {offsets = [0, 0], sizes = [8192, 64], strides = [1, 1]} : vector<8192x128xf32> to vector<8192x64xf32>
    %slice3A_7 = vector.extract_strided_slice %get3A_6 {offsets = [0, 0], sizes = [512, 64], strides = [1, 1]} : vector<512x128xf32> to vector<512x64xf32>
    %get3A_8 = arith.constant 0 : index
    %get3A_9 = arith.constant 0 : index
    %get3A_10 = vector.load %arg3[%get3A_8, %get3A_9] : memref<128x64xf32, #tpu.memory_space<vmem>>, vector<128x64xf32>
    %get3A_11 = arith.constant 0 : index
    %get3A_12 = arith.constant 0 : index
    %get3A_13 = vector.load %arg4[%get3A_11, %get3A_12] : memref<1x128xf32, #tpu.memory_space<vmem>>, vector<1x128xf32>
    %get3A_14 = arith.constant 0 : index
    %get3A_15 = arith.constant 0 : index
    %get3A_16 = vector.load %arg5[%get3A_14, %get3A_15] : memref<1x128xf32, #tpu.memory_space<vmem>>, vector<1x128xf32>
    %get3A_17 = arith.constant 0 : index
    %get3A_18 = arith.constant 0 : index
    %get3A_19 = vector.load %arg6[%get3A_17, %get3A_18] : memref<128x128xf32, #tpu.memory_space<vmem>>, vector<128x128xf32>
    %get3A_20 = arith.constant 0 : index
    %get3A_21 = arith.constant 0 : index
    %get3A_22 = vector.load %arg7[%get3A_20, %get3A_21] : memref<256x128xf32, #tpu.memory_space<vmem>>, vector<256x128xf32>
    %get3A_23 = arith.constant 0 : index
    %get3A_24 = arith.constant 0 : index
    %get3A_25 = vector.load %arg8[%get3A_23, %get3A_24] : memref<1x256xf32, #tpu.memory_space<vmem>>, vector<1x256xf32>
    %get3A_26 = arith.constant 0 : index
    %get3A_27 = arith.constant 0 : index
    %get3A_28 = vector.load %arg9[%get3A_26, %get3A_27] : memref<1x256xf32, #tpu.memory_space<vmem>>, vector<1x256xf32>
    %sqrt3A = arith.constant 1.000010e+00 : f32
    %sqrt3A_29 = math.sqrt %sqrt3A : f32
    %div3A = vector.broadcast %sqrt3A_29 : f32 to vector<1x128xf32>
    %div3A_30 = arith.divf %get3A_13, %div3A : vector<1x128xf32>
    %sqrt3A_31 = arith.constant 1.000010e+00 : f32
    %sqrt3A_32 = math.sqrt %sqrt3A_31 : f32
    %div3A_33 = vector.broadcast %sqrt3A_32 : f32 to vector<1x256xf32>
    %div3A_34 = arith.divf %get3A_25, %div3A_33 : vector<1x256xf32>
    %reshape3A = vector.shape_cast %slice3A : vector<8192x64xf32> to vector<512x16x64xf32>
    %broadcast_in_dim3A = vector.shape_cast %slice3A_7 : vector<512x64xf32> to vector<512x1x64xf32>
    %add3A = vector.broadcast %broadcast_in_dim3A : vector<512x1x64xf32> to vector<512x16x64xf32>
    %add3A_35 = arith.addf %reshape3A, %add3A : vector<512x16x64xf32>
    %max3A = arith.constant 0.000000e+00 : f32
    %max3A_36 = vector.broadcast %max3A : f32 to vector<512x16x64xf32>
    %max3A_37 = arith.maximumf %add3A_35, %max3A_36 : vector<512x16x64xf32>
    %reshape3A_38 = vector.shape_cast %max3A_37 : vector<512x16x64xf32> to vector<8192x64xf32>
    %dot_general3A = arith.constant dense<0.000000e+00> : vector<8192x128xf32>
    %dot_general3A_39 = tpu.matmul %reshape3A_38, %get3A_10, %dot_general3A {dimension_numbers = #tpu.dot_dimension_numbers<[1], [1], [0], [0], [0, 0, 1, 0], [], []>, transpose_lhs_hint = false} : vector<8192x64xf32>, vector<128x64xf32>, vector<8192x128xf32> -> vector<8192x128xf32>
    %mul3A = vector.broadcast %div3A_30 : vector<1x128xf32> to vector<8192x128xf32>
    %mul3A_40 = arith.mulf %dot_general3A_39, %mul3A : vector<8192x128xf32>
    %add3A_41 = vector.broadcast %get3A_16 : vector<1x128xf32> to vector<8192x128xf32>
    %add3A_42 = arith.addf %mul3A_40, %add3A_41 : vector<8192x128xf32>
    %max3A_43 = arith.constant 0.000000e+00 : f32
    %max3A_44 = vector.broadcast %max3A_43 : f32 to vector<8192x128xf32>
    %max3A_45 = arith.maximumf %add3A_42, %max3A_44 : vector<8192x128xf32>
    %dot_general3A_46 = arith.constant dense<0.000000e+00> : vector<8192x128xf32>
    %dot_general3A_47 = tpu.matmul %max3A_45, %get3A_19, %dot_general3A_46 {dimension_numbers = #tpu.dot_dimension_numbers<[1], [1], [0], [0], [0, 0, 1, 0], [], []>, transpose_lhs_hint = false} : vector<8192x128xf32>, vector<128x128xf32>, vector<8192x128xf32> -> vector<8192x128xf32>
    %logistic3A = arith.negf %dot_general3A_47 : vector<8192x128xf32>
    %logistic3A_48 = math.exp %logistic3A : vector<8192x128xf32>
    %logistic3A_49 = arith.constant 1.000000e+00 : f32
    %logistic3A_50 = vector.broadcast %logistic3A_49 : f32 to vector<8192x128xf32>
    %logistic3A_51 = arith.addf %logistic3A_50, %logistic3A_48 : vector<8192x128xf32>
    %logistic3A_52 = arith.divf %logistic3A_50, %logistic3A_51 : vector<8192x128xf32>
    %mul3A_53 = arith.mulf %max3A_45, %logistic3A_52 : vector<8192x128xf32>
    %reshape3A_54 = vector.shape_cast %mul3A_53 : vector<8192x128xf32> to vector<512x16x128xf32>
    %reduce_sum3A = arith.constant dense<0.000000e+00> : vector<512x128xf32>
    %reduce_sum3A_55 = vector.multi_reduction <add>, %reshape3A_54, %reduce_sum3A [1] : vector<512x16x128xf32> to vector<512x128xf32>
    %dot_general3A_56 = arith.constant dense<0.000000e+00> : vector<512x256xf32>
    %dot_general3A_57 = tpu.matmul %reduce_sum3A_55, %get3A_22, %dot_general3A_56 {dimension_numbers = #tpu.dot_dimension_numbers<[1], [1], [0], [0], [0, 0, 1, 0], [], []>, transpose_lhs_hint = false} : vector<512x128xf32>, vector<256x128xf32>, vector<512x256xf32> -> vector<512x256xf32>
    %mul3A_58 = vector.broadcast %div3A_34 : vector<1x256xf32> to vector<512x256xf32>
    %mul3A_59 = arith.mulf %dot_general3A_57, %mul3A_58 : vector<512x256xf32>
    %add3A_60 = vector.broadcast %get3A_28 : vector<1x256xf32> to vector<512x256xf32>
    %add3A_61 = arith.addf %mul3A_59, %add3A_60 : vector<512x256xf32>
    %max3A_62 = arith.constant 0.000000e+00 : f32
    %max3A_63 = vector.broadcast %max3A_62 : f32 to vector<512x256xf32>
    %max3A_64 = arith.maximumf %add3A_61, %max3A_63 : vector<512x256xf32>
    %slice3A_65 = vector.extract_strided_slice %get3A_1 {offsets = [0, 64], sizes = [8192, 64], strides = [1, 1]} : vector<8192x128xf32> to vector<8192x64xf32>
    %slice3A_66 = vector.extract_strided_slice %get3A_6 {offsets = [0, 64], sizes = [512, 64], strides = [1, 1]} : vector<512x128xf32> to vector<512x64xf32>
    %get3A_67 = arith.constant 0 : index
    %get3A_68 = arith.constant 0 : index
    %get3A_69 = vector.load %arg10[%get3A_67, %get3A_68] : memref<128x64xf32, #tpu.memory_space<vmem>>, vector<128x64xf32>
    %get3A_70 = arith.constant 0 : index
    %get3A_71 = arith.constant 0 : index
    %get3A_72 = vector.load %arg11[%get3A_70, %get3A_71] : memref<1x128xf32, #tpu.memory_space<vmem>>, vector<1x128xf32>
    %get3A_73 = arith.constant 0 : index
    %get3A_74 = arith.constant 0 : index
    %get3A_75 = vector.load %arg12[%get3A_73, %get3A_74] : memref<1x128xf32, #tpu.memory_space<vmem>>, vector<1x128xf32>
    %get3A_76 = arith.constant 0 : index
    %get3A_77 = arith.constant 0 : index
    %get3A_78 = vector.load %arg13[%get3A_76, %get3A_77] : memref<128x128xf32, #tpu.memory_space<vmem>>, vector<128x128xf32>
    %get3A_79 = arith.constant 0 : index
    %get3A_80 = arith.constant 0 : index
    %get3A_81 = vector.load %arg14[%get3A_79, %get3A_80] : memref<256x128xf32, #tpu.memory_space<vmem>>, vector<256x128xf32>
    %get3A_82 = arith.constant 0 : index
    %get3A_83 = arith.constant 0 : index
    %get3A_84 = vector.load %arg15[%get3A_82, %get3A_83] : memref<1x256xf32, #tpu.memory_space<vmem>>, vector<1x256xf32>
    %get3A_85 = arith.constant 0 : index
    %get3A_86 = arith.constant 0 : index
    %get3A_87 = vector.load %arg16[%get3A_85, %get3A_86] : memref<1x256xf32, #tpu.memory_space<vmem>>, vector<1x256xf32>
    %sqrt3A_88 = arith.constant 1.000010e+00 : f32
    %sqrt3A_89 = math.sqrt %sqrt3A_88 : f32
    %div3A_90 = vector.broadcast %sqrt3A_89 : f32 to vector<1x128xf32>
    %div3A_91 = arith.divf %get3A_72, %div3A_90 : vector<1x128xf32>
    %sqrt3A_92 = arith.constant 1.000010e+00 : f32
    %sqrt3A_93 = math.sqrt %sqrt3A_92 : f32
    %div3A_94 = vector.broadcast %sqrt3A_93 : f32 to vector<1x256xf32>
    %div3A_95 = arith.divf %get3A_84, %div3A_94 : vector<1x256xf32>
    %reshape3A_96 = vector.shape_cast %slice3A_65 : vector<8192x64xf32> to vector<512x16x64xf32>
    %broadcast_in_dim3A_97 = vector.shape_cast %slice3A_66 : vector<512x64xf32> to vector<512x1x64xf32>
    %add3A_98 = vector.broadcast %broadcast_in_dim3A_97 : vector<512x1x64xf32> to vector<512x16x64xf32>
    %add3A_99 = arith.addf %reshape3A_96, %add3A_98 : vector<512x16x64xf32>
    %max3A_100 = arith.constant 0.000000e+00 : f32
    %max3A_101 = vector.broadcast %max3A_100 : f32 to vector<512x16x64xf32>
    %max3A_102 = arith.maximumf %add3A_99, %max3A_101 : vector<512x16x64xf32>
    %reshape3A_103 = vector.shape_cast %max3A_102 : vector<512x16x64xf32> to vector<8192x64xf32>
    %dot_general3A_104 = arith.constant dense<0.000000e+00> : vector<8192x128xf32>
    %dot_general3A_105 = tpu.matmul %reshape3A_103, %get3A_69, %dot_general3A_104 {dimension_numbers = #tpu.dot_dimension_numbers<[1], [1], [0], [0], [0, 0, 1, 0], [], []>, transpose_lhs_hint = false} : vector<8192x64xf32>, vector<128x64xf32>, vector<8192x128xf32> -> vector<8192x128xf32>
    %mul3A_106 = vector.broadcast %div3A_91 : vector<1x128xf32> to vector<8192x128xf32>
    %mul3A_107 = arith.mulf %dot_general3A_105, %mul3A_106 : vector<8192x128xf32>
    %add3A_108 = vector.broadcast %get3A_75 : vector<1x128xf32> to vector<8192x128xf32>
    %add3A_109 = arith.addf %mul3A_107, %add3A_108 : vector<8192x128xf32>
    %max3A_110 = arith.constant 0.000000e+00 : f32
    %max3A_111 = vector.broadcast %max3A_110 : f32 to vector<8192x128xf32>
    %max3A_112 = arith.maximumf %add3A_109, %max3A_111 : vector<8192x128xf32>
    %dot_general3A_113 = arith.constant dense<0.000000e+00> : vector<8192x128xf32>
    %dot_general3A_114 = tpu.matmul %max3A_112, %get3A_78, %dot_general3A_113 {dimension_numbers = #tpu.dot_dimension_numbers<[1], [1], [0], [0], [0, 0, 1, 0], [], []>, transpose_lhs_hint = false} : vector<8192x128xf32>, vector<128x128xf32>, vector<8192x128xf32> -> vector<8192x128xf32>
    %logistic3A_115 = arith.negf %dot_general3A_114 : vector<8192x128xf32>
    %logistic3A_116 = math.exp %logistic3A_115 : vector<8192x128xf32>
    %logistic3A_117 = arith.constant 1.000000e+00 : f32
    %logistic3A_118 = vector.broadcast %logistic3A_117 : f32 to vector<8192x128xf32>
    %logistic3A_119 = arith.addf %logistic3A_118, %logistic3A_116 : vector<8192x128xf32>
    %logistic3A_120 = arith.divf %logistic3A_118, %logistic3A_119 : vector<8192x128xf32>
    %mul3A_121 = arith.mulf %max3A_112, %logistic3A_120 : vector<8192x128xf32>
    %reshape3A_122 = vector.shape_cast %mul3A_121 : vector<8192x128xf32> to vector<512x16x128xf32>
    %iota3A = tpu.iota {dimensions = array<i32: 1>} : vector<512x16x128xi32>
    %lt3A = arith.constant 12 : i32
    %lt3A_123 = vector.broadcast %lt3A : i32 to vector<512x16x128xi32>
    %lt3A_124 = arith.cmpi slt, %iota3A, %lt3A_123 : vector<512x16x128xi32>
    %jit3A = arith.constant 0.000000e+00 : f32
    %broadcast_in_dim3A_125 = vector.broadcast %jit3A : f32 to vector<512x16x128xf32>
    %select_n3A = arith.select %lt3A_124, %reshape3A_122, %broadcast_in_dim3A_125 : vector<512x16x128xi1>, vector<512x16x128xf32>
    %reduce_sum3A_126 = arith.constant dense<0.000000e+00> : vector<512x128xf32>
    %reduce_sum3A_127 = vector.multi_reduction <add>, %select_n3A, %reduce_sum3A_126 [1] : vector<512x16x128xf32> to vector<512x128xf32>
    %dot_general3A_128 = arith.constant dense<0.000000e+00> : vector<512x256xf32>
    %dot_general3A_129 = tpu.matmul %reduce_sum3A_127, %get3A_81, %dot_general3A_128 {dimension_numbers = #tpu.dot_dimension_numbers<[1], [1], [0], [0], [0, 0, 1, 0], [], []>, transpose_lhs_hint = false} : vector<512x128xf32>, vector<256x128xf32>, vector<512x256xf32> -> vector<512x256xf32>
    %mul3A_130 = vector.broadcast %div3A_95 : vector<1x256xf32> to vector<512x256xf32>
    %mul3A_131 = arith.mulf %dot_general3A_129, %mul3A_130 : vector<512x256xf32>
    %add3A_132 = vector.broadcast %get3A_87 : vector<1x256xf32> to vector<512x256xf32>
    %add3A_133 = arith.addf %mul3A_131, %add3A_132 : vector<512x256xf32>
    %max3A_134 = arith.constant 0.000000e+00 : f32
    %max3A_135 = vector.broadcast %max3A_134 : f32 to vector<512x256xf32>
    %max3A_136 = arith.maximumf %add3A_133, %max3A_135 : vector<512x256xf32>
    %concatenate3A = tpu.concatenate %max3A_64, %max3A_136 in 1 : vector<512x256xf32>, vector<512x256xf32> -> vector<512x512xf32>
    %get3A_137 = arith.constant 0 : index
    %get3A_138 = arith.constant 0 : index
    %get3A_139 = vector.load %arg18[%get3A_137, %get3A_138] : memref<1x512xf32, #tpu.memory_space<vmem>>, vector<1x512xf32>
    %sqrt3A_140 = arith.constant 1.000010e+00 : f32
    %sqrt3A_141 = math.sqrt %sqrt3A_140 : f32
    %div3A_142 = vector.broadcast %sqrt3A_141 : f32 to vector<1x512xf32>
    %div3A_143 = arith.divf %get3A_139, %div3A_142 : vector<1x512xf32>
    %get3A_144 = arith.constant 0 : index
    %get3A_145 = arith.constant 0 : index
    %get3A_146 = vector.load %arg17[%get3A_144, %get3A_145] : memref<512x512xf32, #tpu.memory_space<vmem>>, vector<512x512xf32>
    %dot_general3A_147 = arith.constant dense<0.000000e+00> : vector<512x512xf32>
    %dot_general3A_148 = tpu.matmul %concatenate3A, %get3A_146, %dot_general3A_147 {dimension_numbers = #tpu.dot_dimension_numbers<[1], [1], [0], [0], [0, 0, 1, 0], [], []>, transpose_lhs_hint = false} : vector<512x512xf32>, vector<512x512xf32>, vector<512x512xf32> -> vector<512x512xf32>
    %mul3A_149 = vector.broadcast %div3A_143 : vector<1x512xf32> to vector<512x512xf32>
    %mul3A_150 = arith.mulf %dot_general3A_148, %mul3A_149 : vector<512x512xf32>
    %get3A_151 = arith.constant 0 : index
    %get3A_152 = arith.constant 0 : index
    %get3A_153 = vector.load %arg19[%get3A_151, %get3A_152] : memref<1x512xf32, #tpu.memory_space<vmem>>, vector<1x512xf32>
    %add3A_154 = vector.broadcast %get3A_153 : vector<1x512xf32> to vector<512x512xf32>
    %add3A_155 = arith.addf %mul3A_150, %add3A_154 : vector<512x512xf32>
    %max3A_156 = arith.constant 0.000000e+00 : f32
    %max3A_157 = vector.broadcast %max3A_156 : f32 to vector<512x512xf32>
    %max3A_158 = arith.maximumf %add3A_155, %max3A_157 : vector<512x512xf32>
    %transpose3A = tpu.transpose %max3A_158, [1, 0] : vector<512x512xf32> -> vector<512x512xf32>
    %swap3A = arith.constant 0 : index
    %swap3A_159 = arith.constant 0 : index
    %swap3A_160 = arith.constant 0 : index
    %swap3A_161 = vector.load %arg21[%swap3A, %swap3A_159, %swap3A_160] : memref<1x512x512xf32, #tpu.memory_space<vmem>>, vector<1x512x512xf32>
    %swap3A_162 = vector.shape_cast %swap3A_161 : vector<1x512x512xf32> to vector<512x512xf32>
    %swap3A_163 = vector.shape_cast %transpose3A : vector<512x512xf32> to vector<1x512x512xf32>
    tpu.vector_store %arg21[%swap3A, %swap3A_159, %swap3A_160], %swap3A_163 {strides = array<i32>} : memref<1x512x512xf32, #tpu.memory_space<vmem>>, vector<1x512x512xf32>,
    return
  }
  func.func @transform_0(%arg0: i32) -> (i32, i32) {
    %c0_i32 = arith.constant 0 : i32
    %c0_i32_0 = arith.constant 0 : i32
    return %arg0, %c0_i32 : i32, i32
  }
  func.func @transform_1(%arg0: i32) -> (i32, i32, i32) {
    %c1_i32 = arith.constant 1 : i32
    %c0_i32 = arith.constant 0 : i32
    %c0_i32_0 = arith.constant 0 : i32
    return %c1_i32, %arg0, %c0_i32 : i32, i32, i32
  }
  func.func @transform_2(%arg0: i32) -> (i32, i32) {
    %c0_i32 = arith.constant 0 : i32
    %c0_i32_0 = arith.constant 0 : i32
    %c0_i32_1 = arith.constant 0 : i32
    return %c0_i32, %c0_i32_0 : i32, i32
  }
  func.func @transform_3(%arg0: i32) -> (i32, i32) {
    %c0_i32 = arith.constant 0 : i32
    %c0_i32_0 = arith.constant 0 : i32
    %c0_i32_1 = arith.constant 0 : i32
    return %c0_i32, %c0_i32_0 : i32, i32
  }
  func.func @transform_4(%arg0: i32) -> (i32, i32) {
    %c0_i32 = arith.constant 0 : i32
    %c0_i32_0 = arith.constant 0 : i32
    %c0_i32_1 = arith.constant 0 : i32
    return %c0_i32, %c0_i32_0 : i32, i32
  }
  func.func @transform_5(%arg0: i32) -> (i32, i32) {
    %c0_i32 = arith.constant 0 : i32
    %c0_i32_0 = arith.constant 0 : i32
    %c0_i32_1 = arith.constant 0 : i32
    return %c0_i32, %c0_i32_0 : i32, i32
  }
  func.func @transform_6(%arg0: i32) -> (i32, i32) {
    %c0_i32 = arith.constant 0 : i32
    %c0_i32_0 = arith.constant 0 : i32
    %c0_i32_1 = arith.constant 0 : i32
    return %c0_i32, %c0_i32_0 : i32, i32
  }
  func.func @transform_7(%arg0: i32) -> (i32, i32) {
    %c0_i32 = arith.constant 0 : i32
    %c0_i32_0 = arith.constant 0 : i32
    %c0_i32_1 = arith.constant 0 : i32
    return %c0_i32, %c0_i32_0 : i32, i32
  }
  func.func @transform_8(%arg0: i32) -> (i32, i32) {
    %c0_i32 = arith.constant 0 : i32
    %c0_i32_0 = arith.constant 0 : i32
    %c0_i32_1 = arith.constant 0 : i32
    return %c0_i32, %c0_i32_0 : i32, i32
  }
  func.func @transform_9(%arg0: i32) -> (i32, i32) {
    %c0_i32 = arith.constant 0 : i32
    %c0_i32_0 = arith.constant 0 : i32
    %c0_i32_1 = arith.constant 0 : i32
    return %c0_i32, %c0_i32_0 : i32, i32
  }
  func.func @transform_10(%arg0: i32) -> (i32, i32) {
    %c0_i32 = arith.constant 0 : i32
    %c0_i32_0 = arith.constant 0 : i32
    %c0_i32_1 = arith.constant 0 : i32
    return %c0_i32, %c0_i32_0 : i32, i32
  }
  func.func @transform_11(%arg0: i32) -> (i32, i32) {
    %c0_i32 = arith.constant 0 : i32
    %c0_i32_0 = arith.constant 0 : i32
    %c0_i32_1 = arith.constant 0 : i32
    return %c0_i32, %c0_i32_0 : i32, i32
  }
  func.func @transform_12(%arg0: i32) -> (i32, i32) {
    %c0_i32 = arith.constant 0 : i32
    %c0_i32_0 = arith.constant 0 : i32
    %c0_i32_1 = arith.constant 0 : i32
    return %c0_i32, %c0_i32_0 : i32, i32
  }
  func.func @transform_13(%arg0: i32) -> (i32, i32) {
    %c0_i32 = arith.constant 0 : i32
    %c0_i32_0 = arith.constant 0 : i32
    %c0_i32_1 = arith.constant 0 : i32
    return %c0_i32, %c0_i32_0 : i32, i32
  }
  func.func @transform_14(%arg0: i32) -> (i32, i32) {
    %c0_i32 = arith.constant 0 : i32
    %c0_i32_0 = arith.constant 0 : i32
    %c0_i32_1 = arith.constant 0 : i32
    return %c0_i32, %c0_i32_0 : i32, i32
  }
  func.func @transform_15(%arg0: i32) -> (i32, i32) {
    %c0_i32 = arith.constant 0 : i32
    %c0_i32_0 = arith.constant 0 : i32
    %c0_i32_1 = arith.constant 0 : i32
    return %c0_i32, %c0_i32_0 : i32, i32
  }
  func.func @transform_16(%arg0: i32) -> (i32, i32) {
    %c0_i32 = arith.constant 0 : i32
    %c0_i32_0 = arith.constant 0 : i32
    %c0_i32_1 = arith.constant 0 : i32
    return %c0_i32, %c0_i32_0 : i32, i32
  }
  func.func @transform_17(%arg0: i32) -> (i32, i32) {
    %c0_i32 = arith.constant 0 : i32
    %c0_i32_0 = arith.constant 0 : i32
    %c0_i32_1 = arith.constant 0 : i32
    return %c0_i32, %c0_i32_0 : i32, i32
  }
  func.func @transform_18(%arg0: i32) -> (i32, i32) {
    %c0_i32 = arith.constant 0 : i32
    %c0_i32_0 = arith.constant 0 : i32
    %c0_i32_1 = arith.constant 0 : i32
    return %c0_i32, %c0_i32_0 : i32, i32
  }
  func.func @transform_19(%arg0: i32) -> (i32, i32, i32) {
    %c0_i32 = arith.constant 0 : i32
    %c0_i32_0 = arith.constant 0 : i32
    %c0_i32_1 = arith.constant 0 : i32
    return %c0_i32, %c0_i32_0, %arg0 : i32, i32, i32
  }
  func.func @transform_20(%arg0: i32) -> (i32, i32, i32) {
    %c1_i32 = arith.constant 1 : i32
    %c0_i32 = arith.constant 0 : i32
    %c0_i32_0 = arith.constant 0 : i32
    return %c1_i32, %c0_i32, %arg0 : i32, i32, i32
  }
}

</mosaic_0001>

<sc_bundles>
// kernel: kernel.12.cloned.1.call-start
scs
__scs_entry_jumppad:
0x0: {  	(pc) =	sbr.rel $0x88, $3  }
0x1: {  	(tag) =	ssettag $0x0;
	lr =	simm.s32 $0x1  }
0x2: {  	[smem:$0x3F86] =	sst lr;
	_ =	strace $0xD0000000  }
0x3: {  	_ = 	snop  }
0x4: {  	_ = 	snop  }
0x5: {  	_ = 	snop  }
0x6: {  	_ = 	snop  }
0x7: {  	_ = 	snop  }
__scs_overlays_trampoline_lowered:
0x8: {  	[smem:$0x3F95] =	sst s0  }
0x9: {  	[smem:$0x3F96] =	sst s1  }
0xa: {  	[smem:$0x3F97] =	sst s2  }
0xb: {  	[smem:$0x3F98] =	sst s3  }
0xc: {  	[smem:$0x3F99] =	sst s4  }
0xd: {  	[smem:$0x3F9A] =	sst s5  }
0xe: {  	[smem:$0x3F9B] =	sst s6  }
0xf: {  	[smem:$0x3F9C] =	sst s7  }
0x10: {  	[smem:$0x3F9D] =	sst s8  }
0x11: {  	[smem:$0x3F9E] =	sst s9;
	s0 =	simm.s32 @!p0 $0x0  }
0x12: {  	s1 =	sld [smem:$0x3F84];
	s0 =	simm.s32 @p0 $0x1  }
0x13: {  	[smem:$0x3F9F] =	sst s0;
	s0 =	simm.s32 @!p1 $0x0  }
0x14: {  	s2 =	sld [smem:$0x3F83];
	s0 =	simm.s32 @p1 $0x1  }
0x15: {  	[smem:$0x3FA0] =	sst s0;
	s0 =	simm.s32 @!p2 $0x0  }
0x16: {  	s3 =	sld [smem:$0x3FDB];
	s0 =	simm.s32 @p2 $0x1  }
0x17: {  	s4 =	simm.s32 $0x1BF5;
	[smem:$0x3FA2] =	sst s0  }
0x18: {  	s0 =	sld [smem:$0x3F85];
	_ =	swait.ge [sflag:s4], $0x0  }
0x19: {  	s7 =	sld [smem:$0x3F86]  }
0x1a: {  	s8 =	sadd.s32 $0xFFFFE003, lr  }
0x1b: {  	s9 =	sadd.s32 $0xFFFFFEF7, lr;
	s5 =	simm.s32 $0xFFFFFFFF;
	p2 =	slt.u32 s8, $0xFFFFF086  }
0x1c: {  	p1 =	slt.u32 s9, $0xF7A;
	s5 =	simm.s32 @!p2 $0x0  }
0x1d: {  	s5 =	simm.s32 @p1 $0x1;
	p0 =	seq.s32 s7, s2  }
0x1e: {  	s7 =	smul.u32 @!p0 $0xF7A, s2;
	p2 =	seq.s32 @!p0 s5, $0x0  }
0x1f: {  	s9 =	smul.u32 $0xF7A, s1;
	s8 =	simm.s32 @!p0 $0x1BF5;
	p2 =	por !p2, p0  }
0x20: {  	[sflag:s8] =	ssyncset.s32 @!p0 $0xFFFFF086;
	s6 =	sadd.s32 @!p0 s3, s7;
	s7 =	simm.s32 @!p0 $0x108  }
0x21: {  	s3 =	sadd.s32 s3, s9;
	s6 =	sadd.s32 @!p0 $0x88, s6;
	s7 =	simm.s32 @p2 $0x1082  }
0x22: {  	[simem:s7], [sflag:s8] =	dma.local @!p0 [hbm:s6], $0xF7A  }
0x23: {  	s9 =	sor.u32 $0xD0000000, s2;
	s6 =	simm.s32 $0x108;
	_ =	swait.ge @!p0 [sflag:s8], $0x0  }
0x24: {  	s3 =	sadd.s32 $0x88, s3;
	s6 =	simm.s32 @!p1 $0x1082;
	[sflag:s4] =	ssyncset.s32 $0xFFFFF086  }
0x25: {  	[simem:s6], [sflag:s4] =	dma.local [hbm:s3], $0xF7A  }
0x26: {  	[smem:$0x3F86] =	sst s1;
	(tag) =	ssettag s2;
	_ =	strace s9  }
0x27: {  	s1 =	sld [smem:$0x3F96]  }
0x28: {  	s2 =	sld [smem:$0x3F97]  }
0x29: {  	s4 =	sld [smem:$0x3F99]  }
0x2a: {  	p0 =	seq.s32 s5, $0x0;
	s5 =	sld [smem:$0x3F9A]  }
0x2b: {  	s6 =	sld [smem:$0x3F9B]  }
0x2c: {  	s7 =	sld [smem:$0x3F9C]  }
0x2d: {  	s3 =	simm.s32 $0x108;
	s8 =	sld [smem:$0x3F9D]  }
0x2e: {  	s3 =	simm.s32 @!p0 $0x1082;
	s9 =	sld [smem:$0x3F9E]  }
0x2f: {  	lr =	sadd.s32 s0, s3;
	s0 =	sld [smem:$0x3F95]  }
0x30: {  	s3 =	sld [smem:$0x3F98]  }
0x31: {  	[smem:$0x3FA1] =	sst s10  }
0x32: {  	s10 =	sld [smem:$0x3F9F];
	_ =	sdelay $0x3  }
0x33: {  	p0 =	seq.s32 s10, $0x1;
	s10 =	sld [smem:$0x3FA1];
	_ =	sdelay $0x3  }
0x34: {  	[smem:$0x3FA1] =	sst s10  }
0x35: {  	s10 =	sld [smem:$0x3FA0];
	_ =	sdelay $0x3  }
0x36: {  	p1 =	seq.s32 s10, $0x1;
	s10 =	sld [smem:$0x3FA1];
	_ =	sdelay $0x3  }
0x37: {  	[smem:$0x3FA1] =	sst s10  }
0x38: {  	s10 =	sld [smem:$0x3FA2]  }
0x39: {  	_ = 	snop;
	(pc) =	sbr.ind lr, $3  }
0x3a: {  	_ = 	snop  }
0x3b: {  	_ = 	snop  }
0x3c: {  	p2 =	seq.s32 s10, $0x1;
	s10 =	sld [smem:$0x3FA1]  }
0x3d: {  	_ =	shalt  }
0x3e: {  	_ =	shalt  }
0x3f: {  	_ =	shalt  }
0x40: {  	_ =	shalt  }
0x41: {  	_ =	shalt  }
0x42: {  	_ =	shalt  }
0x43: {  	_ =	shalt  }
0x44: {  	_ =	shalt  }
0x45: {  	_ =	shalt  }
0x46: {  	_ =	shalt  }
0x47: {  	_ =	shalt  }
0x48: {  	_ =	shalt  }
0x49: {  	_ =	shalt  }
0x4a: {  	_ =	shalt  }
0x4b: {  	_ =	shalt  }
0x4c: {  	_ =	shalt  }
0x4d: {  	_ =	shalt  }
0x4e: {  	_ =	shalt  }
0x4f: {  	_ =	shalt  }
0x50: {  	_ =	shalt  }
0x51: {  	_ =	shalt  }
0x52: {  	_ =	shalt  }
0x53: {  	_ =	shalt  }
0x54: {  	_ =	shalt  }
0x55: {  	_ =	shalt  }
0x56: {  	_ =	shalt  }
0x57: {  	_ =	shalt  }
0x58: {  	_ =	shalt  }
0x59: {  	_ =	shalt  }
0x5a: {  	_ =	shalt  }
0x5b: {  	_ =	shalt  }
0x5c: {  	_ =	shalt  }
0x5d: {  	_ =	shalt  }
0x5e: {  	_ =	shalt  }
0x5f: {  	_ =	shalt  }
0x60: {  	_ =	shalt  }
0x61: {  	_ =	shalt  }
0x62: {  	_ =	shalt  }
0x63: {  	_ =	shalt  }
0x64: {  	_ =	shalt  }
0x65: {  	_ =	shalt  }
0x66: {  	_ =	shalt  }
0x67: {  	_ =	shalt  }
0x68: {  	_ =	shalt  }
0x69: {  	_ =	shalt  }
0x6a: {  	_ =	shalt  }
0x6b: {  	_ =	shalt  }
0x6c: {  	_ =	shalt  }
0x6d: {  	_ =	shalt  }
0x6e: {  	_ =	shalt  }
0x6f: {  	_ =	shalt  }
0x70: {  	_ =	shalt  }
0x71: {  	_ =	shalt  }
0x72: {  	_ =	shalt  }
0x73: {  	_ =	shalt  }
0x74: {  	_ =	shalt  }
0x75: {  	_ =	shalt  }
0x76: {  	_ =	shalt  }
0x77: {  	_ =	shalt  }
0x78: {  	_ =	shalt  }
0x79: {  	_ =	shalt  }
0x7a: {  	_ =	shalt  }
0x7b: {  	_ =	shalt  }
0x7c: {  	_ =	shalt  }
0x7d: {  	_ =	shalt  }
0x7e: {  	_ =	shalt  }
0x7f: {  	_ =	shalt  }
0x80: {  	_ =	shalt  }
0x81: {  	_ =	shalt  }
0x82: {  	_ =	shalt  }
0x83: {  	_ =	shalt  }
0x84: {  	_ =	shalt  }
0x85: {  	_ =	shalt  }
0x86: {  	_ =	shalt  }
0x87: {  	_ =	shalt  }
.Lfunc_end0:
.L_simem_size_0:
called_computation.1_lowered:
.L_overlay_start_0:
0x88: {  	s2 =	sld [smem:$0x3FD9]  }
0x89: {  	s3 =	sld [smem:$0x3FFE];
	_ =	sdelay $0x1  }
0x8a: {  	s1 =	srdreg.scid  }
0x8b: {  	s0 =	sand.u32 $0x1, s1  }
0x8c: {  	s17 =	sshll.u32 s0, $0xA;
	s2 =	sadd.s32 s3, s2  }
0x8d: {  	s2 =	sadd.s32 s2, s17  }
0x8e: {  	[smem:$0x3FAD] =	sst s2  }
0x8f: {  	_ = 	snop  }
0x90: {  	(tm) =	ssettm $0x1  }
0x91: {  	s18 =	sld [smem:$0x3FFB];
	_ =	sdelay $0x3  }
0x92: {  	_ =	strace s18  }
0x93: {  	s2 =	sld [smem:$0x3FFC];
	_ =	sdelay $0x3  }
0x94: {  	_ =	strace s2  }
0x95: {  	s2 =	sld [smem:$0x3FFD];
	_ =	sdelay $0x3  }
0x96: {  	_ =	strace s2  }
0x97: {  	_ =	strace $0x8FFFFFFF  }
0x98: {  	s19 =	sld [smem:$0x3FDB];
	_ =	sdelay $0x1  }
0x99: {  	s20 =	simm.s32 $_scs_section_size  }
0x9a: {  	s4 =	simm.s32 $_size__tile_overlayer_lowered;
	s5 =	simm.s32 $_tile_overlayer_lowered  }
0x9b: {  	s6 =	simm.s32 $0x1BFF;
	s21 =	sshll.u32 s5, $0x1;
	s3 =	sadd.s32 s20, s19  }
0x9c: {  	s22 =	simm.s32 $0x0;
	s4 =	sshll.u32 s4, $0x1;
	s5 =	sadd.s32 s21, s3  }
0x9d: {  	[timem:s22], [sflag:s6] =	dma.local [hbm:s5], s4  }
0x9e: {  	_ =	swait.ge [sflag:s6], s4  }
0x9f: {  	s4 =	ssub.s32 $0x0, s4;
	[sflag:s6] =	ssyncset.done $0x0  }
0xa0: {  	[sflag:s6] =	ssyncadd.s32 s4;
	_ =	sdelay $0x1  }
0xa1: {  	s23 =	simm.s32 $0x1B8B  }
0xa2: {  	_ =	swait.ge [sflag:s23], $0x1  }
0xa3: {  	[sflag:s23] =	ssyncset.done $0x0  }
0xa4: {  	[sflag:s23] =	ssyncadd.s32 $0xFFFFFFFF  }
0xa5: {  	s4 =	sld [smem:$0x0]  }
0xa6: {  	s5 =	sand.u32 $0xFFFFFFFE, s1  }
0xa7: {  	p0 =	sne.s32 s1, s5  }
0xa8: {  	s5 =	sshll.u32 @p0 s5, $0xE  }
0xa9: {  	s5 =	sadd.s32 @p0 $0x11B8D, s5;
	s6 =	sshll.u32 @p0 s4, $0x11  }
0xaa: {  	s5 =	sor.u32 @p0 s6, s5  }
0xab: {  	[sflag:s5] =	ssyncadd.remote.s32 @p0 $0x1;
	_ =	sdelay $0x1  }
0xac: {  	s5 =	simm.s32 @p0 $0x1B8D  }
0xad: {  	_ =	swait.eq @p0 [sflag:s5], $0x1  }
0xae: {  	[sflag:s5] =	ssyncadd.s32 @p0 $0xFFFFFFFF  }
0xaf: {  	s6 =	sshll.u32 @!p0 s1, $0xE  }
0xb0: {  	s6 =	sor.u32 @!p0 $0x4000, s6;
	s5 =	simm.s32 @!p0 $0x1B8D  }
0xb1: {  	s4 =	sshll.u32 @!p0 s4, $0x11;
	s6 =	sadd.s32 @!p0 $0x11B8D, s6;
	_ =	swait.eq @!p0 [sflag:s5], $0x1  }
0xb2: {  	s4 =	sor.u32 @!p0 s4, s6;
	[sflag:s5] =	ssyncadd.s32 @!p0 $0xFFFFFFFF  }
0xb3: {  	s25 =	simm.s32 $0x1B8E;
	s24 =	sld [smem:$0x3FFE];
	[sflag:s4] =	ssyncadd.remote.s32 @!p0 $0x1  }
0xb4: {  	s26 =	simm.s32 $execute0_lowered;
	[smem:$0x3FD2] =	sst s25  }
0xb5: {  	s5 =	sshll.u32 s26, $0x1;
	_ =	strace $0x80000049;
	[dreg:$0x1] =	wrdreg $0xFFFFFFFF  }
0xb6: {  	s28 =	simm.s32 $_size_execute0_lowered;
	s3 =	sadd.s32 s3, s5;
	[dreg:$0x0] =	wrdreg $0x0  }
0xb7: {  	s5 =	sshll.u32 s28, $0x1;
	[dreg:$0x2] =	wrdreg s3  }
0xb8: {  	[dreg:$0x3] =	wrdreg s5  }
0xb9: {  	[dreg:$0x4] =	wrdreg $0xC0  }
0xba: {  	_ =	task [dreg:s22], $0x5FFFF  }
0xbb: {  	[dreg:$0x1] =	wrdreg $0xFFFFFFFF  }
0xbc: {  	[dreg:$0x0] =	wrdreg $0x60  }
0xbd: {  	[dreg:$0x2] =	wrdreg s24  }
0xbe: {  	[dreg:$0x3] =	wrdreg $0xA  }
0xbf: {  	_ =	task.clear_ibuf [dreg:s22], $0x4FFFF;
	_ =	strace $0x90000049  }
0xc0: {  	s29 =	simm.s32 $0xA;
	_ =	strace $0x8000004B  }
0xc1: {  	_ =	swait.ge [sflag:s29], $0x1  }
0xc2: {  	[sflag:s29] =	ssyncadd.s32 $0xFFFFFFFF  }
0xc3: {  	_ =	strace $0x9000004B  }
0xc4: {  	_ =	sfence  }
0xc5: {  	s30 =	sld [smem:$0x0];
	_ =	sdelay $0x2  }
0xc6: {  	s31 =	sshll.u32 s1, $0xD;
	s1 =	sshrl.u32 s1, $0x2  }
0xc7: {  	s4 =	sand.u32 $0x4000, s31;
	s1 =	sadd.s32 s1, s30  }
0xc8: {  	s0 =	sor.u32 s4, s0;
	s1 =	sshll.u32 s1, $0x11  }
0xc9: {  	s0 =	sor.u32 s1, s0  }
0xca: {  	s0 =	sadd.s32 $0x8F2B, s0  }
0xcb: {  	[sflag:s0] =	ssyncadd.remote.s32 $0x1  }
0xcc: {  	_ =	sfence.sel $0xFFFF  }
0xcd: {  	[dreg:$0x0] =	wrdreg $0xFFFFFFFF;
	(pc) =	sbr.abs _section_cstart, $3  }
0xce: {  	[dreg:$0x1] =	wrdreg $0xFFFFFFFF  }
0xcf: {  	_ =	task.clear_ibuf [dreg:s22], $0x2FFFF;
	_ =	strace $0x9FFFFFFF  }
0xd0: {  	(tm) =	ssettm $0x7FFFFFFF  }
0xd1: {  	_ =	shalt  }
tec
execute0_lowered:
.L_overlay_start_1:
0x0: {  	(tag) =	ssettag $0x1  }
0x1: {  	s1 =	srdreg.scid  }
0x2: {  	s0 =	stileid.u32;
	s24 =	sand.u32 $0x1, s1  }
0x3: {  	s30 =	sshll.u32 s0, $0xC;
	s2 =	sshll.u32 s24, $0xB  }
0x4: {  	s10 =	rddreg [dreg:$0x0];
	s11 =	sor.u32 s2, s30  }
0x5: {  	s1 =	rddreg [dreg:$0x1];
	s2 =	simm.s32 $0x0;
	s3 =	sshrl.u32 s11, $0x3  }
0x6: {  	[smem:$0x7FF] =	sst s2;
	s3 =	sadd.s32 s3, s10  }
0x7: {  	_ =	strace $0x8000004A;
	s4 =	sadd.s32 $0x123600, s3;
	s3 =	simm.s32 $0x3  }
0x8: {  	[tilespmem:s2], [sflag:$0x3] =	stream.linear.gather [hbm4b:s4+s2], $0x800, $0x38;
	[tilespmem:$0x10800] =	vst v63  }
0x9: {  	_ =	swait.ge [sflag:s3], $0x800  }
0xa: {  	s6 =	simm.s32 $0x100;
	[sflag:s3] =	ssyncset.done $0x0  }
0xb: {  	s7 =	simm.s32 $0x800;
	s5 =	sadd.s32 $0x3600, s10;
	[sflag:s3] =	ssyncadd.s32 $0xFFFFF800  }
0xc: {  	[tilespmem:s7], [sflag:$0x1] =	stream.indirect.gather [hbm4b:s5+s6], $0x80, s2, s6, $0xb8;
	[tilespmem:$0x10800] =	vst v63  }
0xd: {  	s8 =	simm.s32 $0x8800;
	s9 =	simm.s32 $0x1  }
0xe: {  	[tilespmem:s8], [sflag:$0x2] =	stream.indirect.gather [hbm4b:s5+s6], $0x80, s6, s6, $0xb8;
	[tilespmem:$0x10800] =	vst v63  }
0xf: {  	s11 =	sshll.u32 s11, $0x4;
	_ =	swait.ge [sflag:s9], $0x8000  }
0x10: {  	s25 =	sadd.s32 s11, s10;
	[sflag:s9] =	ssyncset.done $0x0  }
0x11: {  	s10 =	sadd.s32 $0x125600, s25;
	[sflag:s9] =	ssyncadd.s32 $0xFFFF8000  }
0x12: {  	[hbm4b:s10+s2] =	stream.linear.scatter [tilespmem:s7], [sflag:$0x3], $0x8000, $0x38;
	[tilespmem:$0x10800] =	vst v63  }
0x13: {  	_ =	swait.ge [sflag:s3], $0x8000  }
0x14: {  	[sflag:s3] =	ssyncset.done $0x0  }
0x15: {  	s12 =	simm.s32 $0x2;
	s11 =	simm.s32 $0x200;
	[sflag:s3] =	ssyncadd.s32 $0xFFFF8000  }
0x16: {  	[tilespmem:s7], [sflag:$0x1] =	stream.indirect.gather [hbm4b:s5+s6], $0x80, s11, s6, $0xb8;
	[tilespmem:$0x10800] =	vst v63  }
0x17: {  	_ =	swait.ge [sflag:s12], $0x8000  }
0x18: {  	[sflag:s12] =	ssyncset.done $0x0  }
0x19: {  	s13 =	sadd.s32 $0x126600, s25;
	[sflag:s12] =	ssyncadd.s32 $0xFFFF8000  }
0x1a: {  	[hbm4b:s13+s2] =	stream.linear.scatter [tilespmem:s8], [sflag:$0x3], $0x8000, $0x38;
	[tilespmem:$0x10800] =	vst v63  }
0x1b: {  	_ =	swait.ge [sflag:s3], $0x8000  }
0x1c: {  	[sflag:s3] =	ssyncset.done $0x0  }
0x1d: {  	s14 =	simm.s32 $0x300;
	[sflag:s3] =	ssyncadd.s32 $0xFFFF8000  }
0x1e: {  	[tilespmem:s8], [sflag:$0x2] =	stream.indirect.gather [hbm4b:s5+s6], $0x80, s14, s6, $0xb8;
	[tilespmem:$0x10800] =	vst v63  }
0x1f: {  	_ =	swait.ge [sflag:s9], $0x8000  }
0x20: {  	[sflag:s9] =	ssyncset.done $0x0  }
0x21: {  	s15 =	sadd.s32 $0x127600, s25;
	[sflag:s9] =	ssyncadd.s32 $0xFFFF8000  }
0x22: {  	[hbm4b:s15+s2] =	stream.linear.scatter [tilespmem:s7], [sflag:$0x3], $0x8000, $0x38;
	[tilespmem:$0x10800] =	vst v63  }
0x23: {  	_ =	swait.ge [sflag:s3], $0x8000  }
0x24: {  	[sflag:s3] =	ssyncset.done $0x0  }
0x25: {  	s16 =	simm.s32 $0x400;
	[sflag:s3] =	ssyncadd.s32 $0xFFFF8000  }
0x26: {  	[tilespmem:s7], [sflag:$0x1] =	stream.indirect.gather [hbm4b:s5+s6], $0x80, s16, s6, $0xb8;
	[tilespmem:$0x10800] =	vst v63  }
0x27: {  	_ =	swait.ge [sflag:s12], $0x8000  }
0x28: {  	[sflag:s12] =	ssyncset.done $0x0  }
0x29: {  	s17 =	sadd.s32 $0x128600, s25;
	[sflag:s12] =	ssyncadd.s32 $0xFFFF8000  }
0x2a: {  	[hbm4b:s17+s2] =	stream.linear.scatter [tilespmem:s8], [sflag:$0x3], $0x8000, $0x38;
	[tilespmem:$0x10800] =	vst v63  }
0x2b: {  	_ =	swait.ge [sflag:s3], $0x8000  }
0x2c: {  	[sflag:s3] =	ssyncset.done $0x0  }
0x2d: {  	s18 =	simm.s32 $0x500;
	[sflag:s3] =	ssyncadd.s32 $0xFFFF8000  }
0x2e: {  	[tilespmem:s8], [sflag:$0x2] =	stream.indirect.gather [hbm4b:s5+s6], $0x80, s18, s6, $0xb8;
	[tilespmem:$0x10800] =	vst v63  }
0x2f: {  	_ =	swait.ge [sflag:s9], $0x8000  }
0x30: {  	[sflag:s9] =	ssyncset.done $0x0  }
0x31: {  	s19 =	sadd.s32 $0x129600, s25;
	[sflag:s9] =	ssyncadd.s32 $0xFFFF8000  }
0x32: {  	[hbm4b:s19+s2] =	stream.linear.scatter [tilespmem:s7], [sflag:$0x3], $0x8000, $0x38;
	[tilespmem:$0x10800] =	vst v63  }
0x33: {  	_ =	swait.ge [sflag:s3], $0x8000  }
0x34: {  	[sflag:s3] =	ssyncset.done $0x0  }
0x35: {  	s20 =	simm.s32 $0x600;
	[sflag:s3] =	ssyncadd.s32 $0xFFFF8000  }
0x36: {  	[tilespmem:s7], [sflag:$0x1] =	stream.indirect.gather [hbm4b:s5+s6], $0x80, s20, s6, $0xb8;
	[tilespmem:$0x10800] =	vst v63  }
0x37: {  	_ =	swait.ge [sflag:s12], $0x8000  }
0x38: {  	[sflag:s12] =	ssyncset.done $0x0  }
0x39: {  	s21 =	sadd.s32 $0x12A600, s25;
	[sflag:s12] =	ssyncadd.s32 $0xFFFF8000  }
0x3a: {  	[hbm4b:s21+s2] =	stream.linear.scatter [tilespmem:s8], [sflag:$0x3], $0x8000, $0x38;
	[tilespmem:$0x10800] =	vst v63  }
0x3b: {  	_ =	swait.ge [sflag:s3], $0x8000  }
0x3c: {  	[sflag:s3] =	ssyncset.done $0x0  }
0x3d: {  	s22 =	simm.s32 $0x700;
	[sflag:s3] =	ssyncadd.s32 $0xFFFF8000  }
0x3e: {  	[tilespmem:s8], [sflag:$0x2] =	stream.indirect.gather [hbm4b:s5+s6], $0x80, s22, s6, $0xb8;
	[tilespmem:$0x10800] =	vst v63  }
0x3f: {  	_ =	swait.ge [sflag:s9], $0x8000  }
0x40: {  	[sflag:s9] =	ssyncset.done $0x0  }
0x41: {  	s24 =	ssub.s32 $0x2, s24;
	s23 =	sadd.s32 $0x12B600, s25;
	[sflag:s9] =	ssyncadd.s32 $0xFFFF8000  }
0x42: {  	[hbm4b:s23+s2] =	stream.linear.scatter [tilespmem:s7], [sflag:$0x3], $0x8000, $0x38;
	[tilespmem:$0x10800] =	vst v63  }
0x43: {  	s26 =	sshrl.u32 s24, $0x1;
	_ =	swait.ge [sflag:s3], $0x8000  }
0x44: {  	s26 =	ssub.s32 s24, s26;
	[sflag:s3] =	ssyncset.done $0x0  }
0x45: {  	s31 =	smax.u32 s26, $0x1;
	[sflag:s3] =	ssyncadd.s32 $0xFFFF8000  }
0x46: {  	p0 =	sne.s32 s31, $0x1;
	_ =	swait.ge [sflag:s12], $0x8000  }
.Ltmp0:
0x47: {  	[sflag:s12] =	ssyncset.done $0x0;
	(pc) =	sbr.rel @!p0 .LBB2_2-.Ltmp0, $4  }
0x48: {  	s24 =	sadd.s32 $0x12C600, s25;
	[sflag:s12] =	ssyncadd.s32 $0xFFFF8000  }
0x49: {  	[hbm4b:s24+s2] =	stream.linear.scatter [tilespmem:s8], [sflag:$0x3], $0x8000, $0x38;
	[tilespmem:$0x10800] =	vst v63  }
0x4a: {  	_ =	swait.ge [sflag:s3], $0x8000  }
0x4b: {  	s25 =	sadd.s32 $0xFFFFFFFF, s31;
	[sflag:s3] =	ssyncset.done $0x0  }
.LBB2_1:
0x4c: {  	p0 =	sne.s32 s25, $0x1;
	s25 =	sadd.s32 $0xFFFFFFFF, s25;
	[sflag:s3] =	ssyncadd.s32 $0xFFFF8000  }
0x4d: {  	[tilespmem:s2], [sflag:$0x3] =	stream.linear.gather [hbm4b:s4+s2], $0x800, $0x38;
	[tilespmem:$0x10800] =	vst v63  }
0x4e: {  	_ =	swait.ge [sflag:s3], $0x800  }
0x4f: {  	[sflag:s3] =	ssyncset.done $0x0  }
0x50: {  	[sflag:s3] =	ssyncadd.s32 $0xFFFFF800  }
0x51: {  	[tilespmem:s7], [sflag:$0x1] =	stream.indirect.gather [hbm4b:s5+s6], $0x80, s2, s6, $0xb8;
	[tilespmem:$0x10800] =	vst v63  }
0x52: {  	_ = 	snop  }
0x53: {  	[tilespmem:s8], [sflag:$0x2] =	stream.indirect.gather [hbm4b:s5+s6], $0x80, s6, s6, $0xb8;
	[tilespmem:$0x10800] =	vst v63  }
0x54: {  	_ =	swait.ge [sflag:s9], $0x8000  }
0x55: {  	[sflag:s9] =	ssyncset.done $0x0  }
0x56: {  	[sflag:s9] =	ssyncadd.s32 $0xFFFF8000  }
0x57: {  	[hbm4b:s10+s2] =	stream.linear.scatter [tilespmem:s7], [sflag:$0x3], $0x8000, $0x38;
	[tilespmem:$0x10800] =	vst v63  }
0x58: {  	_ =	swait.ge [sflag:s3], $0x8000  }
0x59: {  	[sflag:s3] =	ssyncset.done $0x0  }
0x5a: {  	[sflag:s3] =	ssyncadd.s32 $0xFFFF8000  }
0x5b: {  	[tilespmem:s7], [sflag:$0x1] =	stream.indirect.gather [hbm4b:s5+s6], $0x80, s11, s6, $0xb8;
	[tilespmem:$0x10800] =	vst v63  }
0x5c: {  	_ =	swait.ge [sflag:s12], $0x8000  }
0x5d: {  	[sflag:s12] =	ssyncset.done $0x0  }
0x5e: {  	[sflag:s12] =	ssyncadd.s32 $0xFFFF8000  }
0x5f: {  	[hbm4b:s13+s2] =	stream.linear.scatter [tilespmem:s8], [sflag:$0x3], $0x8000, $0x38;
	[tilespmem:$0x10800] =	vst v63  }
0x60: {  	_ =	swait.ge [sflag:s3], $0x8000  }
0x61: {  	[sflag:s3] =	ssyncset.done $0x0  }
0x62: {  	[sflag:s3] =	ssyncadd.s32 $0xFFFF8000  }
0x63: {  	[tilespmem:s8], [sflag:$0x2] =	stream.indirect.gather [hbm4b:s5+s6], $0x80, s14, s6, $0xb8;
	[tilespmem:$0x10800] =	vst v63  }
0x64: {  	_ =	swait.ge [sflag:s9], $0x8000  }
0x65: {  	[sflag:s9] =	ssyncset.done $0x0  }
0x66: {  	[sflag:s9] =	ssyncadd.s32 $0xFFFF8000  }
0x67: {  	[hbm4b:s15+s2] =	stream.linear.scatter [tilespmem:s7], [sflag:$0x3], $0x8000, $0x38;
	[tilespmem:$0x10800] =	vst v63  }
0x68: {  	_ =	swait.ge [sflag:s3], $0x8000  }
0x69: {  	[sflag:s3] =	ssyncset.done $0x0  }
0x6a: {  	[sflag:s3] =	ssyncadd.s32 $0xFFFF8000  }
0x6b: {  	[tilespmem:s7], [sflag:$0x1] =	stream.indirect.gather [hbm4b:s5+s6], $0x80, s16, s6, $0xb8;
	[tilespmem:$0x10800] =	vst v63  }
0x6c: {  	_ =	swait.ge [sflag:s12], $0x8000  }
0x6d: {  	[sflag:s12] =	ssyncset.done $0x0  }
0x6e: {  	[sflag:s12] =	ssyncadd.s32 $0xFFFF8000  }
0x6f: {  	[hbm4b:s17+s2] =	stream.linear.scatter [tilespmem:s8], [sflag:$0x3], $0x8000, $0x38;
	[tilespmem:$0x10800] =	vst v63  }
0x70: {  	_ =	swait.ge [sflag:s3], $0x8000  }
0x71: {  	[sflag:s3] =	ssyncset.done $0x0  }
0x72: {  	[sflag:s3] =	ssyncadd.s32 $0xFFFF8000  }
0x73: {  	[tilespmem:s8], [sflag:$0x2] =	stream.indirect.gather [hbm4b:s5+s6], $0x80, s18, s6, $0xb8;
	[tilespmem:$0x10800] =	vst v63  }
0x74: {  	_ =	swait.ge [sflag:s9], $0x8000  }
0x75: {  	[sflag:s9] =	ssyncset.done $0x0  }
0x76: {  	[sflag:s9] =	ssyncadd.s32 $0xFFFF8000  }
0x77: {  	[hbm4b:s19+s2] =	stream.linear.scatter [tilespmem:s7], [sflag:$0x3], $0x8000, $0x38;
	[tilespmem:$0x10800] =	vst v63  }
0x78: {  	_ =	swait.ge [sflag:s3], $0x8000  }
0x79: {  	[sflag:s3] =	ssyncset.done $0x0  }
0x7a: {  	[sflag:s3] =	ssyncadd.s32 $0xFFFF8000  }
0x7b: {  	[tilespmem:s7], [sflag:$0x1] =	stream.indirect.gather [hbm4b:s5+s6], $0x80, s20, s6, $0xb8;
	[tilespmem:$0x10800] =	vst v63  }
0x7c: {  	_ =	swait.ge [sflag:s12], $0x8000  }
0x7d: {  	[sflag:s12] =	ssyncset.done $0x0  }
0x7e: {  	[sflag:s12] =	ssyncadd.s32 $0xFFFF8000  }
0x7f: {  	[hbm4b:s21+s2] =	stream.linear.scatter [tilespmem:s8], [sflag:$0x3], $0x8000, $0x38;
	[tilespmem:$0x10800] =	vst v63  }
0x80: {  	_ =	swait.ge [sflag:s3], $0x8000  }
0x81: {  	[sflag:s3] =	ssyncset.done $0x0  }
0x82: {  	[sflag:s3] =	ssyncadd.s32 $0xFFFF8000  }
0x83: {  	[tilespmem:s8], [sflag:$0x2] =	stream.indirect.gather [hbm4b:s5+s6], $0x80, s22, s6, $0xb8;
	[tilespmem:$0x10800] =	vst v63  }
0x84: {  	_ =	swait.ge [sflag:s9], $0x8000  }
0x85: {  	[sflag:s9] =	ssyncset.done $0x0  }
0x86: {  	[sflag:s9] =	ssyncadd.s32 $0xFFFF8000  }
0x87: {  	[hbm4b:s23+s2] =	stream.linear.scatter [tilespmem:s7], [sflag:$0x3], $0x8000, $0x38;
	[tilespmem:$0x10800] =	vst v63  }
0x88: {  	_ =	swait.ge [sflag:s3], $0x8000  }
0x89: {  	[sflag:s3] =	ssyncset.done $0x0  }
0x8a: {  	[sflag:s3] =	ssyncadd.s32 $0xFFFF8000  }
0x8b: {  	_ =	swait.ge [sflag:s12], $0x8000  }
.Ltmp1:
0x8c: {  	[sflag:s12] =	ssyncset.done $0x0;
	(pc) =	sbr.rel @p0 .LBB2_1-.Ltmp1, $4  }
0x8d: {  	[sflag:s12] =	ssyncadd.s32 $0xFFFF8000  }
0x8e: {  	[hbm4b:s24+s2] =	stream.linear.scatter [tilespmem:s8], [sflag:$0x3], $0x8000, $0x38;
	[tilespmem:$0x10800] =	vst v63  }
0x8f: {  	_ =	swait.ge [sflag:s3], $0x8000  }
0x90: {  	[sflag:s3] =	ssyncset.done $0x0  }
.LBB2_2:
0x91: {  	[sflag:s3] =	ssyncadd.s32 $0xFFFF8000  }
0x92: {  	_ =	sfence.sel $0x180000  }
0x93: {  	[bflag:$0x0] =	sbarrier.arrive $0xFFFF  }
0x94: {  	p0 =	sne.s32 s0, $0x0;
	_ =	strace $0x9000004A  }
0x95: {  	s0 =	sadd.s32 @!p0 $0x100000, s1;
	[bflag:$0x2] =	sbarrier.arrive $0xFFFF  }
0x96: {  	[sflag:s0] =	ssyncadd.tile.s32 @!p0 $0x1;
	_ =	shalt  }
.Lfunc_end2:
_tile_overlayer_lowered:
.L_overlay_start_2:
0x97: {  	(tag) =	ssettag $0x2  }
0x98: {  	s0 =	rddreg [dreg:$0x0];
	s2 =	stileid.u32  }
0x99: {  	s1 =	rddreg [dreg:$0x1];
	p0 =	sne.s32 s2, $0x0  }
0x9a: {  	s3 =	rddreg [dreg:$0x2];
	[bflag:$0x3] =	sbarrier.arrive $0xFFFF;
	s2 =	simm.s32 @!p0 $0x1C03  }
0x9b: {  	[timem:s3], [sflag:s2] =	dma.local @!p0 [hbm:s0], s1  }
0x9c: {  	s0 =	simm.s32 @!p0 $0x3  }
0x9d: {  	_ =	swait.ge @!p0 [sflag:s0], s1  }
0x9e: {  	s1 =	ssub.s32 @!p0 $0x0, s1;
	[sflag:s0] =	ssyncset.done @!p0 $0x0  }
0x9f: {  	[sflag:s0] =	ssyncadd.s32 @!p0 s1  }
0xa0: {  	[bflag:$0x3] =	sbarrier.arrive $0xFFFF  }
0xa1: {  	_ =	shalt  }

// kernel: kernel.9.cloned.1.call-start
scs
__scs_entry_jumppad:
0x0: {  	(pc) =	sbr.rel $0x88, $3  }
0x1: {  	(tag) =	ssettag $0x0;
	lr =	simm.s32 $0x1  }
0x2: {  	[smem:$0x3F86] =	sst lr;
	_ =	strace $0xD0000000  }
0x3: {  	_ = 	snop  }
0x4: {  	_ = 	snop  }
0x5: {  	_ = 	snop  }
0x6: {  	_ = 	snop  }
0x7: {  	_ = 	snop  }
__scs_overlays_trampoline_lowered:
0x8: {  	[smem:$0x3F95] =	sst s0  }
0x9: {  	[smem:$0x3F96] =	sst s1  }
0xa: {  	[smem:$0x3F97] =	sst s2  }
0xb: {  	[smem:$0x3F98] =	sst s3  }
0xc: {  	[smem:$0x3F99] =	sst s4  }
0xd: {  	[smem:$0x3F9A] =	sst s5  }
0xe: {  	[smem:$0x3F9B] =	sst s6  }
0xf: {  	[smem:$0x3F9C] =	sst s7  }
0x10: {  	[smem:$0x3F9D] =	sst s8  }
0x11: {  	[smem:$0x3F9E] =	sst s9;
	s0 =	simm.s32 @!p0 $0x0  }
0x12: {  	s1 =	sld [smem:$0x3F84];
	s0 =	simm.s32 @p0 $0x1  }
0x13: {  	[smem:$0x3F9F] =	sst s0;
	s0 =	simm.s32 @!p1 $0x0  }
0x14: {  	s2 =	sld [smem:$0x3F83];
	s0 =	simm.s32 @p1 $0x1  }
0x15: {  	[smem:$0x3FA0] =	sst s0;
	s0 =	simm.s32 @!p2 $0x0  }
0x16: {  	s3 =	sld [smem:$0x3FDB];
	s0 =	simm.s32 @p2 $0x1  }
0x17: {  	s4 =	simm.s32 $0x1BF5;
	[smem:$0x3FA2] =	sst s0  }
0x18: {  	s0 =	sld [smem:$0x3F85];
	_ =	swait.ge [sflag:s4], $0x0  }
0x19: {  	s7 =	sld [smem:$0x3F86]  }
0x1a: {  	s8 =	sadd.s32 $0xFFFFE003, lr  }
0x1b: {  	s9 =	sadd.s32 $0xFFFFFEF7, lr;
	s5 =	simm.s32 $0xFFFFFFFF;
	p2 =	slt.u32 s8, $0xFFFFF086  }
0x1c: {  	p1 =	slt.u32 s9, $0xF7A;
	s5 =	simm.s32 @!p2 $0x0  }
0x1d: {  	s5 =	simm.s32 @p1 $0x1;
	p0 =	seq.s32 s7, s2  }
0x1e: {  	s7 =	smul.u32 @!p0 $0xF7A, s2;
	p2 =	seq.s32 @!p0 s5, $0x0  }
0x1f: {  	s9 =	smul.u32 $0xF7A, s1;
	s8 =	simm.s32 @!p0 $0x1BF5;
	p2 =	por !p2, p0  }
0x20: {  	[sflag:s8] =	ssyncset.s32 @!p0 $0xFFFFF086;
	s6 =	sadd.s32 @!p0 s3, s7;
	s7 =	simm.s32 @!p0 $0x108  }
0x21: {  	s3 =	sadd.s32 s3, s9;
	s6 =	sadd.s32 @!p0 $0x88, s6;
	s7 =	simm.s32 @p2 $0x1082  }
0x22: {  	[simem:s7], [sflag:s8] =	dma.local @!p0 [hbm:s6], $0xF7A  }
0x23: {  	s9 =	sor.u32 $0xD0000000, s2;
	s6 =	simm.s32 $0x108;
	_ =	swait.ge @!p0 [sflag:s8], $0x0  }
0x24: {  	s3 =	sadd.s32 $0x88, s3;
	s6 =	simm.s32 @!p1 $0x1082;
	[sflag:s4] =	ssyncset.s32 $0xFFFFF086  }
0x25: {  	[simem:s6], [sflag:s4] =	dma.local [hbm:s3], $0xF7A  }
0x26: {  	[smem:$0x3F86] =	sst s1;
	(tag) =	ssettag s2;
	_ =	strace s9  }
0x27: {  	s1 =	sld [smem:$0x3F96]  }
0x28: {  	s2 =	sld [smem:$0x3F97]  }
0x29: {  	s4 =	sld [smem:$0x3F99]  }
0x2a: {  	p0 =	seq.s32 s5, $0x0;
	s5 =	sld [smem:$0x3F9A]  }
0x2b: {  	s6 =	sld [smem:$0x3F9B]  }
0x2c: {  	s7 =	sld [smem:$0x3F9C]  }
0x2d: {  	s3 =	simm.s32 $0x108;
	s8 =	sld [smem:$0x3F9D]  }
0x2e: {  	s3 =	simm.s32 @!p0 $0x1082;
	s9 =	sld [smem:$0x3F9E]  }
0x2f: {  	lr =	sadd.s32 s0, s3;
	s0 =	sld [smem:$0x3F95]  }
0x30: {  	s3 =	sld [smem:$0x3F98]  }
0x31: {  	[smem:$0x3FA1] =	sst s10  }
0x32: {  	s10 =	sld [smem:$0x3F9F];
	_ =	sdelay $0x3  }
0x33: {  	p0 =	seq.s32 s10, $0x1;
	s10 =	sld [smem:$0x3FA1];
	_ =	sdelay $0x3  }
0x34: {  	[smem:$0x3FA1] =	sst s10  }
0x35: {  	s10 =	sld [smem:$0x3FA0];
	_ =	sdelay $0x3  }
0x36: {  	p1 =	seq.s32 s10, $0x1;
	s10 =	sld [smem:$0x3FA1];
	_ =	sdelay $0x3  }
0x37: {  	[smem:$0x3FA1] =	sst s10  }
0x38: {  	s10 =	sld [smem:$0x3FA2]  }
0x39: {  	_ = 	snop;
	(pc) =	sbr.ind lr, $3  }
0x3a: {  	_ = 	snop  }
0x3b: {  	_ = 	snop  }
0x3c: {  	p2 =	seq.s32 s10, $0x1;
	s10 =	sld [smem:$0x3FA1]  }
0x3d: {  	_ =	shalt  }
0x3e: {  	_ =	shalt  }
0x3f: {  	_ =	shalt  }
0x40: {  	_ =	shalt  }
0x41: {  	_ =	shalt  }
0x42: {  	_ =	shalt  }
0x43: {  	_ =	shalt  }
0x44: {  	_ =	shalt  }
0x45: {  	_ =	shalt  }
0x46: {  	_ =	shalt  }
0x47: {  	_ =	shalt  }
0x48: {  	_ =	shalt  }
0x49: {  	_ =	shalt  }
0x4a: {  	_ =	shalt  }
0x4b: {  	_ =	shalt  }
0x4c: {  	_ =	shalt  }
0x4d: {  	_ =	shalt  }
0x4e: {  	_ =	shalt  }
0x4f: {  	_ =	shalt  }
0x50: {  	_ =	shalt  }
0x51: {  	_ =	shalt  }
0x52: {  	_ =	shalt  }
0x53: {  	_ =	shalt  }
0x54: {  	_ =	shalt  }
0x55: {  	_ =	shalt  }
0x56: {  	_ =	shalt  }
0x57: {  	_ =	shalt  }
0x58: {  	_ =	shalt  }
0x59: {  	_ =	shalt  }
0x5a: {  	_ =	shalt  }
0x5b: {  	_ =	shalt  }
0x5c: {  	_ =	shalt  }
0x5d: {  	_ =	shalt  }
0x5e: {  	_ =	shalt  }
0x5f: {  	_ =	shalt  }
0x60: {  	_ =	shalt  }
0x61: {  	_ =	shalt  }
0x62: {  	_ =	shalt  }
0x63: {  	_ =	shalt  }
0x64: {  	_ =	shalt  }
0x65: {  	_ =	shalt  }
0x66: {  	_ =	shalt  }
0x67: {  	_ =	shalt  }
0x68: {  	_ =	shalt  }
0x69: {  	_ =	shalt  }
0x6a: {  	_ =	shalt  }
0x6b: {  	_ =	shalt  }
0x6c: {  	_ =	shalt  }
0x6d: {  	_ =	shalt  }
0x6e: {  	_ =	shalt  }
0x6f: {  	_ =	shalt  }
0x70: {  	_ =	shalt  }
0x71: {  	_ =	shalt  }
0x72: {  	_ =	shalt  }
0x73: {  	_ =	shalt  }
0x74: {  	_ =	shalt  }
0x75: {  	_ =	shalt  }
0x76: {  	_ =	shalt  }
0x77: {  	_ =	shalt  }
0x78: {  	_ =	shalt  }
0x79: {  	_ =	shalt  }
0x7a: {  	_ =	shalt  }
0x7b: {  	_ =	shalt  }
0x7c: {  	_ =	shalt  }
0x7d: {  	_ =	shalt  }
0x7e: {  	_ =	shalt  }
0x7f: {  	_ =	shalt  }
0x80: {  	_ =	shalt  }
0x81: {  	_ =	shalt  }
0x82: {  	_ =	shalt  }
0x83: {  	_ =	shalt  }
0x84: {  	_ =	shalt  }
0x85: {  	_ =	shalt  }
0x86: {  	_ =	shalt  }
0x87: {  	_ =	shalt  }
.Lfunc_end0:
.L_simem_size_0:
called_computation_lowered:
.L_overlay_start_0:
0x88: {  	s2 =	sld [smem:$0x3FD9]  }
0x89: {  	s3 =	sld [smem:$0x3FFE];
	_ =	sdelay $0x1  }
0x8a: {  	s1 =	srdreg.scid  }
0x8b: {  	s0 =	sand.u32 $0x1, s1  }
0x8c: {  	s17 =	sshll.u32 s0, $0xA;
	s2 =	sadd.s32 s3, s2  }
0x8d: {  	s2 =	sadd.s32 s2, s17  }
0x8e: {  	[smem:$0x3FAD] =	sst s2  }
0x8f: {  	_ = 	snop  }
0x90: {  	s2 =	sld [smem:$0x3FD0];
	(tm) =	ssettm $0x1  }
0x91: {  	s18 =	sld [smem:$0x3FFB];
	_ =	sdelay $0x3  }
0x92: {  	_ =	strace s18  }
0x93: {  	s3 =	sld [smem:$0x3FFC];
	_ =	sdelay $0x3  }
0x94: {  	_ =	strace s3  }
0x95: {  	s3 =	sld [smem:$0x3FFD];
	_ =	sdelay $0x3  }
0x96: {  	_ =	strace s3  }
0x97: {  	_ =	strace $0x8FFFFFFF  }
0x98: {  	s19 =	sld [smem:$0x3FDB];
	_ =	sdelay $0x1  }
0x99: {  	s4 =	simm.s32 $_scs_section_size  }
0x9a: {  	s5 =	simm.s32 $_size__tile_overlayer_lowered;
	s6 =	simm.s32 $_tile_overlayer_lowered  }
0x9b: {  	s22 =	simm.s32 $0x1BFF;
	s21 =	sshll.u32 s6, $0x1;
	s3 =	sadd.s32 s4, s19  }
0x9c: {  	s7 =	simm.s32 $0x0;
	s20 =	sshll.u32 s5, $0x1;
	s5 =	sadd.s32 s21, s3  }
0x9d: {  	[timem:s7], [sflag:s22] =	dma.local [hbm:s5], s20  }
0x9e: {  	_ =	swait.ge [sflag:s22], s20  }
0x9f: {  	s4 =	ssub.s32 $0x0, s20;
	[sflag:s22] =	ssyncset.done $0x0  }
0xa0: {  	[sflag:s22] =	ssyncadd.s32 s4;
	_ =	sdelay $0x1  }
0xa1: {  	s23 =	simm.s32 $0x1B8B  }
0xa2: {  	_ =	swait.ge [sflag:s23], $0x1  }
0xa3: {  	[sflag:s23] =	ssyncset.done $0x0  }
0xa4: {  	s25 =	simm.s32 $0x1B8E;
	s24 =	sld [smem:$0x3FFE];
	[sflag:s23] =	ssyncadd.s32 $0xFFFFFFFF  }
0xa5: {  	s26 =	simm.s32 $execute0_lowered;
	[smem:$0x3FD2] =	sst s25  }
0xa6: {  	s5 =	sshll.u32 s26, $0x1;
	_ =	strace $0x80000046;
	[dreg:$0x1] =	wrdreg $0xFFFFFFFF  }
0xa7: {  	s28 =	simm.s32 $_size_execute0_lowered;
	s3 =	sadd.s32 s3, s5;
	[dreg:$0x0] =	wrdreg $0x0  }
0xa8: {  	s5 =	sshll.u32 s28, $0x1;
	[dreg:$0x2] =	wrdreg s3  }
0xa9: {  	[dreg:$0x3] =	wrdreg s5  }
0xaa: {  	[dreg:$0x4] =	wrdreg $0xC0  }
0xab: {  	_ =	task [dreg:s7], $0x5FFFF  }
0xac: {  	[dreg:$0x1] =	wrdreg $0xFFFFFFFF  }
0xad: {  	[dreg:$0x0] =	wrdreg $0x60  }
0xae: {  	[dreg:$0x2] =	wrdreg s24  }
0xaf: {  	[dreg:$0x3] =	wrdreg s2  }
0xb0: {  	[dreg:$0x4] =	wrdreg $0x9  }
0xb1: {  	_ =	task.clear_ibuf [dreg:s7], $0x5FFFF;
	_ =	strace $0x90000046  }
0xb2: {  	s29 =	simm.s32 $0x9;
	_ =	strace $0x80000048  }
0xb3: {  	_ =	swait.ge [sflag:s29], $0x1  }
0xb4: {  	[sflag:s29] =	ssyncadd.s32 $0xFFFFFFFF  }
0xb5: {  	_ =	strace $0x90000048  }
0xb6: {  	_ =	sfence  }
0xb7: {  	s30 =	sld [smem:$0x0];
	_ =	sdelay $0x2  }
0xb8: {  	s31 =	sshll.u32 s1, $0xD;
	s1 =	sshrl.u32 s1, $0x2  }
0xb9: {  	s3 =	sand.u32 $0x4000, s31;
	s1 =	sadd.s32 s1, s30  }
0xba: {  	s0 =	sor.u32 s3, s0;
	s1 =	sshll.u32 s1, $0x11  }
0xbb: {  	s0 =	sor.u32 s1, s0  }
0xbc: {  	s0 =	sadd.s32 $0x8F2B, s0  }
0xbd: {  	[sflag:s0] =	ssyncadd.remote.s32 $0x1  }
0xbe: {  	_ =	sfence.sel $0xFFFF  }
0xbf: {  	[dreg:$0x0] =	wrdreg $0xFFFFFFFF;
	(pc) =	sbr.abs _section_cstart, $3  }
0xc0: {  	[dreg:$0x1] =	wrdreg $0xFFFFFFFF  }
0xc1: {  	_ =	task.clear_ibuf [dreg:s7], $0x2FFFF;
	_ =	strace $0x9FFFFFFF  }
0xc2: {  	(tm) =	ssettm $0x7FFFFFFF  }
0xc3: {  	_ =	shalt  }
tec
execute0_lowered:
.L_overlay_start_1:
0x0: {  	(tag) =	ssettag $0x1  }
0x1: {  	s1 =	srdreg.scid  }
0x2: {  	s10 =	rddreg [dreg:$0x0];
	s0 =	stileid.u32;
	s24 =	sand.u32 $0x1, s1  }
0x3: {  	s3 =	rddreg [dreg:$0x1];
	s4 =	sshll.u32 s0, $0xC;
	s5 =	sshll.u32 s24, $0xB  }
0x4: {  	s2 =	simm.s32 $0x0;
	s1 =	rddreg [dreg:$0x2];
	s11 =	sor.u32 s5, s4  }
0x5: {  	[smem:$0x7FF] =	sst s2;
	s4 =	sshrl.u32 s11, $0x3  }
0x6: {  	_ =	strace $0x80000047;
	s4 =	sadd.s32 s3, s4;
	s3 =	simm.s32 $0x3  }
0x7: {  	[tilespmem:s2], [sflag:$0x3] =	stream.linear.gather [hbm4b:s4+s2], $0x800, $0x38;
	[tilespmem:$0x10800] =	vst v63  }
0x8: {  	_ =	swait.ge [sflag:s3], $0x800  }
0x9: {  	s6 =	simm.s32 $0x100;
	[sflag:s3] =	ssyncset.done $0x0  }
0xa: {  	s7 =	simm.s32 $0x800;
	s5 =	sadd.s32 $0x3600, s10;
	[sflag:s3] =	ssyncadd.s32 $0xFFFFF800  }
0xb: {  	[tilespmem:s7], [sflag:$0x1] =	stream.indirect.gather [hbm4b:s5+s6], $0x80, s2, s6, $0xb8;
	[tilespmem:$0x10800] =	vst v63  }
0xc: {  	s8 =	simm.s32 $0x8800;
	s9 =	simm.s32 $0x1  }
0xd: {  	[tilespmem:s8], [sflag:$0x2] =	stream.indirect.gather [hbm4b:s5+s6], $0x80, s6, s6, $0xb8;
	[tilespmem:$0x10800] =	vst v63  }
0xe: {  	s11 =	sshll.u32 s11, $0x4;
	_ =	swait.ge [sflag:s9], $0x8000  }
0xf: {  	s25 =	sadd.s32 s11, s10;
	[sflag:s9] =	ssyncset.done $0x0  }
0x10: {  	s10 =	sadd.s32 $0x23600, s25;
	[sflag:s9] =	ssyncadd.s32 $0xFFFF8000  }
0x11: {  	[hbm4b:s10+s2] =	stream.linear.scatter [tilespmem:s7], [sflag:$0x3], $0x8000, $0x38;
	[tilespmem:$0x10800] =	vst v63  }
0x12: {  	_ =	swait.ge [sflag:s3], $0x8000  }
0x13: {  	[sflag:s3] =	ssyncset.done $0x0  }
0x14: {  	s12 =	simm.s32 $0x2;
	s11 =	simm.s32 $0x200;
	[sflag:s3] =	ssyncadd.s32 $0xFFFF8000  }
0x15: {  	[tilespmem:s7], [sflag:$0x1] =	stream.indirect.gather [hbm4b:s5+s6], $0x80, s11, s6, $0xb8;
	[tilespmem:$0x10800] =	vst v63  }
0x16: {  	_ =	swait.ge [sflag:s12], $0x8000  }
0x17: {  	[sflag:s12] =	ssyncset.done $0x0  }
0x18: {  	s13 =	sadd.s32 $0x24600, s25;
	[sflag:s12] =	ssyncadd.s32 $0xFFFF8000  }
0x19: {  	[hbm4b:s13+s2] =	stream.linear.scatter [tilespmem:s8], [sflag:$0x3], $0x8000, $0x38;
	[tilespmem:$0x10800] =	vst v63  }
0x1a: {  	_ =	swait.ge [sflag:s3], $0x8000  }
0x1b: {  	[sflag:s3] =	ssyncset.done $0x0  }
0x1c: {  	s14 =	simm.s32 $0x300;
	[sflag:s3] =	ssyncadd.s32 $0xFFFF8000  }
0x1d: {  	[tilespmem:s8], [sflag:$0x2] =	stream.indirect.gather [hbm4b:s5+s6], $0x80, s14, s6, $0xb8;
	[tilespmem:$0x10800] =	vst v63  }
0x1e: {  	_ =	swait.ge [sflag:s9], $0x8000  }
0x1f: {  	[sflag:s9] =	ssyncset.done $0x0  }
0x20: {  	s15 =	sadd.s32 $0x25600, s25;
	[sflag:s9] =	ssyncadd.s32 $0xFFFF8000  }
0x21: {  	[hbm4b:s15+s2] =	stream.linear.scatter [tilespmem:s7], [sflag:$0x3], $0x8000, $0x38;
	[tilespmem:$0x10800] =	vst v63  }
0x22: {  	_ =	swait.ge [sflag:s3], $0x8000  }
0x23: {  	[sflag:s3] =	ssyncset.done $0x0  }
0x24: {  	s16 =	simm.s32 $0x400;
	[sflag:s3] =	ssyncadd.s32 $0xFFFF8000  }
0x25: {  	[tilespmem:s7], [sflag:$0x1] =	stream.indirect.gather [hbm4b:s5+s6], $0x80, s16, s6, $0xb8;
	[tilespmem:$0x10800] =	vst v63  }
0x26: {  	_ =	swait.ge [sflag:s12], $0x8000  }
0x27: {  	[sflag:s12] =	ssyncset.done $0x0  }
0x28: {  	s17 =	sadd.s32 $0x26600, s25;
	[sflag:s12] =	ssyncadd.s32 $0xFFFF8000  }
0x29: {  	[hbm4b:s17+s2] =	stream.linear.scatter [tilespmem:s8], [sflag:$0x3], $0x8000, $0x38;
	[tilespmem:$0x10800] =	vst v63  }
0x2a: {  	_ =	swait.ge [sflag:s3], $0x8000  }
0x2b: {  	[sflag:s3] =	ssyncset.done $0x0  }
0x2c: {  	s18 =	simm.s32 $0x500;
	[sflag:s3] =	ssyncadd.s32 $0xFFFF8000  }
0x2d: {  	[tilespmem:s8], [sflag:$0x2] =	stream.indirect.gather [hbm4b:s5+s6], $0x80, s18, s6, $0xb8;
	[tilespmem:$0x10800] =	vst v63  }
0x2e: {  	_ =	swait.ge [sflag:s9], $0x8000  }
0x2f: {  	[sflag:s9] =	ssyncset.done $0x0  }
0x30: {  	s19 =	sadd.s32 $0x27600, s25;
	[sflag:s9] =	ssyncadd.s32 $0xFFFF8000  }
0x31: {  	[hbm4b:s19+s2] =	stream.linear.scatter [tilespmem:s7], [sflag:$0x3], $0x8000, $0x38;
	[tilespmem:$0x10800] =	vst v63  }
0x32: {  	_ =	swait.ge [sflag:s3], $0x8000  }
0x33: {  	[sflag:s3] =	ssyncset.done $0x0  }
0x34: {  	s20 =	simm.s32 $0x600;
	[sflag:s3] =	ssyncadd.s32 $0xFFFF8000  }
0x35: {  	[tilespmem:s7], [sflag:$0x1] =	stream.indirect.gather [hbm4b:s5+s6], $0x80, s20, s6, $0xb8;
	[tilespmem:$0x10800] =	vst v63  }
0x36: {  	_ =	swait.ge [sflag:s12], $0x8000  }
0x37: {  	[sflag:s12] =	ssyncset.done $0x0  }
0x38: {  	s21 =	sadd.s32 $0x28600, s25;
	[sflag:s12] =	ssyncadd.s32 $0xFFFF8000  }
0x39: {  	[hbm4b:s21+s2] =	stream.linear.scatter [tilespmem:s8], [sflag:$0x3], $0x8000, $0x38;
	[tilespmem:$0x10800] =	vst v63  }
0x3a: {  	_ =	swait.ge [sflag:s3], $0x8000  }
0x3b: {  	[sflag:s3] =	ssyncset.done $0x0  }
0x3c: {  	s22 =	simm.s32 $0x700;
	[sflag:s3] =	ssyncadd.s32 $0xFFFF8000  }
0x3d: {  	[tilespmem:s8], [sflag:$0x2] =	stream.indirect.gather [hbm4b:s5+s6], $0x80, s22, s6, $0xb8;
	[tilespmem:$0x10800] =	vst v63  }
0x3e: {  	_ =	swait.ge [sflag:s9], $0x8000  }
0x3f: {  	[sflag:s9] =	ssyncset.done $0x0  }
0x40: {  	s24 =	ssub.s32 $0x2, s24;
	s23 =	sadd.s32 $0x29600, s25;
	[sflag:s9] =	ssyncadd.s32 $0xFFFF8000  }
0x41: {  	[hbm4b:s23+s2] =	stream.linear.scatter [tilespmem:s7], [sflag:$0x3], $0x8000, $0x38;
	[tilespmem:$0x10800] =	vst v63  }
0x42: {  	s26 =	sshrl.u32 s24, $0x1;
	_ =	swait.ge [sflag:s3], $0x8000  }
0x43: {  	s26 =	ssub.s32 s24, s26;
	[sflag:s3] =	ssyncset.done $0x0  }
0x44: {  	s31 =	smax.u32 s26, $0x1;
	[sflag:s3] =	ssyncadd.s32 $0xFFFF8000  }
0x45: {  	p0 =	sne.s32 s31, $0x1;
	_ =	swait.ge [sflag:s12], $0x8000  }
.Ltmp0:
0x46: {  	[sflag:s12] =	ssyncset.done $0x0;
	(pc) =	sbr.rel @!p0 .LBB2_2-.Ltmp0, $4  }
0x47: {  	s24 =	sadd.s32 $0x2A600, s25;
	[sflag:s12] =	ssyncadd.s32 $0xFFFF8000  }
0x48: {  	[hbm4b:s24+s2] =	stream.linear.scatter [tilespmem:s8], [sflag:$0x3], $0x8000, $0x38;
	[tilespmem:$0x10800] =	vst v63  }
0x49: {  	_ =	swait.ge [sflag:s3], $0x8000  }
0x4a: {  	s25 =	sadd.s32 $0xFFFFFFFF, s31;
	[sflag:s3] =	ssyncset.done $0x0  }
.LBB2_1:
0x4b: {  	p0 =	sne.s32 s25, $0x1;
	s25 =	sadd.s32 $0xFFFFFFFF, s25;
	[sflag:s3] =	ssyncadd.s32 $0xFFFF8000  }
0x4c: {  	[tilespmem:s2], [sflag:$0x3] =	stream.linear.gather [hbm4b:s4+s2], $0x800, $0x38;
	[tilespmem:$0x10800] =	vst v63  }
0x4d: {  	_ =	swait.ge [sflag:s3], $0x800  }
0x4e: {  	[sflag:s3] =	ssyncset.done $0x0  }
0x4f: {  	[sflag:s3] =	ssyncadd.s32 $0xFFFFF800  }
0x50: {  	[tilespmem:s7], [sflag:$0x1] =	stream.indirect.gather [hbm4b:s5+s6], $0x80, s2, s6, $0xb8;
	[tilespmem:$0x10800] =	vst v63  }
0x51: {  	_ = 	snop  }
0x52: {  	[tilespmem:s8], [sflag:$0x2] =	stream.indirect.gather [hbm4b:s5+s6], $0x80, s6, s6, $0xb8;
	[tilespmem:$0x10800] =	vst v63  }
0x53: {  	_ =	swait.ge [sflag:s9], $0x8000  }
0x54: {  	[sflag:s9] =	ssyncset.done $0x0  }
0x55: {  	[sflag:s9] =	ssyncadd.s32 $0xFFFF8000  }
0x56: {  	[hbm4b:s10+s2] =	stream.linear.scatter [tilespmem:s7], [sflag:$0x3], $0x8000, $0x38;
	[tilespmem:$0x10800] =	vst v63  }
0x57: {  	_ =	swait.ge [sflag:s3], $0x8000  }
0x58: {  	[sflag:s3] =	ssyncset.done $0x0  }
0x59: {  	[sflag:s3] =	ssyncadd.s32 $0xFFFF8000  }
0x5a: {  	[tilespmem:s7], [sflag:$0x1] =	stream.indirect.gather [hbm4b:s5+s6], $0x80, s11, s6, $0xb8;
	[tilespmem:$0x10800] =	vst v63  }
0x5b: {  	_ =	swait.ge [sflag:s12], $0x8000  }
0x5c: {  	[sflag:s12] =	ssyncset.done $0x0  }
0x5d: {  	[sflag:s12] =	ssyncadd.s32 $0xFFFF8000  }
0x5e: {  	[hbm4b:s13+s2] =	stream.linear.scatter [tilespmem:s8], [sflag:$0x3], $0x8000, $0x38;
	[tilespmem:$0x10800] =	vst v63  }
0x5f: {  	_ =	swait.ge [sflag:s3], $0x8000  }
0x60: {  	[sflag:s3] =	ssyncset.done $0x0  }
0x61: {  	[sflag:s3] =	ssyncadd.s32 $0xFFFF8000  }
0x62: {  	[tilespmem:s8], [sflag:$0x2] =	stream.indirect.gather [hbm4b:s5+s6], $0x80, s14, s6, $0xb8;
	[tilespmem:$0x10800] =	vst v63  }
0x63: {  	_ =	swait.ge [sflag:s9], $0x8000  }
0x64: {  	[sflag:s9] =	ssyncset.done $0x0  }
0x65: {  	[sflag:s9] =	ssyncadd.s32 $0xFFFF8000  }
0x66: {  	[hbm4b:s15+s2] =	stream.linear.scatter [tilespmem:s7], [sflag:$0x3], $0x8000, $0x38;
	[tilespmem:$0x10800] =	vst v63  }
0x67: {  	_ =	swait.ge [sflag:s3], $0x8000  }
0x68: {  	[sflag:s3] =	ssyncset.done $0x0  }
0x69: {  	[sflag:s3] =	ssyncadd.s32 $0xFFFF8000  }
0x6a: {  	[tilespmem:s7], [sflag:$0x1] =	stream.indirect.gather [hbm4b:s5+s6], $0x80, s16, s6, $0xb8;
	[tilespmem:$0x10800] =	vst v63  }
0x6b: {  	_ =	swait.ge [sflag:s12], $0x8000  }
0x6c: {  	[sflag:s12] =	ssyncset.done $0x0  }
0x6d: {  	[sflag:s12] =	ssyncadd.s32 $0xFFFF8000  }
0x6e: {  	[hbm4b:s17+s2] =	stream.linear.scatter [tilespmem:s8], [sflag:$0x3], $0x8000, $0x38;
	[tilespmem:$0x10800] =	vst v63  }
0x6f: {  	_ =	swait.ge [sflag:s3], $0x8000  }
0x70: {  	[sflag:s3] =	ssyncset.done $0x0  }
0x71: {  	[sflag:s3] =	ssyncadd.s32 $0xFFFF8000  }
0x72: {  	[tilespmem:s8], [sflag:$0x2] =	stream.indirect.gather [hbm4b:s5+s6], $0x80, s18, s6, $0xb8;
	[tilespmem:$0x10800] =	vst v63  }
0x73: {  	_ =	swait.ge [sflag:s9], $0x8000  }
0x74: {  	[sflag:s9] =	ssyncset.done $0x0  }
0x75: {  	[sflag:s9] =	ssyncadd.s32 $0xFFFF8000  }
0x76: {  	[hbm4b:s19+s2] =	stream.linear.scatter [tilespmem:s7], [sflag:$0x3], $0x8000, $0x38;
	[tilespmem:$0x10800] =	vst v63  }
0x77: {  	_ =	swait.ge [sflag:s3], $0x8000  }
0x78: {  	[sflag:s3] =	ssyncset.done $0x0  }
0x79: {  	[sflag:s3] =	ssyncadd.s32 $0xFFFF8000  }
0x7a: {  	[tilespmem:s7], [sflag:$0x1] =	stream.indirect.gather [hbm4b:s5+s6], $0x80, s20, s6, $0xb8;
	[tilespmem:$0x10800] =	vst v63  }
0x7b: {  	_ =	swait.ge [sflag:s12], $0x8000  }
0x7c: {  	[sflag:s12] =	ssyncset.done $0x0  }
0x7d: {  	[sflag:s12] =	ssyncadd.s32 $0xFFFF8000  }
0x7e: {  	[hbm4b:s21+s2] =	stream.linear.scatter [tilespmem:s8], [sflag:$0x3], $0x8000, $0x38;
	[tilespmem:$0x10800] =	vst v63  }
0x7f: {  	_ =	swait.ge [sflag:s3], $0x8000  }
0x80: {  	[sflag:s3] =	ssyncset.done $0x0  }
0x81: {  	[sflag:s3] =	ssyncadd.s32 $0xFFFF8000  }
0x82: {  	[tilespmem:s8], [sflag:$0x2] =	stream.indirect.gather [hbm4b:s5+s6], $0x80, s22, s6, $0xb8;
	[tilespmem:$0x10800] =	vst v63  }
0x83: {  	_ =	swait.ge [sflag:s9], $0x8000  }
0x84: {  	[sflag:s9] =	ssyncset.done $0x0  }
0x85: {  	[sflag:s9] =	ssyncadd.s32 $0xFFFF8000  }
0x86: {  	[hbm4b:s23+s2] =	stream.linear.scatter [tilespmem:s7], [sflag:$0x3], $0x8000, $0x38;
	[tilespmem:$0x10800] =	vst v63  }
0x87: {  	_ =	swait.ge [sflag:s3], $0x8000  }
0x88: {  	[sflag:s3] =	ssyncset.done $0x0  }
0x89: {  	[sflag:s3] =	ssyncadd.s32 $0xFFFF8000  }
0x8a: {  	_ =	swait.ge [sflag:s12], $0x8000  }
.Ltmp1:
0x8b: {  	[sflag:s12] =	ssyncset.done $0x0;
	(pc) =	sbr.rel @p0 .LBB2_1-.Ltmp1, $4  }
0x8c: {  	[sflag:s12] =	ssyncadd.s32 $0xFFFF8000  }
0x8d: {  	[hbm4b:s24+s2] =	stream.linear.scatter [tilespmem:s8], [sflag:$0x3], $0x8000, $0x38;
	[tilespmem:$0x10800] =	vst v63  }
0x8e: {  	_ =	swait.ge [sflag:s3], $0x8000  }
0x8f: {  	[sflag:s3] =	ssyncset.done $0x0  }
.LBB2_2:
0x90: {  	[sflag:s3] =	ssyncadd.s32 $0xFFFF8000  }
0x91: {  	_ =	sfence.sel $0x180000  }
0x92: {  	[bflag:$0x0] =	sbarrier.arrive $0xFFFF  }
0x93: {  	p0 =	sne.s32 s0, $0x0;
	_ =	strace $0x90000047  }
0x94: {  	s0 =	sadd.s32 @!p0 $0x100000, s1;
	[bflag:$0x2] =	sbarrier.arrive $0xFFFF  }
0x95: {  	[sflag:s0] =	ssyncadd.tile.s32 @!p0 $0x1;
	_ =	shalt  }
.Lfunc_end2:
_tile_overlayer_lowered:
.L_overlay_start_2:
0x96: {  	(tag) =	ssettag $0x2  }
0x97: {  	s0 =	rddreg [dreg:$0x0];
	s2 =	stileid.u32  }
0x98: {  	s1 =	rddreg [dreg:$0x1];
	p0 =	sne.s32 s2, $0x0  }
0x99: {  	s3 =	rddreg [dreg:$0x2];
	[bflag:$0x3] =	sbarrier.arrive $0xFFFF;
	s2 =	simm.s32 @!p0 $0x1C03  }
0x9a: {  	[timem:s3], [sflag:s2] =	dma.local @!p0 [hbm:s0], s1  }
0x9b: {  	s0 =	simm.s32 @!p0 $0x3  }
0x9c: {  	_ =	swait.ge @!p0 [sflag:s0], s1  }
0x9d: {  	s1 =	ssub.s32 @!p0 $0x0, s1;
	[sflag:s0] =	ssyncset.done @!p0 $0x0  }
0x9e: {  	[sflag:s0] =	ssyncadd.s32 @!p0 s1  }
0x9f: {  	[bflag:$0x3] =	sbarrier.arrive $0xFFFF  }
0xa0: {  	_ =	shalt  }

</sc_bundles>
